<compile_context>
chip_gen: v7x
topology: tpu7x:2x2x1
jax: 0.10.2.dev20260603
libtpu: 0.0.44.dev20260713+nightly
codegen_flags: <defaults>
</compile_context>

<pallas_src>
import functools

import numpy as _np

import jax
import jax.numpy as jnp
from jax import lax
from jax.experimental import pallas as pl
from jax.experimental.pallas import tpu as pltpu
from jax.experimental.pallas import tpu_sc as plsc

N = 10000
NP = 10240
E = 320000
CH = 125
CPT = 80
SEG = 2
SCPT = CPT // SEG
RPT = NP // 16
NBUF = 8
NBUF2 = 2

_mesh = plsc.VectorSubcoreMesh(core_axis_name="c", subcore_axis_name="s")


_sc_params = pltpu.CompilerParams(use_tc_tiling_on_sc=False)


def _sc_di_body(xdp, edi, eid, z32, ones32,
                sum_di_out,
                sdi_v, ddi_v, did_v, rows0, rows1, rows2, rows3,
                rows4, rows5, rows6, rows7, ones_v, acc,
                semg0, semg1, semg2, semg3, semg4, semg5, semg6, semg7,
                sems0, sems1, sems2, sems3, sems4, sems5, sems6, sems7):
    rows = (rows0, rows1, rows2, rows3, rows4, rows5, rows6, rows7)
    semg = (semg0, semg1, semg2, semg3, semg4, semg5, semg6, semg7)
    sems = (sems0, sems1, sems2, sems3, sems4, sems5, sems6, sems7)
    cid = lax.axis_index("c")
    tid = lax.axis_index("s")
    r0 = pl.multiple_of(tid * RPT, 8)
    pltpu.sync_copy(z32.at[pl.ds(r0, RPT)], acc.at[pl.ds(r0, RPT)])
    pltpu.sync_copy(ones32, ones_v)
    cb = pl.multiple_of(cid * (16 * CPT) + tid * CPT, 8)
    pltpu.sync_copy(edi.at[0, pl.ds(cb, CPT)], sdi_v)
    pltpu.sync_copy(edi.at[1, pl.ds(cb, CPT)], ddi_v)
    pltpu.sync_copy(eid.at[1, pl.ds(cb, CPT)], did_v)
    for b in range(NBUF - 1):
        pltpu.async_copy(xdp.at[sdi_v.at[b]], rows[b], semg[b])
    plsc.subcore_barrier()

    def body(k, carry):
        for b in range(NBUF):
            j = k * NBUF + b
            bp = (b + NBUF - 1) % NBUF
            pltpu.make_async_copy(xdp.at[sdi_v.at[j]], rows[b],
                                  semg[b]).wait()
            pltpu.async_copy(rows[b], acc.at[ddi_v.at[j]], sems[b], add=True)
            pltpu.async_copy(ones_v, acc.at[did_v.at[j]], sems[b], add=True)

            @pl.when(j >= 1)
            def _():
                pltpu.make_async_copy(rows[bp], acc.at[ddi_v.at[j - 1]],
                                      sems[bp]).wait()
                pltpu.make_async_copy(ones_v, acc.at[did_v.at[j - 1]],
                                      sems[bp]).wait()

            @pl.when(j + NBUF - 1 < CPT)
            def _():
                pltpu.async_copy(xdp.at[sdi_v.at[j + NBUF - 1]], rows[bp],
                                 semg[bp])
        return carry

    lax.fori_loop(0, CPT // NBUF, body, 0)
    bl = (CPT - 1) % NBUF
    pltpu.make_async_copy(rows[bl], acc.at[ddi_v.at[CPT - 1]],
                          sems[bl]).wait()
    pltpu.make_async_copy(ones_v, acc.at[did_v.at[CPT - 1]],
                          sems[bl]).wait()
    plsc.subcore_barrier()
    pltpu.sync_copy(acc.at[pl.ds(r0, RPT)],
                    sum_di_out.at[cid, pl.ds(r0, RPT)])


_sc_di = functools.partial(
    pl.kernel, _sc_di_body, mesh=_mesh,
    compiler_params=_sc_params,
    out_type=jax.ShapeDtypeStruct((2, NP, 32), jnp.float32),
    scratch_types=(
        [pltpu.VMEM((CPT, CH), jnp.int32)] * 3
        + [pltpu.VMEM((CH, 32), jnp.float32)] * (NBUF + 1)
        + [pltpu.VMEM_SHARED((NP, 32), jnp.float32)]
        + [pltpu.SemaphoreType.DMA] * (2 * NBUF)
    ),
)()


def _sc_seg128_body(feat, eid, z128,
                    sum_out,
                    sid_v, did_v, rows0, rows1, acc,
                    semg0, semg1, sems0, sems1):
    rows = (rows0, rows1)
    semg = (semg0, semg1)
    sems = (sems0, sems1)
    cid = lax.axis_index("c")
    tid = lax.axis_index("s")
    r0 = pl.multiple_of(tid * RPT, 8)
    pltpu.sync_copy(z128.at[pl.ds(r0, RPT)], acc.at[pl.ds(r0, RPT)])
    for seg in range(SEG):
        cbs = pl.multiple_of(cid * (16 * CPT) + tid * CPT + seg * SCPT, 8)
        pltpu.sync_copy(eid.at[0, pl.ds(cbs, SCPT)], sid_v)
        pltpu.sync_copy(eid.at[1, pl.ds(cbs, SCPT)], did_v)
        for b in range(NBUF2):
            pltpu.async_copy(feat.at[sid_v.at[b]], rows[b], semg[b])
        if seg == 0:
            plsc.subcore_barrier()

        def body(k, carry):
            for b in range(NBUF2):
                j = k * NBUF2 + b
                pltpu.make_async_copy(feat.at[sid_v.at[j]], rows[b],
                                      semg[b]).wait()
                pltpu.sync_copy(rows[b], acc.at[did_v.at[j]], add=True)

                @pl.when(j + NBUF2 < SCPT)
                def _():
                    pltpu.async_copy(feat.at[sid_v.at[j + NBUF2]], rows[b],
                                     semg[b])
            return carry

        lax.fori_loop(0, SCPT // NBUF2, body, 0)
    plsc.subcore_barrier()
    pltpu.sync_copy(acc.at[pl.ds(r0, RPT)], sum_out.at[cid, pl.ds(r0, RPT)])


_sc_seg128 = functools.partial(
    pl.kernel, _sc_seg128_body, mesh=_mesh,
    compiler_params=_sc_params,
    out_type=jax.ShapeDtypeStruct((2, NP, 128), jnp.float32),
    scratch_types=[
        pltpu.VMEM((SCPT, CH), jnp.int32),
        pltpu.VMEM((SCPT, CH), jnp.int32),
        pltpu.VMEM((CH, 128), jnp.float32),
        pltpu.VMEM((CH, 128), jnp.float32),
        pltpu.VMEM_SHARED((NP, 128), jnp.float32),
        pltpu.SemaphoreType.DMA,
        pltpu.SemaphoreType.DMA,
        pltpu.SemaphoreType.DMA,
        pltpu.SemaphoreType.DMA,
    ],
)()


_BR = 1000


def _leaky(x):
    return jnp.where(x >= 0.0, x, 0.01 * x)


def _tc_mlp_body(xd_ref, w1_ref, b1_ref, w2_ref, b2_ref, out_ref):
    x = xd_ref[...]
    h = jnp.maximum(jnp.dot(x[:, :128], w1_ref[...],
                            preferred_element_type=jnp.float32) + b1_ref[...],
                    0.0)
    mlp = jnp.dot(h, w2_ref[...], preferred_element_type=jnp.float32) + b2_ref[...]
    ones = jnp.ones((_BR, 1), jnp.float32)
    zer = jnp.zeros((_BR, 11), jnp.float32)
    out_ref[...] = jnp.concatenate([mlp, x[:, 128:138], ones, zer], axis=1)


def _tc_l0i_body(sdia_ref, sdib_ref, xi_ref, wldi_ref, bldi_ref, wrdi_ref,
                 xi1_ref):
    sum_di = sdia_ref[0] + sdib_ref[0]
    cnt_di = jnp.maximum(sum_di[:, 20:21], 1.0)
    aggr_i = sum_di[:, :20] / cnt_di
    xi = xi_ref[...]
    xi1 = (jnp.dot(aggr_i, wldi_ref[...], preferred_element_type=jnp.float32)
           + bldi_ref[...]
           + jnp.dot(xi, wrdi_ref[...], preferred_element_type=jnp.float32))
    xi1_ref[...] = _leaky(xi1)


def _tc_l0d_body(sdia_ref, sdib_ref, sida_ref, sidb_ref,
                 xdp_ref, wlid_ref, blid_ref, wrid_ref, xd1_ref):
    sum_di = sdia_ref[0] + sdib_ref[0]
    sum_id = sida_ref[0] + sidb_ref[0]
    cnt_id = jnp.maximum(sum_di[:, 24:25], 1.0)
    aggr_d = sum_id / cnt_id
    xdp = xdp_ref[...]
    xd0 = xdp[:, :20]
    res = xdp[:, 10:20]
    t = (jnp.dot(aggr_d, wlid_ref[...], preferred_element_type=jnp.float32)
         + blid_ref[...]
         + jnp.dot(xd0, wrid_ref[...], preferred_element_type=jnp.float32))
    t = jnp.concatenate([t[:, :118], t[:, 118:] + res], axis=1)
    xd1_ref[...] = _leaky(t)


def _tc_l1_body(suma_ref, sumb_ref, cnta_ref, cntb_ref, xd1_ref,
                wlid_ref, blid_ref, wrid_ref, w0_ref, b0_ref, wf_ref, bf_ref,
                out_ref):
    cnt = jnp.maximum(cnta_ref[0][:, 24:25] + cntb_ref[0][:, 24:25], 1.0)
    aggr = (suma_ref[0] + sumb_ref[0]) / cnt
    xd1 = xd1_ref[...]
    t = (jnp.dot(aggr, wlid_ref[...], preferred_element_type=jnp.float32)
         + blid_ref[...]
         + jnp.dot(xd1, wrid_ref[...], preferred_element_type=jnp.float32))
    t = jnp.concatenate([t[:, :118], t[:, 118:] + xd1[:, 118:]], axis=1)
    xd2 = _leaky(t)
    h = jnp.maximum(jnp.dot(xd2, w0_ref[...],
                            preferred_element_type=jnp.float32) + b0_ref[...],
                    0.0)
    out_ref[...] = jnp.dot(h, wf_ref[...],
                           preferred_element_type=jnp.float32) + bf_ref[...]


def _row_spec(d):
    return pl.BlockSpec((_BR, d), lambda i: (i, 0))


def _part_spec(d, h):
    return pl.BlockSpec((1, _BR, d), lambda i, _h=h: (_h, i, 0))


def _full_spec(shape):
    return pl.BlockSpec(shape, lambda i: (0,) * len(shape))


def kernel(x_drivers, x_items, edge_index_di, edge_index_id, W1, b1, W2, b2,
           Wl0_di, bl0_di, Wr0_di, Wl0_id, bl0_id, Wr0_id, Wl1_di, bl1_di,
           Wr1_di, Wl1_id, bl1_id, Wr1_id, W0, b0, Wf, bf):
    f32 = jnp.float32
    xd_pad = pl.pallas_call(
        _tc_mlp_body,
        grid=(N // _BR,),
        in_specs=[_row_spec(138), _full_spec((128, 20)), _full_spec((1, 20)),
                  _full_spec((20, 10)), _full_spec((1, 10))],
        out_specs=_row_spec(32),
        out_shape=jax.ShapeDtypeStruct((N, 32), f32),
    )(x_drivers, W1, b1.reshape(1, -1), W2, b2.reshape(1, -1))

    edi = edge_index_di.reshape(2, E // CH, CH)
    eid = edge_index_id.reshape(2, E // CH, CH)
    z32 = jnp.asarray(_np.zeros((NP, 32), _np.float32))
    z128 = jnp.asarray(_np.zeros((NP, 128), _np.float32))
    ones32 = jnp.asarray(
        _np.concatenate([_np.zeros((CH, 24), _np.float32),
                         _np.ones((CH, 8), _np.float32)], axis=1))

    sum_di_p = _sc_di(xd_pad, edi, eid, z32, ones32)
    sum_id_p = _sc_seg128(x_items, eid, z128)

    xi1 = pl.pallas_call(
        _tc_l0i_body,
        grid=(N // _BR,),
        in_specs=[_part_spec(32, 0), _part_spec(32, 1),
                  _row_spec(128),
                  _full_spec((20, 128)), _full_spec((1, 128)),
                  _full_spec((128, 128))],
        out_specs=_row_spec(128),
        out_shape=jax.ShapeDtypeStruct((N, 128), f32),
    )(sum_di_p, sum_di_p, x_items, Wl0_di, bl0_di.reshape(1, -1), Wr0_di)

    sum_id1_p = _sc_seg128(xi1, eid, z128)

    xd1 = pl.pallas_call(
        _tc_l0d_body,
        grid=(N // _BR,),
        in_specs=[_part_spec(32, 0), _part_spec(32, 1),
                  _part_spec(128, 0), _part_spec(128, 1),
                  _row_spec(32),
                  _full_spec((128, 128)), _full_spec((1, 128)),
                  _full_spec((20, 128))],
        out_specs=_row_spec(128),
        out_shape=jax.ShapeDtypeStruct((N, 128), f32),
    )(sum_di_p, sum_di_p, sum_id_p, sum_id_p, xd_pad,
      Wl0_id, bl0_id.reshape(1, -1), Wr0_id)

    out = pl.pallas_call(
        _tc_l1_body,
        grid=(N // _BR,),
        in_specs=[_part_spec(128, 0), _part_spec(128, 1),
                  _part_spec(32, 0), _part_spec(32, 1),
                  _row_spec(128),
                  _full_spec((128, 128)), _full_spec((1, 128)),
                  _full_spec((128, 128)), _full_spec((128, 64)),
                  _full_spec((1, 64)), _full_spec((64, 1)),
                  _full_spec((1, 1))],
        out_specs=_row_spec(1),
        out_shape=jax.ShapeDtypeStruct((N, 1), f32),
    )(sum_id1_p, sum_id1_p, sum_di_p, sum_di_p, xd1,
      Wl1_id, bl1_id.reshape(1, -1), Wr1_id, W0, b0.reshape(1, -1),
      Wf, bf.reshape(1, -1))
    return out

# --- scband reference (transcript-rebuilt; emitter-appended) ---
"""Pipeline reference for scband-light-rdl-38706245272171 (READ-ONLY COPY).

The authoritative reference and input builder live on the scoring server;
editing this copy changes nothing except your own understanding.
"""

import jax, jax.numpy as jnp
import numpy as np

N_D = 10000
N_I = 10000
E = 320000
DIM_EMB = 138


def _lin_init(k, fan_in, fan_out):
    return jax.random.uniform(k, (fan_in, fan_out), jnp.float32, -1.0, 1.0) / np.sqrt(fan_in)


def _mean_aggr(src_feat, edge_index, num_dst):
    src = edge_index[0]
    dst = edge_index[1]
    msg = jnp.take(src_feat, src, axis=0)
    s = jax.ops.segment_sum(msg, dst, num_segments=num_dst)
    cnt = jax.ops.segment_sum(jnp.ones((dst.shape[0],), jnp.float32), dst, num_segments=num_dst)
    return s / jnp.maximum(cnt, 1.0)[:, None]


def setup_inputs(seed: int = 0):
    key = jax.random.key(seed)
    ks = jax.random.split(key, 32)
    inp = {}
    inp['x_drivers'] = jax.random.normal(ks[0], (N_D, DIM_EMB), dtype=jnp.float32)
    inp['x_items'] = jax.random.normal(ks[1], (N_I, 128), dtype=jnp.float32)
    inp['edge_index_di'] = jax.random.randint(ks[2], (2, E), 0, N_I, dtype=jnp.int32)
    inp['edge_index_id'] = jax.random.randint(ks[3], (2, E), 0, N_D, dtype=jnp.int32)
    inp['W1'] = _lin_init(ks[4], DIM_EMB - 10, 20)
    inp['b1'] = jnp.zeros((20,), jnp.float32)
    inp['W2'] = _lin_init(ks[5], 20, 10)
    inp['b2'] = jnp.zeros((10,), jnp.float32)
    inp['Wl0_di'] = _lin_init(ks[6], 20, 128)
    inp['bl0_di'] = jnp.zeros((128,), jnp.float32)
    inp['Wr0_di'] = _lin_init(ks[7], 128, 128)
    inp['Wl0_id'] = _lin_init(ks[8], 128, 128)
    inp['bl0_id'] = jnp.zeros((128,), jnp.float32)
    inp['Wr0_id'] = _lin_init(ks[9], 20, 128)
    inp['Wl1_di'] = _lin_init(ks[10], 128, 128)
    inp['bl1_di'] = jnp.zeros((128,), jnp.float32)
    inp['Wr1_di'] = _lin_init(ks[11], 128, 128)
    inp['Wl1_id'] = _lin_init(ks[12], 128, 128)
    inp['bl1_id'] = jnp.zeros((128,), jnp.float32)
    inp['Wr1_id'] = _lin_init(ks[13], 128, 128)
    inp['W0'] = _lin_init(ks[14], 128, 64)
    inp['b0'] = jnp.zeros((64,), jnp.float32)
    inp['Wf'] = _lin_init(ks[15], 64, 1)
    inp['bf'] = jnp.zeros((1,), jnp.float32)
    return inp


def _forward(x_drivers, x_items, W1, b1, W2, b2, Wl0_di, bl0_di, Wr0_di, Wl0_id, bl0_id, Wr0_id, Wl1_di, bl1_di, Wr1_di, Wl1_id, bl1_id, Wr1_id, W0, b0, Wf, bf, edge_index_di, edge_index_id):
    # drivers MLP on first (DIM_EMB-10) features, keep last 10 raw
    first = x_drivers[:, :DIM_EMB - 10]
    rem = x_drivers[:, DIM_EMB - 10:]
    h = jax.nn.relu(first @ W1 + b1)
    mlp_out = h @ W2 + b2
    xd = jnp.concatenate([mlp_out, rem], axis=-1)  # [N_D, 20]
    xi = x_items
    # layer 0 (HeteroConv of SAGEConv per edge type; mean aggr, lin_l(aggr)+lin_r(x_dst))
    res = xd[:, -10:]
    aggr_i = _mean_aggr(xd, edge_index_di, N_I)
    xi_new = aggr_i @ Wl0_di + bl0_di + xi @ Wr0_di
    aggr_d = _mean_aggr(xi, edge_index_id, N_D)
    xd_new = aggr_d @ Wl0_id + bl0_id + xd @ Wr0_id
    xd_new = jnp.concatenate([xd_new[:, :-10], xd_new[:, -10:] + res], axis=-1)
    xd = jax.nn.leaky_relu(xd_new, negative_slope=0.01)
    xi = jax.nn.leaky_relu(xi_new, negative_slope=0.01)
    # dropout: eval mode -> identity
    # layer 1
    res = xd[:, -10:]
    aggr_i = _mean_aggr(xd, edge_index_di, N_I)
    xi_new = aggr_i @ Wl1_di + bl1_di + xi @ Wr1_di
    aggr_d = _mean_aggr(xi, edge_index_id, N_D)
    xd_new = aggr_d @ Wl1_id + bl1_id + xd @ Wr1_id
    xd_new = jnp.concatenate([xd_new[:, :-10], xd_new[:, -10:] + res], axis=-1)
    xd = jax.nn.leaky_relu(xd_new, negative_slope=0.01)
    xi = jax.nn.leaky_relu(xi_new, negative_slope=0.01)
    out = jax.nn.relu(xd @ W0 + b0)
    out = out @ Wf + bf
    return out


def reference(x_drivers, x_items, edge_index_di, edge_index_id, W1, b1, W2, b2, Wl0_di, bl0_di, Wr0_di, Wl0_id, bl0_id, Wr0_id, Wl1_di, bl1_di, Wr1_di, Wl1_id, bl1_id, Wr1_id, W0, b0, Wf, bf):
    return _forward(x_drivers, x_items, W1, b1, W2, b2, Wl0_di, bl0_di, Wr0_di, Wl0_id, bl0_id, Wr0_id, Wl1_di, bl1_di, Wr1_di, Wl1_id, bl1_id, Wr1_id, W0, b0, Wf, bf, edge_index_di, edge_index_id)

if __name__ == "__main__":
    import jax
    _d = setup_inputs()
    print(jax.jit(kernel)(*tuple(_d.values())))

</pallas_src>

<mosaic_0001>
#map = affine_map<(d0, d1) -> (0, 0)>
#map1 = affine_map<(d0, d1) -> (0, 0, 0)>
module attributes {stable_mosaic.version = 14 : i64} {
  func.func @_sc_di_body(%arg0: i32, %arg1: i32, %arg2: memref<10000x32xf32, #tpu.memory_space<hbm>>, %arg3: memref<2x2560x125xi32, #tpu.memory_space<hbm>>, %arg4: memref<2x2560x125xi32, #tpu.memory_space<hbm>>, %arg5: memref<10240x32xf32, #tpu.memory_space<hbm>>, %arg6: memref<125x32xf32, #tpu.memory_space<hbm>>, %arg7: memref<2x10240x32xf32, #tpu.memory_space<hbm>>, %arg8: memref<80x125xi32, #tpu.memory_space<vmem>>, %arg9: memref<80x125xi32, #tpu.memory_space<vmem>>, %arg10: memref<80x125xi32, #tpu.memory_space<vmem>>, %arg11: memref<125x32xf32, #tpu.memory_space<vmem>>, %arg12: memref<125x32xf32, #tpu.memory_space<vmem>>, %arg13: memref<125x32xf32, #tpu.memory_space<vmem>>, %arg14: memref<125x32xf32, #tpu.memory_space<vmem>>, %arg15: memref<125x32xf32, #tpu.memory_space<vmem>>, %arg16: memref<125x32xf32, #tpu.memory_space<vmem>>, %arg17: memref<125x32xf32, #tpu.memory_space<vmem>>, %arg18: memref<125x32xf32, #tpu.memory_space<vmem>>, %arg19: memref<125x32xf32, #tpu.memory_space<vmem>>, %arg20: memref<10240x32xf32, #tpu.memory_space<vmem_shared>>, %arg21: memref<!tpu.dma_semaphore, #tpu.memory_space<semaphore_mem>>, %arg22: memref<!tpu.dma_semaphore, #tpu.memory_space<semaphore_mem>>, %arg23: memref<!tpu.dma_semaphore, #tpu.memory_space<semaphore_mem>>, %arg24: memref<!tpu.dma_semaphore, #tpu.memory_space<semaphore_mem>>, %arg25: memref<!tpu.dma_semaphore, #tpu.memory_space<semaphore_mem>>, %arg26: memref<!tpu.dma_semaphore, #tpu.memory_space<semaphore_mem>>, %arg27: memref<!tpu.dma_semaphore, #tpu.memory_space<semaphore_mem>>, %arg28: memref<!tpu.dma_semaphore, #tpu.memory_space<semaphore_mem>>, %arg29: memref<!tpu.dma_semaphore, #tpu.memory_space<semaphore_mem>>, %arg30: memref<!tpu.dma_semaphore, #tpu.memory_space<semaphore_mem>>, %arg31: memref<!tpu.dma_semaphore, #tpu.memory_space<semaphore_mem>>, %arg32: memref<!tpu.dma_semaphore, #tpu.memory_space<semaphore_mem>>, %arg33: memref<!tpu.dma_semaphore, #tpu.memory_space<semaphore_mem>>, %arg34: memref<!tpu.dma_semaphore, #tpu.memory_space<semaphore_mem>>, %arg35: memref<!tpu.dma_semaphore, #tpu.memory_space<semaphore_mem>>, %arg36: memref<!tpu.dma_semaphore, #tpu.memory_space<semaphore_mem>>) attributes {dimension_semantics = [#tpu.dimension_semantics<core_parallel>, #tpu.dimension_semantics<subcore_parallel>], iteration_bounds = array<i64: 2, 16>, scalar_prefetch = 0 : i64, scratch_operands = 29 : i64, tpu.core_type = #tpu.core_type<sc_vector_subcore>, window_params = [{transform_indices = #map}, {transform_indices = #map1}, {transform_indices = #map1}, {transform_indices = #map}, {transform_indices = #map}, {transform_indices = #map1}]} {
    %mul3A = arith.constant 640 : i32
    %mul3A_0 = arith.muli %arg1, %mul3A : i32
    %multiple_of3A = tpu.assume_multiple %mul3A_0, 8 : i32
    "tpu.region"() ({
      %run_scoped3A_75 = tpu.sem_alloc : memref<!tpu.dma_semaphore, #tpu.memory_space<semaphore_mem>>
      %dma_start3A_76 = arith.constant 0 : i32
      %dma_start3A_77 = tpu.memref_slice %arg20[%multiple_of3A, %dma_start3A_76] : memref<10240x32xf32, #tpu.memory_space<vmem_shared>> -> memref<640x32xf32, #tpu.memory_space<vmem_shared>>
      %dma_start3A_78 = arith.constant 0 : i32
      %dma_start3A_79 = tpu.memref_slice %arg5[%multiple_of3A, %dma_start3A_78] : memref<10240x32xf32, #tpu.memory_space<hbm>> -> memref<640x32xf32, #tpu.memory_space<hbm>>
      tpu.enqueue_dma source(%dma_start3A_79 : memref<640x32xf32, #tpu.memory_space<hbm>>) target(%dma_start3A_77 : memref<640x32xf32, #tpu.memory_space<vmem_shared>>) target_semaphore(%run_scoped3A_75 : memref<!tpu.dma_semaphore, #tpu.memory_space<semaphore_mem>>)
      %dma_wait3A_80 = arith.constant 0 : i32
      %dma_wait3A_81 = tpu.memref_slice %arg20[%multiple_of3A, %dma_wait3A_80] : memref<10240x32xf32, #tpu.memory_space<vmem_shared>> -> memref<640x32xf32, #tpu.memory_space<vmem_shared>>
      %dma_wait3A_82 = arith.constant 0 : i32
      %dma_wait3A_83 = tpu.memref_slice %arg5[%multiple_of3A, %dma_wait3A_82] : memref<10240x32xf32, #tpu.memory_space<hbm>> -> memref<640x32xf32, #tpu.memory_space<hbm>>
      tpu.wait_dma2 semaphore(%run_scoped3A_75 : memref<!tpu.dma_semaphore, #tpu.memory_space<semaphore_mem>>) src(%dma_wait3A_83 : memref<640x32xf32, #tpu.memory_space<hbm>>) dst(%dma_wait3A_81 : memref<640x32xf32, #tpu.memory_space<vmem_shared>>)
      tpu.yield
    }) : () -> ()
    "tpu.region"() ({
      %run_scoped3A_75 = tpu.sem_alloc : memref<!tpu.dma_semaphore, #tpu.memory_space<semaphore_mem>>
      tpu.enqueue_dma source(%arg6 : memref<125x32xf32, #tpu.memory_space<hbm>>) target(%arg19 : memref<125x32xf32, #tpu.memory_space<vmem>>) target_semaphore(%run_scoped3A_75 : memref<!tpu.dma_semaphore, #tpu.memory_space<semaphore_mem>>)
      tpu.wait_dma2 semaphore(%run_scoped3A_75 : memref<!tpu.dma_semaphore, #tpu.memory_space<semaphore_mem>>) src(%arg6 : memref<125x32xf32, #tpu.memory_space<hbm>>) dst(%arg19 : memref<125x32xf32, #tpu.memory_space<vmem>>)
      tpu.yield
    }) : () -> ()
    %mul3A_1 = arith.constant 1280 : i32
    %mul3A_2 = arith.muli %arg0, %mul3A_1 : i32
    %mul3A_3 = arith.constant 80 : i32
    %mul3A_4 = arith.muli %arg1, %mul3A_3 : i32
    %add3A = arith.addi %mul3A_2, %mul3A_4 : i32
    %multiple_of3A_5 = tpu.assume_multiple %add3A, 8 : i32
    %run_scoped3A = arith.constant 0 : i32
    "tpu.region"() ({
      %run_scoped3A_75 = tpu.sem_alloc : memref<!tpu.dma_semaphore, #tpu.memory_space<semaphore_mem>>
      %dma_start3A_76 = arith.constant 0 : i32
      %dma_start3A_77 = tpu.memref_slice %arg3[%run_scoped3A, %multiple_of3A_5, %dma_start3A_76] : memref<2x2560x125xi32, #tpu.memory_space<hbm>> -> memref<1x80x125xi32, #tpu.memory_space<hbm>>
      %dma_start3A_78 = tpu.memref_squeeze %dma_start3A_77 : memref<1x80x125xi32, #tpu.memory_space<hbm>> -> memref<80x125xi32, #tpu.memory_space<hbm>>
      %dma_start3A_79 = arith.constant 0 : i32
      %dma_start3A_80 = tpu.memref_slice %arg3[%run_scoped3A, %multiple_of3A_5, %dma_start3A_79] : memref<2x2560x125xi32, #tpu.memory_space<hbm>> -> memref<1x80x125xi32, #tpu.memory_space<hbm>>
      %dma_start3A_81 = tpu.memref_squeeze %dma_start3A_80 : memref<1x80x125xi32, #tpu.memory_space<hbm>> -> memref<80x125xi32, #tpu.memory_space<hbm>>
      tpu.enqueue_dma source(%dma_start3A_81 : memref<80x125xi32, #tpu.memory_space<hbm>>) target(%arg8 : memref<80x125xi32, #tpu.memory_space<vmem>>) target_semaphore(%run_scoped3A_75 : memref<!tpu.dma_semaphore, #tpu.memory_space<semaphore_mem>>)
      %dma_wait3A_82 = arith.constant 0 : i32
      %dma_wait3A_83 = tpu.memref_slice %arg3[%run_scoped3A, %multiple_of3A_5, %dma_wait3A_82] : memref<2x2560x125xi32, #tpu.memory_space<hbm>> -> memref<1x80x125xi32, #tpu.memory_space<hbm>>
      %dma_wait3A_84 = tpu.memref_squeeze %dma_wait3A_83 : memref<1x80x125xi32, #tpu.memory_space<hbm>> -> memref<80x125xi32, #tpu.memory_space<hbm>>
      %dma_wait3A_85 = arith.constant 0 : i32
      %dma_wait3A_86 = tpu.memref_slice %arg3[%run_scoped3A, %multiple_of3A_5, %dma_wait3A_85] : memref<2x2560x125xi32, #tpu.memory_space<hbm>> -> memref<1x80x125xi32, #tpu.memory_space<hbm>>
      %dma_wait3A_87 = tpu.memref_squeeze %dma_wait3A_86 : memref<1x80x125xi32, #tpu.memory_space<hbm>> -> memref<80x125xi32, #tpu.memory_space<hbm>>
      tpu.wait_dma2 semaphore(%run_scoped3A_75 : memref<!tpu.dma_semaphore, #tpu.memory_space<semaphore_mem>>) src(%dma_wait3A_87 : memref<80x125xi32, #tpu.memory_space<hbm>>) dst(%arg8 : memref<80x125xi32, #tpu.memory_space<vmem>>)
      tpu.yield
    }) : () -> ()
    %run_scoped3A_6 = arith.constant 1 : i32
    "tpu.region"() ({
      %run_scoped3A_75 = tpu.sem_alloc : memref<!tpu.dma_semaphore, #tpu.memory_space<semaphore_mem>>
      %dma_start3A_76 = arith.constant 0 : i32
      %dma_start3A_77 = tpu.memref_slice %arg3[%run_scoped3A_6, %multiple_of3A_5, %dma_start3A_76] : memref<2x2560x125xi32, #tpu.memory_space<hbm>> -> memref<1x80x125xi32, #tpu.memory_space<hbm>>
      %dma_start3A_78 = tpu.memref_squeeze %dma_start3A_77 : memref<1x80x125xi32, #tpu.memory_space<hbm>> -> memref<80x125xi32, #tpu.memory_space<hbm>>
      %dma_start3A_79 = arith.constant 0 : i32
      %dma_start3A_80 = tpu.memref_slice %arg3[%run_scoped3A_6, %multiple_of3A_5, %dma_start3A_79] : memref<2x2560x125xi32, #tpu.memory_space<hbm>> -> memref<1x80x125xi32, #tpu.memory_space<hbm>>
      %dma_start3A_81 = tpu.memref_squeeze %dma_start3A_80 : memref<1x80x125xi32, #tpu.memory_space<hbm>> -> memref<80x125xi32, #tpu.memory_space<hbm>>
      tpu.enqueue_dma source(%dma_start3A_81 : memref<80x125xi32, #tpu.memory_space<hbm>>) target(%arg9 : memref<80x125xi32, #tpu.memory_space<vmem>>) target_semaphore(%run_scoped3A_75 : memref<!tpu.dma_semaphore, #tpu.memory_space<semaphore_mem>>)
      %dma_wait3A_82 = arith.constant 0 : i32
      %dma_wait3A_83 = tpu.memref_slice %arg3[%run_scoped3A_6, %multiple_of3A_5, %dma_wait3A_82] : memref<2x2560x125xi32, #tpu.memory_space<hbm>> -> memref<1x80x125xi32, #tpu.memory_space<hbm>>
      %dma_wait3A_84 = tpu.memref_squeeze %dma_wait3A_83 : memref<1x80x125xi32, #tpu.memory_space<hbm>> -> memref<80x125xi32, #tpu.memory_space<hbm>>
      %dma_wait3A_85 = arith.constant 0 : i32
      %dma_wait3A_86 = tpu.memref_slice %arg3[%run_scoped3A_6, %multiple_of3A_5, %dma_wait3A_85] : memref<2x2560x125xi32, #tpu.memory_space<hbm>> -> memref<1x80x125xi32, #tpu.memory_space<hbm>>
      %dma_wait3A_87 = tpu.memref_squeeze %dma_wait3A_86 : memref<1x80x125xi32, #tpu.memory_space<hbm>> -> memref<80x125xi32, #tpu.memory_space<hbm>>
      tpu.wait_dma2 semaphore(%run_scoped3A_75 : memref<!tpu.dma_semaphore, #tpu.memory_space<semaphore_mem>>) src(%dma_wait3A_87 : memref<80x125xi32, #tpu.memory_space<hbm>>) dst(%arg9 : memref<80x125xi32, #tpu.memory_space<vmem>>)
      tpu.yield
    }) : () -> ()
    %run_scoped3A_7 = arith.constant 1 : i32
    "tpu.region"() ({
      %run_scoped3A_75 = tpu.sem_alloc : memref<!tpu.dma_semaphore, #tpu.memory_space<semaphore_mem>>
      %dma_start3A_76 = arith.constant 0 : i32
      %dma_start3A_77 = tpu.memref_slice %arg4[%run_scoped3A_7, %multiple_of3A_5, %dma_start3A_76] : memref<2x2560x125xi32, #tpu.memory_space<hbm>> -> memref<1x80x125xi32, #tpu.memory_space<hbm>>
      %dma_start3A_78 = tpu.memref_squeeze %dma_start3A_77 : memref<1x80x125xi32, #tpu.memory_space<hbm>> -> memref<80x125xi32, #tpu.memory_space<hbm>>
      %dma_start3A_79 = arith.constant 0 : i32
      %dma_start3A_80 = tpu.memref_slice %arg4[%run_scoped3A_7, %multiple_of3A_5, %dma_start3A_79] : memref<2x2560x125xi32, #tpu.memory_space<hbm>> -> memref<1x80x125xi32, #tpu.memory_space<hbm>>
      %dma_start3A_81 = tpu.memref_squeeze %dma_start3A_80 : memref<1x80x125xi32, #tpu.memory_space<hbm>> -> memref<80x125xi32, #tpu.memory_space<hbm>>
      tpu.enqueue_dma source(%dma_start3A_81 : memref<80x125xi32, #tpu.memory_space<hbm>>) target(%arg10 : memref<80x125xi32, #tpu.memory_space<vmem>>) target_semaphore(%run_scoped3A_75 : memref<!tpu.dma_semaphore, #tpu.memory_space<semaphore_mem>>)
      %dma_wait3A_82 = arith.constant 0 : i32
      %dma_wait3A_83 = tpu.memref_slice %arg4[%run_scoped3A_7, %multiple_of3A_5, %dma_wait3A_82] : memref<2x2560x125xi32, #tpu.memory_space<hbm>> -> memref<1x80x125xi32, #tpu.memory_space<hbm>>
      %dma_wait3A_84 = tpu.memref_squeeze %dma_wait3A_83 : memref<1x80x125xi32, #tpu.memory_space<hbm>> -> memref<80x125xi32, #tpu.memory_space<hbm>>
      %dma_wait3A_85 = arith.constant 0 : i32
      %dma_wait3A_86 = tpu.memref_slice %arg4[%run_scoped3A_7, %multiple_of3A_5, %dma_wait3A_85] : memref<2x2560x125xi32, #tpu.memory_space<hbm>> -> memref<1x80x125xi32, #tpu.memory_space<hbm>>
      %dma_wait3A_87 = tpu.memref_squeeze %dma_wait3A_86 : memref<1x80x125xi32, #tpu.memory_space<hbm>> -> memref<80x125xi32, #tpu.memory_space<hbm>>
      tpu.wait_dma2 semaphore(%run_scoped3A_75 : memref<!tpu.dma_semaphore, #tpu.memory_space<semaphore_mem>>) src(%dma_wait3A_87 : memref<80x125xi32, #tpu.memory_space<hbm>>) dst(%arg10 : memref<80x125xi32, #tpu.memory_space<vmem>>)
      tpu.yield
    }) : () -> ()
    %dma_start3A = arith.constant 0 : i32
    %dma_start3A_8 = arith.constant 0 : i32
    %dma_start3A_9 = tpu.memref_slice %arg8[%dma_start3A, %dma_start3A_8] : memref<80x125xi32, #tpu.memory_space<vmem>> -> memref<1x125xi32, #tpu.memory_space<vmem>>
    %dma_start3A_10 = tpu.memref_squeeze %dma_start3A_9 : memref<1x125xi32, #tpu.memory_space<vmem>> -> memref<125xi32, #tpu.memory_space<vmem>>
    %dma_start3A_11 = arith.constant 0 : i32
    %dma_start3A_12 = arith.constant 0 : i32
    %dma_start3A_13 = tpu.memref_slice %arg2[%dma_start3A_11, %dma_start3A_12] : memref<10000x32xf32, #tpu.memory_space<hbm>> -> memref<10000x32xf32, #tpu.memory_space<hbm>>
    tpu.enqueue_indirect_dma source(%dma_start3A_13 : memref<10000x32xf32, #tpu.memory_space<hbm>>) target(%arg11 : memref<125x32xf32, #tpu.memory_space<vmem>>) offsets(%dma_start3A_10 : memref<125xi32, #tpu.memory_space<vmem>>) semaphore(%arg21 : memref<!tpu.dma_semaphore, #tpu.memory_space<semaphore_mem>>)
    %dma_start3A_14 = arith.constant 1 : i32
    %dma_start3A_15 = arith.constant 0 : i32
    %dma_start3A_16 = tpu.memref_slice %arg8[%dma_start3A_14, %dma_start3A_15] : memref<80x125xi32, #tpu.memory_space<vmem>> -> memref<1x125xi32, #tpu.memory_space<vmem>>
    %dma_start3A_17 = tpu.memref_squeeze %dma_start3A_16 : memref<1x125xi32, #tpu.memory_space<vmem>> -> memref<125xi32, #tpu.memory_space<vmem>>
    %dma_start3A_18 = arith.constant 0 : i32
    %dma_start3A_19 = arith.constant 0 : i32
    %dma_start3A_20 = tpu.memref_slice %arg2[%dma_start3A_18, %dma_start3A_19] : memref<10000x32xf32, #tpu.memory_space<hbm>> -> memref<10000x32xf32, #tpu.memory_space<hbm>>
    tpu.enqueue_indirect_dma source(%dma_start3A_20 : memref<10000x32xf32, #tpu.memory_space<hbm>>) target(%arg12 : memref<125x32xf32, #tpu.memory_space<vmem>>) offsets(%dma_start3A_17 : memref<125xi32, #tpu.memory_space<vmem>>) semaphore(%arg22 : memref<!tpu.dma_semaphore, #tpu.memory_space<semaphore_mem>>)
    %dma_start3A_21 = arith.constant 2 : i32
    %dma_start3A_22 = arith.constant 0 : i32
    %dma_start3A_23 = tpu.memref_slice %arg8[%dma_start3A_21, %dma_start3A_22] : memref<80x125xi32, #tpu.memory_space<vmem>> -> memref<1x125xi32, #tpu.memory_space<vmem>>
    %dma_start3A_24 = tpu.memref_squeeze %dma_start3A_23 : memref<1x125xi32, #tpu.memory_space<vmem>> -> memref<125xi32, #tpu.memory_space<vmem>>
    %dma_start3A_25 = arith.constant 0 : i32
    %dma_start3A_26 = arith.constant 0 : i32
    %dma_start3A_27 = tpu.memref_slice %arg2[%dma_start3A_25, %dma_start3A_26] : memref<10000x32xf32, #tpu.memory_space<hbm>> -> memref<10000x32xf32, #tpu.memory_space<hbm>>
    tpu.enqueue_indirect_dma source(%dma_start3A_27 : memref<10000x32xf32, #tpu.memory_space<hbm>>) target(%arg13 : memref<125x32xf32, #tpu.memory_space<vmem>>) offsets(%dma_start3A_24 : memref<125xi32, #tpu.memory_space<vmem>>) semaphore(%arg23 : memref<!tpu.dma_semaphore, #tpu.memory_space<semaphore_mem>>)
    %dma_start3A_28 = arith.constant 3 : i32
    %dma_start3A_29 = arith.constant 0 : i32
    %dma_start3A_30 = tpu.memref_slice %arg8[%dma_start3A_28, %dma_start3A_29] : memref<80x125xi32, #tpu.memory_space<vmem>> -> memref<1x125xi32, #tpu.memory_space<vmem>>
    %dma_start3A_31 = tpu.memref_squeeze %dma_start3A_30 : memref<1x125xi32, #tpu.memory_space<vmem>> -> memref<125xi32, #tpu.memory_space<vmem>>
    %dma_start3A_32 = arith.constant 0 : i32
    %dma_start3A_33 = arith.constant 0 : i32
    %dma_start3A_34 = tpu.memref_slice %arg2[%dma_start3A_32, %dma_start3A_33] : memref<10000x32xf32, #tpu.memory_space<hbm>> -> memref<10000x32xf32, #tpu.memory_space<hbm>>
    tpu.enqueue_indirect_dma source(%dma_start3A_34 : memref<10000x32xf32, #tpu.memory_space<hbm>>) target(%arg14 : memref<125x32xf32, #tpu.memory_space<vmem>>) offsets(%dma_start3A_31 : memref<125xi32, #tpu.memory_space<vmem>>) semaphore(%arg24 : memref<!tpu.dma_semaphore, #tpu.memory_space<semaphore_mem>>)
    %dma_start3A_35 = arith.constant 4 : i32
    %dma_start3A_36 = arith.constant 0 : i32
    %dma_start3A_37 = tpu.memref_slice %arg8[%dma_start3A_35, %dma_start3A_36] : memref<80x125xi32, #tpu.memory_space<vmem>> -> memref<1x125xi32, #tpu.memory_space<vmem>>
    %dma_start3A_38 = tpu.memref_squeeze %dma_start3A_37 : memref<1x125xi32, #tpu.memory_space<vmem>> -> memref<125xi32, #tpu.memory_space<vmem>>
    %dma_start3A_39 = arith.constant 0 : i32
    %dma_start3A_40 = arith.constant 0 : i32
    %dma_start3A_41 = tpu.memref_slice %arg2[%dma_start3A_39, %dma_start3A_40] : memref<10000x32xf32, #tpu.memory_space<hbm>> -> memref<10000x32xf32, #tpu.memory_space<hbm>>
    tpu.enqueue_indirect_dma source(%dma_start3A_41 : memref<10000x32xf32, #tpu.memory_space<hbm>>) target(%arg15 : memref<125x32xf32, #tpu.memory_space<vmem>>) offsets(%dma_start3A_38 : memref<125xi32, #tpu.memory_space<vmem>>) semaphore(%arg25 : memref<!tpu.dma_semaphore, #tpu.memory_space<semaphore_mem>>)
    %dma_start3A_42 = arith.constant 5 : i32
    %dma_start3A_43 = arith.constant 0 : i32
    %dma_start3A_44 = tpu.memref_slice %arg8[%dma_start3A_42, %dma_start3A_43] : memref<80x125xi32, #tpu.memory_space<vmem>> -> memref<1x125xi32, #tpu.memory_space<vmem>>
    %dma_start3A_45 = tpu.memref_squeeze %dma_start3A_44 : memref<1x125xi32, #tpu.memory_space<vmem>> -> memref<125xi32, #tpu.memory_space<vmem>>
    %dma_start3A_46 = arith.constant 0 : i32
    %dma_start3A_47 = arith.constant 0 : i32
    %dma_start3A_48 = tpu.memref_slice %arg2[%dma_start3A_46, %dma_start3A_47] : memref<10000x32xf32, #tpu.memory_space<hbm>> -> memref<10000x32xf32, #tpu.memory_space<hbm>>
    tpu.enqueue_indirect_dma source(%dma_start3A_48 : memref<10000x32xf32, #tpu.memory_space<hbm>>) target(%arg16 : memref<125x32xf32, #tpu.memory_space<vmem>>) offsets(%dma_start3A_45 : memref<125xi32, #tpu.memory_space<vmem>>) semaphore(%arg26 : memref<!tpu.dma_semaphore, #tpu.memory_space<semaphore_mem>>)
    %dma_start3A_49 = arith.constant 6 : i32
    %dma_start3A_50 = arith.constant 0 : i32
    %dma_start3A_51 = tpu.memref_slice %arg8[%dma_start3A_49, %dma_start3A_50] : memref<80x125xi32, #tpu.memory_space<vmem>> -> memref<1x125xi32, #tpu.memory_space<vmem>>
    %dma_start3A_52 = tpu.memref_squeeze %dma_start3A_51 : memref<1x125xi32, #tpu.memory_space<vmem>> -> memref<125xi32, #tpu.memory_space<vmem>>
    %dma_start3A_53 = arith.constant 0 : i32
    %dma_start3A_54 = arith.constant 0 : i32
    %dma_start3A_55 = tpu.memref_slice %arg2[%dma_start3A_53, %dma_start3A_54] : memref<10000x32xf32, #tpu.memory_space<hbm>> -> memref<10000x32xf32, #tpu.memory_space<hbm>>
    tpu.enqueue_indirect_dma source(%dma_start3A_55 : memref<10000x32xf32, #tpu.memory_space<hbm>>) target(%arg17 : memref<125x32xf32, #tpu.memory_space<vmem>>) offsets(%dma_start3A_52 : memref<125xi32, #tpu.memory_space<vmem>>) semaphore(%arg27 : memref<!tpu.dma_semaphore, #tpu.memory_space<semaphore_mem>>)
    %barrier3A = arith.constant 0 : index
    tpu.barrier barrier_id(%barrier3A)
    %scan3A = arith.constant 0 : i32
    %scan3A_56 = arith.constant 0 : i32
    %scan3A_57 = arith.constant 10 : i32
    %scan3A_58 = arith.addi %scan3A_56, %scan3A_57 : i32
    %scan3A_59 = arith.constant 1 : i32
    scf.for %scan3A_75 = %scan3A_56 to %scan3A_58 step %scan3A_59  : i32 {
      %mul3A_76 = arith.constant 8 : i32
      %mul3A_77 = arith.muli %scan3A_75, %mul3A_76 : i32
      %add3A_78 = arith.constant 0 : i32
      %add3A_79 = arith.addi %mul3A_77, %add3A_78 : i32
      %dma_wait3A_80 = arith.constant 0 : i32
      %dma_wait3A_81 = tpu.memref_slice %arg8[%add3A_79, %dma_wait3A_80] : memref<80x125xi32, #tpu.memory_space<vmem>> -> memref<1x125xi32, #tpu.memory_space<vmem>>
      %dma_wait3A_82 = tpu.memref_squeeze %dma_wait3A_81 : memref<1x125xi32, #tpu.memory_space<vmem>> -> memref<125xi32, #tpu.memory_space<vmem>>
      %dma_wait3A_83 = arith.constant 0 : i32
      %dma_wait3A_84 = arith.constant 0 : i32
      %dma_wait3A_85 = tpu.memref_slice %arg2[%dma_wait3A_83, %dma_wait3A_84] : memref<10000x32xf32, #tpu.memory_space<hbm>> -> memref<10000x32xf32, #tpu.memory_space<hbm>>
      tpu.wait_indirect_dma semaphore(%arg21 : memref<!tpu.dma_semaphore, #tpu.memory_space<semaphore_mem>>) src(%dma_wait3A_85 : memref<10000x32xf32, #tpu.memory_space<hbm>>) dst(%arg11 : memref<125x32xf32, #tpu.memory_space<vmem>>)
      %dma_start3A_86 = arith.constant 0 : i32
      %dma_start3A_87 = tpu.memref_slice %arg9[%add3A_79, %dma_start3A_86] : memref<80x125xi32, #tpu.memory_space<vmem>> -> memref<1x125xi32, #tpu.memory_space<vmem>>
      %dma_start3A_88 = tpu.memref_squeeze %dma_start3A_87 : memref<1x125xi32, #tpu.memory_space<vmem>> -> memref<125xi32, #tpu.memory_space<vmem>>
      %dma_start3A_89 = arith.constant 0 : i32
      %dma_start3A_90 = arith.constant 0 : i32
      %dma_start3A_91 = tpu.memref_slice %arg20[%dma_start3A_89, %dma_start3A_90] : memref<10240x32xf32, #tpu.memory_space<vmem_shared>> -> memref<10240x32xf32, #tpu.memory_space<vmem_shared>>
      tpu.enqueue_indirect_dma source(%arg11 : memref<125x32xf32, #tpu.memory_space<vmem>>) target(%dma_start3A_91 : memref<10240x32xf32, #tpu.memory_space<vmem_shared>>) offsets(%dma_start3A_88 : memref<125xi32, #tpu.memory_space<vmem>>) semaphore(%arg29 : memref<!tpu.dma_semaphore, #tpu.memory_space<semaphore_mem>>) {add = true}
      %dma_start3A_92 = arith.constant 0 : i32
      %dma_start3A_93 = tpu.memref_slice %arg10[%add3A_79, %dma_start3A_92] : memref<80x125xi32, #tpu.memory_space<vmem>> -> memref<1x125xi32, #tpu.memory_space<vmem>>
      %dma_start3A_94 = tpu.memref_squeeze %dma_start3A_93 : memref<1x125xi32, #tpu.memory_space<vmem>> -> memref<125xi32, #tpu.memory_space<vmem>>
      %dma_start3A_95 = arith.constant 0 : i32
      %dma_start3A_96 = arith.constant 0 : i32
      %dma_start3A_97 = tpu.memref_slice %arg20[%dma_start3A_95, %dma_start3A_96] : memref<10240x32xf32, #tpu.memory_space<vmem_shared>> -> memref<10240x32xf32, #tpu.memory_space<vmem_shared>>
      tpu.enqueue_indirect_dma source(%arg19 : memref<125x32xf32, #tpu.memory_space<vmem>>) target(%dma_start3A_97 : memref<10240x32xf32, #tpu.memory_space<vmem_shared>>) offsets(%dma_start3A_94 : memref<125xi32, #tpu.memory_space<vmem>>) semaphore(%arg29 : memref<!tpu.dma_semaphore, #tpu.memory_space<semaphore_mem>>) {add = true}
      %ge3A = arith.constant 1 : i32
      %ge3A_98 = arith.cmpi sge, %add3A_79, %ge3A : i32
      %convert_element_type3A = arith.extui %ge3A_98 : i1 to i32
      %cond3A = arith.constant 0 : i32
      %cond3A_99 = arith.cmpi ne, %convert_element_type3A, %cond3A : i32
      scf.if %cond3A_99 {
        %sub3A_359 = arith.constant 1 : i32
        %sub3A_360 = arith.subi %add3A_79, %sub3A_359 : i32
        %dma_wait3A_361 = arith.constant 0 : i32
        %dma_wait3A_362 = tpu.memref_slice %arg9[%sub3A_360, %dma_wait3A_361] : memref<80x125xi32, #tpu.memory_space<vmem>> -> memref<1x125xi32, #tpu.memory_space<vmem>>
        %dma_wait3A_363 = tpu.memref_squeeze %dma_wait3A_362 : memref<1x125xi32, #tpu.memory_space<vmem>> -> memref<125xi32, #tpu.memory_space<vmem>>
        %dma_wait3A_364 = arith.constant 0 : i32
        %dma_wait3A_365 = arith.constant 0 : i32
        %dma_wait3A_366 = tpu.memref_slice %arg20[%dma_wait3A_364, %dma_wait3A_365] : memref<10240x32xf32, #tpu.memory_space<vmem_shared>> -> memref<10240x32xf32, #tpu.memory_space<vmem_shared>>
        tpu.wait_indirect_dma semaphore(%arg36 : memref<!tpu.dma_semaphore, #tpu.memory_space<semaphore_mem>>) src(%arg18 : memref<125x32xf32, #tpu.memory_space<vmem>>) dst(%dma_wait3A_366 : memref<10240x32xf32, #tpu.memory_space<vmem_shared>>)
        %sub3A_367 = arith.constant 1 : i32
        %sub3A_368 = arith.subi %add3A_79, %sub3A_367 : i32
        %dma_wait3A_369 = arith.constant 0 : i32
        %dma_wait3A_370 = tpu.memref_slice %arg10[%sub3A_368, %dma_wait3A_369] : memref<80x125xi32, #tpu.memory_space<vmem>> -> memref<1x125xi32, #tpu.memory_space<vmem>>
        %dma_wait3A_371 = tpu.memref_squeeze %dma_wait3A_370 : memref<1x125xi32, #tpu.memory_space<vmem>> -> memref<125xi32, #tpu.memory_space<vmem>>
        %dma_wait3A_372 = arith.constant 0 : i32
        %dma_wait3A_373 = arith.constant 0 : i32
        %dma_wait3A_374 = tpu.memref_slice %arg20[%dma_wait3A_372, %dma_wait3A_373] : memref<10240x32xf32, #tpu.memory_space<vmem_shared>> -> memref<10240x32xf32, #tpu.memory_space<vmem_shared>>
        tpu.wait_indirect_dma semaphore(%arg36 : memref<!tpu.dma_semaphore, #tpu.memory_space<semaphore_mem>>) src(%arg19 : memref<125x32xf32, #tpu.memory_space<vmem>>) dst(%dma_wait3A_374 : memref<10240x32xf32, #tpu.memory_space<vmem_shared>>)
      } else {
      }
      %add3A_100 = arith.constant 8 : i32
      %add3A_101 = arith.addi %add3A_79, %add3A_100 : i32
      %sub3A = arith.constant 1 : i32
      %sub3A_102 = arith.subi %add3A_101, %sub3A : i32
      %lt3A = arith.constant 80 : i32
      %lt3A_103 = arith.cmpi slt, %sub3A_102, %lt3A : i32
      %convert_element_type3A_104 = arith.extui %lt3A_103 : i1 to i32
      %cond3A_105 = arith.constant 0 : i32
      %cond3A_106 = arith.cmpi ne, %convert_element_type3A_104, %cond3A_105 : i32
      scf.if %cond3A_106 {
        %add3A_359 = arith.constant 8 : i32
        %add3A_360 = arith.addi %add3A_79, %add3A_359 : i32
        %sub3A_361 = arith.constant 1 : i32
        %sub3A_362 = arith.subi %add3A_360, %sub3A_361 : i32
        %dma_start3A_363 = arith.constant 0 : i32
        %dma_start3A_364 = tpu.memref_slice %arg8[%sub3A_362, %dma_start3A_363] : memref<80x125xi32, #tpu.memory_space<vmem>> -> memref<1x125xi32, #tpu.memory_space<vmem>>
        %dma_start3A_365 = tpu.memref_squeeze %dma_start3A_364 : memref<1x125xi32, #tpu.memory_space<vmem>> -> memref<125xi32, #tpu.memory_space<vmem>>
        %dma_start3A_366 = arith.constant 0 : i32
        %dma_start3A_367 = arith.constant 0 : i32
        %dma_start3A_368 = tpu.memref_slice %arg2[%dma_start3A_366, %dma_start3A_367] : memref<10000x32xf32, #tpu.memory_space<hbm>> -> memref<10000x32xf32, #tpu.memory_space<hbm>>
        tpu.enqueue_indirect_dma source(%dma_start3A_368 : memref<10000x32xf32, #tpu.memory_space<hbm>>) target(%arg18 : memref<125x32xf32, #tpu.memory_space<vmem>>) offsets(%dma_start3A_365 : memref<125xi32, #tpu.memory_space<vmem>>) semaphore(%arg28 : memref<!tpu.dma_semaphore, #tpu.memory_space<semaphore_mem>>)
      } else {
      }
      %mul3A_107 = arith.constant 8 : i32
      %mul3A_108 = arith.muli %scan3A_75, %mul3A_107 : i32
      %add3A_109 = arith.constant 1 : i32
      %add3A_110 = arith.addi %mul3A_108, %add3A_109 : i32
      %dma_wait3A_111 = arith.constant 0 : i32
      %dma_wait3A_112 = tpu.memref_slice %arg8[%add3A_110, %dma_wait3A_111] : memref<80x125xi32, #tpu.memory_space<vmem>> -> memref<1x125xi32, #tpu.memory_space<vmem>>
      %dma_wait3A_113 = tpu.memref_squeeze %dma_wait3A_112 : memref<1x125xi32, #tpu.memory_space<vmem>> -> memref<125xi32, #tpu.memory_space<vmem>>
      %dma_wait3A_114 = arith.constant 0 : i32
      %dma_wait3A_115 = arith.constant 0 : i32
      %dma_wait3A_116 = tpu.memref_slice %arg2[%dma_wait3A_114, %dma_wait3A_115] : memref<10000x32xf32, #tpu.memory_space<hbm>> -> memref<10000x32xf32, #tpu.memory_space<hbm>>
      tpu.wait_indirect_dma semaphore(%arg22 : memref<!tpu.dma_semaphore, #tpu.memory_space<semaphore_mem>>) src(%dma_wait3A_116 : memref<10000x32xf32, #tpu.memory_space<hbm>>) dst(%arg12 : memref<125x32xf32, #tpu.memory_space<vmem>>)
      %dma_start3A_117 = arith.constant 0 : i32
      %dma_start3A_118 = tpu.memref_slice %arg9[%add3A_110, %dma_start3A_117] : memref<80x125xi32, #tpu.memory_space<vmem>> -> memref<1x125xi32, #tpu.memory_space<vmem>>
      %dma_start3A_119 = tpu.memref_squeeze %dma_start3A_118 : memref<1x125xi32, #tpu.memory_space<vmem>> -> memref<125xi32, #tpu.memory_space<vmem>>
      %dma_start3A_120 = arith.constant 0 : i32
      %dma_start3A_121 = arith.constant 0 : i32
      %dma_start3A_122 = tpu.memref_slice %arg20[%dma_start3A_120, %dma_start3A_121] : memref<10240x32xf32, #tpu.memory_space<vmem_shared>> -> memref<10240x32xf32, #tpu.memory_space<vmem_shared>>
      tpu.enqueue_indirect_dma source(%arg12 : memref<125x32xf32, #tpu.memory_space<vmem>>) target(%dma_start3A_122 : memref<10240x32xf32, #tpu.memory_space<vmem_shared>>) offsets(%dma_start3A_119 : memref<125xi32, #tpu.memory_space<vmem>>) semaphore(%arg30 : memref<!tpu.dma_semaphore, #tpu.memory_space<semaphore_mem>>) {add = true}
      %dma_start3A_123 = arith.constant 0 : i32
      %dma_start3A_124 = tpu.memref_slice %arg10[%add3A_110, %dma_start3A_123] : memref<80x125xi32, #tpu.memory_space<vmem>> -> memref<1x125xi32, #tpu.memory_space<vmem>>
      %dma_start3A_125 = tpu.memref_squeeze %dma_start3A_124 : memref<1x125xi32, #tpu.memory_space<vmem>> -> memref<125xi32, #tpu.memory_space<vmem>>
      %dma_start3A_126 = arith.constant 0 : i32
      %dma_start3A_127 = arith.constant 0 : i32
      %dma_start3A_128 = tpu.memref_slice %arg20[%dma_start3A_126, %dma_start3A_127] : memref<10240x32xf32, #tpu.memory_space<vmem_shared>> -> memref<10240x32xf32, #tpu.memory_space<vmem_shared>>
      tpu.enqueue_indirect_dma source(%arg19 : memref<125x32xf32, #tpu.memory_space<vmem>>) target(%dma_start3A_128 : memref<10240x32xf32, #tpu.memory_space<vmem_shared>>) offsets(%dma_start3A_125 : memref<125xi32, #tpu.memory_space<vmem>>) semaphore(%arg30 : memref<!tpu.dma_semaphore, #tpu.memory_space<semaphore_mem>>) {add = true}
      %ge3A_129 = arith.constant 1 : i32
      %ge3A_130 = arith.cmpi sge, %add3A_110, %ge3A_129 : i32
      %convert_element_type3A_131 = arith.extui %ge3A_130 : i1 to i32
      %cond3A_132 = arith.constant 0 : i32
      %cond3A_133 = arith.cmpi ne, %convert_element_type3A_131, %cond3A_132 : i32
      scf.if %cond3A_133 {
        %sub3A_359 = arith.constant 1 : i32
        %sub3A_360 = arith.subi %add3A_110, %sub3A_359 : i32
        %dma_wait3A_361 = arith.constant 0 : i32
        %dma_wait3A_362 = tpu.memref_slice %arg9[%sub3A_360, %dma_wait3A_361] : memref<80x125xi32, #tpu.memory_space<vmem>> -> memref<1x125xi32, #tpu.memory_space<vmem>>
        %dma_wait3A_363 = tpu.memref_squeeze %dma_wait3A_362 : memref<1x125xi32, #tpu.memory_space<vmem>> -> memref<125xi32, #tpu.memory_space<vmem>>
        %dma_wait3A_364 = arith.constant 0 : i32
        %dma_wait3A_365 = arith.constant 0 : i32
        %dma_wait3A_366 = tpu.memref_slice %arg20[%dma_wait3A_364, %dma_wait3A_365] : memref<10240x32xf32, #tpu.memory_space<vmem_shared>> -> memref<10240x32xf32, #tpu.memory_space<vmem_shared>>
        tpu.wait_indirect_dma semaphore(%arg29 : memref<!tpu.dma_semaphore, #tpu.memory_space<semaphore_mem>>) src(%arg11 : memref<125x32xf32, #tpu.memory_space<vmem>>) dst(%dma_wait3A_366 : memref<10240x32xf32, #tpu.memory_space<vmem_shared>>)
        %sub3A_367 = arith.constant 1 : i32
        %sub3A_368 = arith.subi %add3A_110, %sub3A_367 : i32
        %dma_wait3A_369 = arith.constant 0 : i32
        %dma_wait3A_370 = tpu.memref_slice %arg10[%sub3A_368, %dma_wait3A_369] : memref<80x125xi32, #tpu.memory_space<vmem>> -> memref<1x125xi32, #tpu.memory_space<vmem>>
        %dma_wait3A_371 = tpu.memref_squeeze %dma_wait3A_370 : memref<1x125xi32, #tpu.memory_space<vmem>> -> memref<125xi32, #tpu.memory_space<vmem>>
        %dma_wait3A_372 = arith.constant 0 : i32
        %dma_wait3A_373 = arith.constant 0 : i32
        %dma_wait3A_374 = tpu.memref_slice %arg20[%dma_wait3A_372, %dma_wait3A_373] : memref<10240x32xf32, #tpu.memory_space<vmem_shared>> -> memref<10240x32xf32, #tpu.memory_space<vmem_shared>>
        tpu.wait_indirect_dma semaphore(%arg29 : memref<!tpu.dma_semaphore, #tpu.memory_space<semaphore_mem>>) src(%arg19 : memref<125x32xf32, #tpu.memory_space<vmem>>) dst(%dma_wait3A_374 : memref<10240x32xf32, #tpu.memory_space<vmem_shared>>)
      } else {
      }
      %add3A_134 = arith.constant 8 : i32
      %add3A_135 = arith.addi %add3A_110, %add3A_134 : i32
      %sub3A_136 = arith.constant 1 : i32
      %sub3A_137 = arith.subi %add3A_135, %sub3A_136 : i32
      %lt3A_138 = arith.constant 80 : i32
      %lt3A_139 = arith.cmpi slt, %sub3A_137, %lt3A_138 : i32
      %convert_element_type3A_140 = arith.extui %lt3A_139 : i1 to i32
      %cond3A_141 = arith.constant 0 : i32
      %cond3A_142 = arith.cmpi ne, %convert_element_type3A_140, %cond3A_141 : i32
      scf.if %cond3A_142 {
        %add3A_359 = arith.constant 8 : i32
        %add3A_360 = arith.addi %add3A_110, %add3A_359 : i32
        %sub3A_361 = arith.constant 1 : i32
        %sub3A_362 = arith.subi %add3A_360, %sub3A_361 : i32
        %dma_start3A_363 = arith.constant 0 : i32
        %dma_start3A_364 = tpu.memref_slice %arg8[%sub3A_362, %dma_start3A_363] : memref<80x125xi32, #tpu.memory_space<vmem>> -> memref<1x125xi32, #tpu.memory_space<vmem>>
        %dma_start3A_365 = tpu.memref_squeeze %dma_start3A_364 : memref<1x125xi32, #tpu.memory_space<vmem>> -> memref<125xi32, #tpu.memory_space<vmem>>
        %dma_start3A_366 = arith.constant 0 : i32
        %dma_start3A_367 = arith.constant 0 : i32
        %dma_start3A_368 = tpu.memref_slice %arg2[%dma_start3A_366, %dma_start3A_367] : memref<10000x32xf32, #tpu.memory_space<hbm>> -> memref<10000x32xf32, #tpu.memory_space<hbm>>
        tpu.enqueue_indirect_dma source(%dma_start3A_368 : memref<10000x32xf32, #tpu.memory_space<hbm>>) target(%arg11 : memref<125x32xf32, #tpu.memory_space<vmem>>) offsets(%dma_start3A_365 : memref<125xi32, #tpu.memory_space<vmem>>) semaphore(%arg21 : memref<!tpu.dma_semaphore, #tpu.memory_space<semaphore_mem>>)
      } else {
      }
      %mul3A_143 = arith.constant 8 : i32
      %mul3A_144 = arith.muli %scan3A_75, %mul3A_143 : i32
      %add3A_145 = arith.constant 2 : i32
      %add3A_146 = arith.addi %mul3A_144, %add3A_145 : i32
      %dma_wait3A_147 = arith.constant 0 : i32
      %dma_wait3A_148 = tpu.memref_slice %arg8[%add3A_146, %dma_wait3A_147] : memref<80x125xi32, #tpu.memory_space<vmem>> -> memref<1x125xi32, #tpu.memory_space<vmem>>
      %dma_wait3A_149 = tpu.memref_squeeze %dma_wait3A_148 : memref<1x125xi32, #tpu.memory_space<vmem>> -> memref<125xi32, #tpu.memory_space<vmem>>
      %dma_wait3A_150 = arith.constant 0 : i32
      %dma_wait3A_151 = arith.constant 0 : i32
      %dma_wait3A_152 = tpu.memref_slice %arg2[%dma_wait3A_150, %dma_wait3A_151] : memref<10000x32xf32, #tpu.memory_space<hbm>> -> memref<10000x32xf32, #tpu.memory_space<hbm>>
      tpu.wait_indirect_dma semaphore(%arg23 : memref<!tpu.dma_semaphore, #tpu.memory_space<semaphore_mem>>) src(%dma_wait3A_152 : memref<10000x32xf32, #tpu.memory_space<hbm>>) dst(%arg13 : memref<125x32xf32, #tpu.memory_space<vmem>>)
      %dma_start3A_153 = arith.constant 0 : i32
      %dma_start3A_154 = tpu.memref_slice %arg9[%add3A_146, %dma_start3A_153] : memref<80x125xi32, #tpu.memory_space<vmem>> -> memref<1x125xi32, #tpu.memory_space<vmem>>
      %dma_start3A_155 = tpu.memref_squeeze %dma_start3A_154 : memref<1x125xi32, #tpu.memory_space<vmem>> -> memref<125xi32, #tpu.memory_space<vmem>>
      %dma_start3A_156 = arith.constant 0 : i32
      %dma_start3A_157 = arith.constant 0 : i32
      %dma_start3A_158 = tpu.memref_slice %arg20[%dma_start3A_156, %dma_start3A_157] : memref<10240x32xf32, #tpu.memory_space<vmem_shared>> -> memref<10240x32xf32, #tpu.memory_space<vmem_shared>>
      tpu.enqueue_indirect_dma source(%arg13 : memref<125x32xf32, #tpu.memory_space<vmem>>) target(%dma_start3A_158 : memref<10240x32xf32, #tpu.memory_space<vmem_shared>>) offsets(%dma_start3A_155 : memref<125xi32, #tpu.memory_space<vmem>>) semaphore(%arg31 : memref<!tpu.dma_semaphore, #tpu.memory_space<semaphore_mem>>) {add = true}
      %dma_start3A_159 = arith.constant 0 : i32
      %dma_start3A_160 = tpu.memref_slice %arg10[%add3A_146, %dma_start3A_159] : memref<80x125xi32, #tpu.memory_space<vmem>> -> memref<1x125xi32, #tpu.memory_space<vmem>>
      %dma_start3A_161 = tpu.memref_squeeze %dma_start3A_160 : memref<1x125xi32, #tpu.memory_space<vmem>> -> memref<125xi32, #tpu.memory_space<vmem>>
      %dma_start3A_162 = arith.constant 0 : i32
      %dma_start3A_163 = arith.constant 0 : i32
      %dma_start3A_164 = tpu.memref_slice %arg20[%dma_start3A_162, %dma_start3A_163] : memref<10240x32xf32, #tpu.memory_space<vmem_shared>> -> memref<10240x32xf32, #tpu.memory_space<vmem_shared>>
      tpu.enqueue_indirect_dma source(%arg19 : memref<125x32xf32, #tpu.memory_space<vmem>>) target(%dma_start3A_164 : memref<10240x32xf32, #tpu.memory_space<vmem_shared>>) offsets(%dma_start3A_161 : memref<125xi32, #tpu.memory_space<vmem>>) semaphore(%arg31 : memref<!tpu.dma_semaphore, #tpu.memory_space<semaphore_mem>>) {add = true}
      %ge3A_165 = arith.constant 1 : i32
      %ge3A_166 = arith.cmpi sge, %add3A_146, %ge3A_165 : i32
      %convert_element_type3A_167 = arith.extui %ge3A_166 : i1 to i32
      %cond3A_168 = arith.constant 0 : i32
      %cond3A_169 = arith.cmpi ne, %convert_element_type3A_167, %cond3A_168 : i32
      scf.if %cond3A_169 {
        %sub3A_359 = arith.constant 1 : i32
        %sub3A_360 = arith.subi %add3A_146, %sub3A_359 : i32
        %dma_wait3A_361 = arith.constant 0 : i32
        %dma_wait3A_362 = tpu.memref_slice %arg9[%sub3A_360, %dma_wait3A_361] : memref<80x125xi32, #tpu.memory_space<vmem>> -> memref<1x125xi32, #tpu.memory_space<vmem>>
        %dma_wait3A_363 = tpu.memref_squeeze %dma_wait3A_362 : memref<1x125xi32, #tpu.memory_space<vmem>> -> memref<125xi32, #tpu.memory_space<vmem>>
        %dma_wait3A_364 = arith.constant 0 : i32
        %dma_wait3A_365 = arith.constant 0 : i32
        %dma_wait3A_366 = tpu.memref_slice %arg20[%dma_wait3A_364, %dma_wait3A_365] : memref<10240x32xf32, #tpu.memory_space<vmem_shared>> -> memref<10240x32xf32, #tpu.memory_space<vmem_shared>>
        tpu.wait_indirect_dma semaphore(%arg30 : memref<!tpu.dma_semaphore, #tpu.memory_space<semaphore_mem>>) src(%arg12 : memref<125x32xf32, #tpu.memory_space<vmem>>) dst(%dma_wait3A_366 : memref<10240x32xf32, #tpu.memory_space<vmem_shared>>)
        %sub3A_367 = arith.constant 1 : i32
        %sub3A_368 = arith.subi %add3A_146, %sub3A_367 : i32
        %dma_wait3A_369 = arith.constant 0 : i32
        %dma_wait3A_370 = tpu.memref_slice %arg10[%sub3A_368, %dma_wait3A_369] : memref<80x125xi32, #tpu.memory_space<vmem>> -> memref<1x125xi32, #tpu.memory_space<vmem>>
        %dma_wait3A_371 = tpu.memref_squeeze %dma_wait3A_370 : memref<1x125xi32, #tpu.memory_space<vmem>> -> memref<125xi32, #tpu.memory_space<vmem>>
        %dma_wait3A_372 = arith.constant 0 : i32
        %dma_wait3A_373 = arith.constant 0 : i32
        %dma_wait3A_374 = tpu.memref_slice %arg20[%dma_wait3A_372, %dma_wait3A_373] : memref<10240x32xf32, #tpu.memory_space<vmem_shared>> -> memref<10240x32xf32, #tpu.memory_space<vmem_shared>>
        tpu.wait_indirect_dma semaphore(%arg30 : memref<!tpu.dma_semaphore, #tpu.memory_space<semaphore_mem>>) src(%arg19 : memref<125x32xf32, #tpu.memory_space<vmem>>) dst(%dma_wait3A_374 : memref<10240x32xf32, #tpu.memory_space<vmem_shared>>)
      } else {
      }
      %add3A_170 = arith.constant 8 : i32
      %add3A_171 = arith.addi %add3A_146, %add3A_170 : i32
      %sub3A_172 = arith.constant 1 : i32
      %sub3A_173 = arith.subi %add3A_171, %sub3A_172 : i32
      %lt3A_174 = arith.constant 80 : i32
      %lt3A_175 = arith.cmpi slt, %sub3A_173, %lt3A_174 : i32
      %convert_element_type3A_176 = arith.extui %lt3A_175 : i1 to i32
      %cond3A_177 = arith.constant 0 : i32
      %cond3A_178 = arith.cmpi ne, %convert_element_type3A_176, %cond3A_177 : i32
      scf.if %cond3A_178 {
        %add3A_359 = arith.constant 8 : i32
        %add3A_360 = arith.addi %add3A_146, %add3A_359 : i32
        %sub3A_361 = arith.constant 1 : i32
        %sub3A_362 = arith.subi %add3A_360, %sub3A_361 : i32
        %dma_start3A_363 = arith.constant 0 : i32
        %dma_start3A_364 = tpu.memref_slice %arg8[%sub3A_362, %dma_start3A_363] : memref<80x125xi32, #tpu.memory_space<vmem>> -> memref<1x125xi32, #tpu.memory_space<vmem>>
        %dma_start3A_365 = tpu.memref_squeeze %dma_start3A_364 : memref<1x125xi32, #tpu.memory_space<vmem>> -> memref<125xi32, #tpu.memory_space<vmem>>
        %dma_start3A_366 = arith.constant 0 : i32
        %dma_start3A_367 = arith.constant 0 : i32
        %dma_start3A_368 = tpu.memref_slice %arg2[%dma_start3A_366, %dma_start3A_367] : memref<10000x32xf32, #tpu.memory_space<hbm>> -> memref<10000x32xf32, #tpu.memory_space<hbm>>
        tpu.enqueue_indirect_dma source(%dma_start3A_368 : memref<10000x32xf32, #tpu.memory_space<hbm>>) target(%arg12 : memref<125x32xf32, #tpu.memory_space<vmem>>) offsets(%dma_start3A_365 : memref<125xi32, #tpu.memory_space<vmem>>) semaphore(%arg22 : memref<!tpu.dma_semaphore, #tpu.memory_space<semaphore_mem>>)
      } else {
      }
      %mul3A_179 = arith.constant 8 : i32
      %mul3A_180 = arith.muli %scan3A_75, %mul3A_179 : i32
      %add3A_181 = arith.constant 3 : i32
      %add3A_182 = arith.addi %mul3A_180, %add3A_181 : i32
      %dma_wait3A_183 = arith.constant 0 : i32
      %dma_wait3A_184 = tpu.memref_slice %arg8[%add3A_182, %dma_wait3A_183] : memref<80x125xi32, #tpu.memory_space<vmem>> -> memref<1x125xi32, #tpu.memory_space<vmem>>
      %dma_wait3A_185 = tpu.memref_squeeze %dma_wait3A_184 : memref<1x125xi32, #tpu.memory_space<vmem>> -> memref<125xi32, #tpu.memory_space<vmem>>
      %dma_wait3A_186 = arith.constant 0 : i32
      %dma_wait3A_187 = arith.constant 0 : i32
      %dma_wait3A_188 = tpu.memref_slice %arg2[%dma_wait3A_186, %dma_wait3A_187] : memref<10000x32xf32, #tpu.memory_space<hbm>> -> memref<10000x32xf32, #tpu.memory_space<hbm>>
      tpu.wait_indirect_dma semaphore(%arg24 : memref<!tpu.dma_semaphore, #tpu.memory_space<semaphore_mem>>) src(%dma_wait3A_188 : memref<10000x32xf32, #tpu.memory_space<hbm>>) dst(%arg14 : memref<125x32xf32, #tpu.memory_space<vmem>>)
      %dma_start3A_189 = arith.constant 0 : i32
      %dma_start3A_190 = tpu.memref_slice %arg9[%add3A_182, %dma_start3A_189] : memref<80x125xi32, #tpu.memory_space<vmem>> -> memref<1x125xi32, #tpu.memory_space<vmem>>
      %dma_start3A_191 = tpu.memref_squeeze %dma_start3A_190 : memref<1x125xi32, #tpu.memory_space<vmem>> -> memref<125xi32, #tpu.memory_space<vmem>>
      %dma_start3A_192 = arith.constant 0 : i32
      %dma_start3A_193 = arith.constant 0 : i32
      %dma_start3A_194 = tpu.memref_slice %arg20[%dma_start3A_192, %dma_start3A_193] : memref<10240x32xf32, #tpu.memory_space<vmem_shared>> -> memref<10240x32xf32, #tpu.memory_space<vmem_shared>>
      tpu.enqueue_indirect_dma source(%arg14 : memref<125x32xf32, #tpu.memory_space<vmem>>) target(%dma_start3A_194 : memref<10240x32xf32, #tpu.memory_space<vmem_shared>>) offsets(%dma_start3A_191 : memref<125xi32, #tpu.memory_space<vmem>>) semaphore(%arg32 : memref<!tpu.dma_semaphore, #tpu.memory_space<semaphore_mem>>) {add = true}
      %dma_start3A_195 = arith.constant 0 : i32
      %dma_start3A_196 = tpu.memref_slice %arg10[%add3A_182, %dma_start3A_195] : memref<80x125xi32, #tpu.memory_space<vmem>> -> memref<1x125xi32, #tpu.memory_space<vmem>>
      %dma_start3A_197 = tpu.memref_squeeze %dma_start3A_196 : memref<1x125xi32, #tpu.memory_space<vmem>> -> memref<125xi32, #tpu.memory_space<vmem>>
      %dma_start3A_198 = arith.constant 0 : i32
      %dma_start3A_199 = arith.constant 0 : i32
      %dma_start3A_200 = tpu.memref_slice %arg20[%dma_start3A_198, %dma_start3A_199] : memref<10240x32xf32, #tpu.memory_space<vmem_shared>> -> memref<10240x32xf32, #tpu.memory_space<vmem_shared>>
      tpu.enqueue_indirect_dma source(%arg19 : memref<125x32xf32, #tpu.memory_space<vmem>>) target(%dma_start3A_200 : memref<10240x32xf32, #tpu.memory_space<vmem_shared>>) offsets(%dma_start3A_197 : memref<125xi32, #tpu.memory_space<vmem>>) semaphore(%arg32 : memref<!tpu.dma_semaphore, #tpu.memory_space<semaphore_mem>>) {add = true}
      %ge3A_201 = arith.constant 1 : i32
      %ge3A_202 = arith.cmpi sge, %add3A_182, %ge3A_201 : i32
      %convert_element_type3A_203 = arith.extui %ge3A_202 : i1 to i32
      %cond3A_204 = arith.constant 0 : i32
      %cond3A_205 = arith.cmpi ne, %convert_element_type3A_203, %cond3A_204 : i32
      scf.if %cond3A_205 {
        %sub3A_359 = arith.constant 1 : i32
        %sub3A_360 = arith.subi %add3A_182, %sub3A_359 : i32
        %dma_wait3A_361 = arith.constant 0 : i32
        %dma_wait3A_362 = tpu.memref_slice %arg9[%sub3A_360, %dma_wait3A_361] : memref<80x125xi32, #tpu.memory_space<vmem>> -> memref<1x125xi32, #tpu.memory_space<vmem>>
        %dma_wait3A_363 = tpu.memref_squeeze %dma_wait3A_362 : memref<1x125xi32, #tpu.memory_space<vmem>> -> memref<125xi32, #tpu.memory_space<vmem>>
        %dma_wait3A_364 = arith.constant 0 : i32
        %dma_wait3A_365 = arith.constant 0 : i32
        %dma_wait3A_366 = tpu.memref_slice %arg20[%dma_wait3A_364, %dma_wait3A_365] : memref<10240x32xf32, #tpu.memory_space<vmem_shared>> -> memref<10240x32xf32, #tpu.memory_space<vmem_shared>>
        tpu.wait_indirect_dma semaphore(%arg31 : memref<!tpu.dma_semaphore, #tpu.memory_space<semaphore_mem>>) src(%arg13 : memref<125x32xf32, #tpu.memory_space<vmem>>) dst(%dma_wait3A_366 : memref<10240x32xf32, #tpu.memory_space<vmem_shared>>)
        %sub3A_367 = arith.constant 1 : i32
        %sub3A_368 = arith.subi %add3A_182, %sub3A_367 : i32
        %dma_wait3A_369 = arith.constant 0 : i32
        %dma_wait3A_370 = tpu.memref_slice %arg10[%sub3A_368, %dma_wait3A_369] : memref<80x125xi32, #tpu.memory_space<vmem>> -> memref<1x125xi32, #tpu.memory_space<vmem>>
        %dma_wait3A_371 = tpu.memref_squeeze %dma_wait3A_370 : memref<1x125xi32, #tpu.memory_space<vmem>> -> memref<125xi32, #tpu.memory_space<vmem>>
        %dma_wait3A_372 = arith.constant 0 : i32
        %dma_wait3A_373 = arith.constant 0 : i32
        %dma_wait3A_374 = tpu.memref_slice %arg20[%dma_wait3A_372, %dma_wait3A_373] : memref<10240x32xf32, #tpu.memory_space<vmem_shared>> -> memref<10240x32xf32, #tpu.memory_space<vmem_shared>>
        tpu.wait_indirect_dma semaphore(%arg31 : memref<!tpu.dma_semaphore, #tpu.memory_space<semaphore_mem>>) src(%arg19 : memref<125x32xf32, #tpu.memory_space<vmem>>) dst(%dma_wait3A_374 : memref<10240x32xf32, #tpu.memory_space<vmem_shared>>)
      } else {
      }
      %add3A_206 = arith.constant 8 : i32
      %add3A_207 = arith.addi %add3A_182, %add3A_206 : i32
      %sub3A_208 = arith.constant 1 : i32
      %sub3A_209 = arith.subi %add3A_207, %sub3A_208 : i32
      %lt3A_210 = arith.constant 80 : i32
      %lt3A_211 = arith.cmpi slt, %sub3A_209, %lt3A_210 : i32
      %convert_element_type3A_212 = arith.extui %lt3A_211 : i1 to i32
      %cond3A_213 = arith.constant 0 : i32
      %cond3A_214 = arith.cmpi ne, %convert_element_type3A_212, %cond3A_213 : i32
      scf.if %cond3A_214 {
        %add3A_359 = arith.constant 8 : i32
        %add3A_360 = arith.addi %add3A_182, %add3A_359 : i32
        %sub3A_361 = arith.constant 1 : i32
        %sub3A_362 = arith.subi %add3A_360, %sub3A_361 : i32
        %dma_start3A_363 = arith.constant 0 : i32
        %dma_start3A_364 = tpu.memref_slice %arg8[%sub3A_362, %dma_start3A_363] : memref<80x125xi32, #tpu.memory_space<vmem>> -> memref<1x125xi32, #tpu.memory_space<vmem>>
        %dma_start3A_365 = tpu.memref_squeeze %dma_start3A_364 : memref<1x125xi32, #tpu.memory_space<vmem>> -> memref<125xi32, #tpu.memory_space<vmem>>
        %dma_start3A_366 = arith.constant 0 : i32
        %dma_start3A_367 = arith.constant 0 : i32
        %dma_start3A_368 = tpu.memref_slice %arg2[%dma_start3A_366, %dma_start3A_367] : memref<10000x32xf32, #tpu.memory_space<hbm>> -> memref<10000x32xf32, #tpu.memory_space<hbm>>
        tpu.enqueue_indirect_dma source(%dma_start3A_368 : memref<10000x32xf32, #tpu.memory_space<hbm>>) target(%arg13 : memref<125x32xf32, #tpu.memory_space<vmem>>) offsets(%dma_start3A_365 : memref<125xi32, #tpu.memory_space<vmem>>) semaphore(%arg23 : memref<!tpu.dma_semaphore, #tpu.memory_space<semaphore_mem>>)
      } else {
      }
      %mul3A_215 = arith.constant 8 : i32
      %mul3A_216 = arith.muli %scan3A_75, %mul3A_215 : i32
      %add3A_217 = arith.constant 4 : i32
      %add3A_218 = arith.addi %mul3A_216, %add3A_217 : i32
      %dma_wait3A_219 = arith.constant 0 : i32
      %dma_wait3A_220 = tpu.memref_slice %arg8[%add3A_218, %dma_wait3A_219] : memref<80x125xi32, #tpu.memory_space<vmem>> -> memref<1x125xi32, #tpu.memory_space<vmem>>
      %dma_wait3A_221 = tpu.memref_squeeze %dma_wait3A_220 : memref<1x125xi32, #tpu.memory_space<vmem>> -> memref<125xi32, #tpu.memory_space<vmem>>
      %dma_wait3A_222 = arith.constant 0 : i32
      %dma_wait3A_223 = arith.constant 0 : i32
      %dma_wait3A_224 = tpu.memref_slice %arg2[%dma_wait3A_222, %dma_wait3A_223] : memref<10000x32xf32, #tpu.memory_space<hbm>> -> memref<10000x32xf32, #tpu.memory_space<hbm>>
      tpu.wait_indirect_dma semaphore(%arg25 : memref<!tpu.dma_semaphore, #tpu.memory_space<semaphore_mem>>) src(%dma_wait3A_224 : memref<10000x32xf32, #tpu.memory_space<hbm>>) dst(%arg15 : memref<125x32xf32, #tpu.memory_space<vmem>>)
      %dma_start3A_225 = arith.constant 0 : i32
      %dma_start3A_226 = tpu.memref_slice %arg9[%add3A_218, %dma_start3A_225] : memref<80x125xi32, #tpu.memory_space<vmem>> -> memref<1x125xi32, #tpu.memory_space<vmem>>
      %dma_start3A_227 = tpu.memref_squeeze %dma_start3A_226 : memref<1x125xi32, #tpu.memory_space<vmem>> -> memref<125xi32, #tpu.memory_space<vmem>>
      %dma_start3A_228 = arith.constant 0 : i32
      %dma_start3A_229 = arith.constant 0 : i32
      %dma_start3A_230 = tpu.memref_slice %arg20[%dma_start3A_228, %dma_start3A_229] : memref<10240x32xf32, #tpu.memory_space<vmem_shared>> -> memref<10240x32xf32, #tpu.memory_space<vmem_shared>>
      tpu.enqueue_indirect_dma source(%arg15 : memref<125x32xf32, #tpu.memory_space<vmem>>) target(%dma_start3A_230 : memref<10240x32xf32, #tpu.memory_space<vmem_shared>>) offsets(%dma_start3A_227 : memref<125xi32, #tpu.memory_space<vmem>>) semaphore(%arg33 : memref<!tpu.dma_semaphore, #tpu.memory_space<semaphore_mem>>) {add = true}
      %dma_start3A_231 = arith.constant 0 : i32
      %dma_start3A_232 = tpu.memref_slice %arg10[%add3A_218, %dma_start3A_231] : memref<80x125xi32, #tpu.memory_space<vmem>> -> memref<1x125xi32, #tpu.memory_space<vmem>>
      %dma_start3A_233 = tpu.memref_squeeze %dma_start3A_232 : memref<1x125xi32, #tpu.memory_space<vmem>> -> memref<125xi32, #tpu.memory_space<vmem>>
      %dma_start3A_234 = arith.constant 0 : i32
      %dma_start3A_235 = arith.constant 0 : i32
      %dma_start3A_236 = tpu.memref_slice %arg20[%dma_start3A_234, %dma_start3A_235] : memref<10240x32xf32, #tpu.memory_space<vmem_shared>> -> memref<10240x32xf32, #tpu.memory_space<vmem_shared>>
      tpu.enqueue_indirect_dma source(%arg19 : memref<125x32xf32, #tpu.memory_space<vmem>>) target(%dma_start3A_236 : memref<10240x32xf32, #tpu.memory_space<vmem_shared>>) offsets(%dma_start3A_233 : memref<125xi32, #tpu.memory_space<vmem>>) semaphore(%arg33 : memref<!tpu.dma_semaphore, #tpu.memory_space<semaphore_mem>>) {add = true}
      %ge3A_237 = arith.constant 1 : i32
      %ge3A_238 = arith.cmpi sge, %add3A_218, %ge3A_237 : i32
      %convert_element_type3A_239 = arith.extui %ge3A_238 : i1 to i32
      %cond3A_240 = arith.constant 0 : i32
      %cond3A_241 = arith.cmpi ne, %convert_element_type3A_239, %cond3A_240 : i32
      scf.if %cond3A_241 {
        %sub3A_359 = arith.constant 1 : i32
        %sub3A_360 = arith.subi %add3A_218, %sub3A_359 : i32
        %dma_wait3A_361 = arith.constant 0 : i32
        %dma_wait3A_362 = tpu.memref_slice %arg9[%sub3A_360, %dma_wait3A_361] : memref<80x125xi32, #tpu.memory_space<vmem>> -> memref<1x125xi32, #tpu.memory_space<vmem>>
        %dma_wait3A_363 = tpu.memref_squeeze %dma_wait3A_362 : memref<1x125xi32, #tpu.memory_space<vmem>> -> memref<125xi32, #tpu.memory_space<vmem>>
        %dma_wait3A_364 = arith.constant 0 : i32
        %dma_wait3A_365 = arith.constant 0 : i32
        %dma_wait3A_366 = tpu.memref_slice %arg20[%dma_wait3A_364, %dma_wait3A_365] : memref<10240x32xf32, #tpu.memory_space<vmem_shared>> -> memref<10240x32xf32, #tpu.memory_space<vmem_shared>>
        tpu.wait_indirect_dma semaphore(%arg32 : memref<!tpu.dma_semaphore, #tpu.memory_space<semaphore_mem>>) src(%arg14 : memref<125x32xf32, #tpu.memory_space<vmem>>) dst(%dma_wait3A_366 : memref<10240x32xf32, #tpu.memory_space<vmem_shared>>)
        %sub3A_367 = arith.constant 1 : i32
        %sub3A_368 = arith.subi %add3A_218, %sub3A_367 : i32
        %dma_wait3A_369 = arith.constant 0 : i32
        %dma_wait3A_370 = tpu.memref_slice %arg10[%sub3A_368, %dma_wait3A_369] : memref<80x125xi32, #tpu.memory_space<vmem>> -> memref<1x125xi32, #tpu.memory_space<vmem>>
        %dma_wait3A_371 = tpu.memref_squeeze %dma_wait3A_370 : memref<1x125xi32, #tpu.memory_space<vmem>> -> memref<125xi32, #tpu.memory_space<vmem>>
        %dma_wait3A_372 = arith.constant 0 : i32
        %dma_wait3A_373 = arith.constant 0 : i32
        %dma_wait3A_374 = tpu.memref_slice %arg20[%dma_wait3A_372, %dma_wait3A_373] : memref<10240x32xf32, #tpu.memory_space<vmem_shared>> -> memref<10240x32xf32, #tpu.memory_space<vmem_shared>>
        tpu.wait_indirect_dma semaphore(%arg32 : memref<!tpu.dma_semaphore, #tpu.memory_space<semaphore_mem>>) src(%arg19 : memref<125x32xf32, #tpu.memory_space<vmem>>) dst(%dma_wait3A_374 : memref<10240x32xf32, #tpu.memory_space<vmem_shared>>)
      } else {
      }
      %add3A_242 = arith.constant 8 : i32
      %add3A_243 = arith.addi %add3A_218, %add3A_242 : i32
      %sub3A_244 = arith.constant 1 : i32
      %sub3A_245 = arith.subi %add3A_243, %sub3A_244 : i32
      %lt3A_246 = arith.constant 80 : i32
      %lt3A_247 = arith.cmpi slt, %sub3A_245, %lt3A_246 : i32
      %convert_element_type3A_248 = arith.extui %lt3A_247 : i1 to i32
      %cond3A_249 = arith.constant 0 : i32
      %cond3A_250 = arith.cmpi ne, %convert_element_type3A_248, %cond3A_249 : i32
      scf.if %cond3A_250 {
        %add3A_359 = arith.constant 8 : i32
        %add3A_360 = arith.addi %add3A_218, %add3A_359 : i32
        %sub3A_361 = arith.constant 1 : i32
        %sub3A_362 = arith.subi %add3A_360, %sub3A_361 : i32
        %dma_start3A_363 = arith.constant 0 : i32
        %dma_start3A_364 = tpu.memref_slice %arg8[%sub3A_362, %dma_start3A_363] : memref<80x125xi32, #tpu.memory_space<vmem>> -> memref<1x125xi32, #tpu.memory_space<vmem>>
        %dma_start3A_365 = tpu.memref_squeeze %dma_start3A_364 : memref<1x125xi32, #tpu.memory_space<vmem>> -> memref<125xi32, #tpu.memory_space<vmem>>
        %dma_start3A_366 = arith.constant 0 : i32
        %dma_start3A_367 = arith.constant 0 : i32
        %dma_start3A_368 = tpu.memref_slice %arg2[%dma_start3A_366, %dma_start3A_367] : memref<10000x32xf32, #tpu.memory_space<hbm>> -> memref<10000x32xf32, #tpu.memory_space<hbm>>
        tpu.enqueue_indirect_dma source(%dma_start3A_368 : memref<10000x32xf32, #tpu.memory_space<hbm>>) target(%arg14 : memref<125x32xf32, #tpu.memory_space<vmem>>) offsets(%dma_start3A_365 : memref<125xi32, #tpu.memory_space<vmem>>) semaphore(%arg24 : memref<!tpu.dma_semaphore, #tpu.memory_space<semaphore_mem>>)
      } else {
      }
      %mul3A_251 = arith.constant 8 : i32
      %mul3A_252 = arith.muli %scan3A_75, %mul3A_251 : i32
      %add3A_253 = arith.constant 5 : i32
      %add3A_254 = arith.addi %mul3A_252, %add3A_253 : i32
      %dma_wait3A_255 = arith.constant 0 : i32
      %dma_wait3A_256 = tpu.memref_slice %arg8[%add3A_254, %dma_wait3A_255] : memref<80x125xi32, #tpu.memory_space<vmem>> -> memref<1x125xi32, #tpu.memory_space<vmem>>
      %dma_wait3A_257 = tpu.memref_squeeze %dma_wait3A_256 : memref<1x125xi32, #tpu.memory_space<vmem>> -> memref<125xi32, #tpu.memory_space<vmem>>
      %dma_wait3A_258 = arith.constant 0 : i32
      %dma_wait3A_259 = arith.constant 0 : i32
      %dma_wait3A_260 = tpu.memref_slice %arg2[%dma_wait3A_258, %dma_wait3A_259] : memref<10000x32xf32, #tpu.memory_space<hbm>> -> memref<10000x32xf32, #tpu.memory_space<hbm>>
      tpu.wait_indirect_dma semaphore(%arg26 : memref<!tpu.dma_semaphore, #tpu.memory_space<semaphore_mem>>) src(%dma_wait3A_260 : memref<10000x32xf32, #tpu.memory_space<hbm>>) dst(%arg16 : memref<125x32xf32, #tpu.memory_space<vmem>>)
      %dma_start3A_261 = arith.constant 0 : i32
      %dma_start3A_262 = tpu.memref_slice %arg9[%add3A_254, %dma_start3A_261] : memref<80x125xi32, #tpu.memory_space<vmem>> -> memref<1x125xi32, #tpu.memory_space<vmem>>
      %dma_start3A_263 = tpu.memref_squeeze %dma_start3A_262 : memref<1x125xi32, #tpu.memory_space<vmem>> -> memref<125xi32, #tpu.memory_space<vmem>>
      %dma_start3A_264 = arith.constant 0 : i32
      %dma_start3A_265 = arith.constant 0 : i32
      %dma_start3A_266 = tpu.memref_slice %arg20[%dma_start3A_264, %dma_start3A_265] : memref<10240x32xf32, #tpu.memory_space<vmem_shared>> -> memref<10240x32xf32, #tpu.memory_space<vmem_shared>>
      tpu.enqueue_indirect_dma source(%arg16 : memref<125x32xf32, #tpu.memory_space<vmem>>) target(%dma_start3A_266 : memref<10240x32xf32, #tpu.memory_space<vmem_shared>>) offsets(%dma_start3A_263 : memref<125xi32, #tpu.memory_space<vmem>>) semaphore(%arg34 : memref<!tpu.dma_semaphore, #tpu.memory_space<semaphore_mem>>) {add = true}
      %dma_start3A_267 = arith.constant 0 : i32
      %dma_start3A_268 = tpu.memref_slice %arg10[%add3A_254, %dma_start3A_267] : memref<80x125xi32, #tpu.memory_space<vmem>> -> memref<1x125xi32, #tpu.memory_space<vmem>>
      %dma_start3A_269 = tpu.memref_squeeze %dma_start3A_268 : memref<1x125xi32, #tpu.memory_space<vmem>> -> memref<125xi32, #tpu.memory_space<vmem>>
      %dma_start3A_270 = arith.constant 0 : i32
      %dma_start3A_271 = arith.constant 0 : i32
      %dma_start3A_272 = tpu.memref_slice %arg20[%dma_start3A_270, %dma_start3A_271] : memref<10240x32xf32, #tpu.memory_space<vmem_shared>> -> memref<10240x32xf32, #tpu.memory_space<vmem_shared>>
      tpu.enqueue_indirect_dma source(%arg19 : memref<125x32xf32, #tpu.memory_space<vmem>>) target(%dma_start3A_272 : memref<10240x32xf32, #tpu.memory_space<vmem_shared>>) offsets(%dma_start3A_269 : memref<125xi32, #tpu.memory_space<vmem>>) semaphore(%arg34 : memref<!tpu.dma_semaphore, #tpu.memory_space<semaphore_mem>>) {add = true}
      %ge3A_273 = arith.constant 1 : i32
      %ge3A_274 = arith.cmpi sge, %add3A_254, %ge3A_273 : i32
      %convert_element_type3A_275 = arith.extui %ge3A_274 : i1 to i32
      %cond3A_276 = arith.constant 0 : i32
      %cond3A_277 = arith.cmpi ne, %convert_element_type3A_275, %cond3A_276 : i32
      scf.if %cond3A_277 {
        %sub3A_359 = arith.constant 1 : i32
        %sub3A_360 = arith.subi %add3A_254, %sub3A_359 : i32
        %dma_wait3A_361 = arith.constant 0 : i32
        %dma_wait3A_362 = tpu.memref_slice %arg9[%sub3A_360, %dma_wait3A_361] : memref<80x125xi32, #tpu.memory_space<vmem>> -> memref<1x125xi32, #tpu.memory_space<vmem>>
        %dma_wait3A_363 = tpu.memref_squeeze %dma_wait3A_362 : memref<1x125xi32, #tpu.memory_space<vmem>> -> memref<125xi32, #tpu.memory_space<vmem>>
        %dma_wait3A_364 = arith.constant 0 : i32
        %dma_wait3A_365 = arith.constant 0 : i32
        %dma_wait3A_366 = tpu.memref_slice %arg20[%dma_wait3A_364, %dma_wait3A_365] : memref<10240x32xf32, #tpu.memory_space<vmem_shared>> -> memref<10240x32xf32, #tpu.memory_space<vmem_shared>>
        tpu.wait_indirect_dma semaphore(%arg33 : memref<!tpu.dma_semaphore, #tpu.memory_space<semaphore_mem>>) src(%arg15 : memref<125x32xf32, #tpu.memory_space<vmem>>) dst(%dma_wait3A_366 : memref<10240x32xf32, #tpu.memory_space<vmem_shared>>)
        %sub3A_367 = arith.constant 1 : i32
        %sub3A_368 = arith.subi %add3A_254, %sub3A_367 : i32
        %dma_wait3A_369 = arith.constant 0 : i32
        %dma_wait3A_370 = tpu.memref_slice %arg10[%sub3A_368, %dma_wait3A_369] : memref<80x125xi32, #tpu.memory_space<vmem>> -> memref<1x125xi32, #tpu.memory_space<vmem>>
        %dma_wait3A_371 = tpu.memref_squeeze %dma_wait3A_370 : memref<1x125xi32, #tpu.memory_space<vmem>> -> memref<125xi32, #tpu.memory_space<vmem>>
        %dma_wait3A_372 = arith.constant 0 : i32
        %dma_wait3A_373 = arith.constant 0 : i32
        %dma_wait3A_374 = tpu.memref_slice %arg20[%dma_wait3A_372, %dma_wait3A_373] : memref<10240x32xf32, #tpu.memory_space<vmem_shared>> -> memref<10240x32xf32, #tpu.memory_space<vmem_shared>>
        tpu.wait_indirect_dma semaphore(%arg33 : memref<!tpu.dma_semaphore, #tpu.memory_space<semaphore_mem>>) src(%arg19 : memref<125x32xf32, #tpu.memory_space<vmem>>) dst(%dma_wait3A_374 : memref<10240x32xf32, #tpu.memory_space<vmem_shared>>)
      } else {
      }
      %add3A_278 = arith.constant 8 : i32
      %add3A_279 = arith.addi %add3A_254, %add3A_278 : i32
      %sub3A_280 = arith.constant 1 : i32
      %sub3A_281 = arith.subi %add3A_279, %sub3A_280 : i32
      %lt3A_282 = arith.constant 80 : i32
      %lt3A_283 = arith.cmpi slt, %sub3A_281, %lt3A_282 : i32
      %convert_element_type3A_284 = arith.extui %lt3A_283 : i1 to i32
      %cond3A_285 = arith.constant 0 : i32
      %cond3A_286 = arith.cmpi ne, %convert_element_type3A_284, %cond3A_285 : i32
      scf.if %cond3A_286 {
        %add3A_359 = arith.constant 8 : i32
        %add3A_360 = arith.addi %add3A_254, %add3A_359 : i32
        %sub3A_361 = arith.constant 1 : i32
        %sub3A_362 = arith.subi %add3A_360, %sub3A_361 : i32
        %dma_start3A_363 = arith.constant 0 : i32
        %dma_start3A_364 = tpu.memref_slice %arg8[%sub3A_362, %dma_start3A_363] : memref<80x125xi32, #tpu.memory_space<vmem>> -> memref<1x125xi32, #tpu.memory_space<vmem>>
        %dma_start3A_365 = tpu.memref_squeeze %dma_start3A_364 : memref<1x125xi32, #tpu.memory_space<vmem>> -> memref<125xi32, #tpu.memory_space<vmem>>
        %dma_start3A_366 = arith.constant 0 : i32
        %dma_start3A_367 = arith.constant 0 : i32
        %dma_start3A_368 = tpu.memref_slice %arg2[%dma_start3A_366, %dma_start3A_367] : memref<10000x32xf32, #tpu.memory_space<hbm>> -> memref<10000x32xf32, #tpu.memory_space<hbm>>
        tpu.enqueue_indirect_dma source(%dma_start3A_368 : memref<10000x32xf32, #tpu.memory_space<hbm>>) target(%arg15 : memref<125x32xf32, #tpu.memory_space<vmem>>) offsets(%dma_start3A_365 : memref<125xi32, #tpu.memory_space<vmem>>) semaphore(%arg25 : memref<!tpu.dma_semaphore, #tpu.memory_space<semaphore_mem>>)
      } else {
      }
      %mul3A_287 = arith.constant 8 : i32
      %mul3A_288 = arith.muli %scan3A_75, %mul3A_287 : i32
      %add3A_289 = arith.constant 6 : i32
      %add3A_290 = arith.addi %mul3A_288, %add3A_289 : i32
      %dma_wait3A_291 = arith.constant 0 : i32
      %dma_wait3A_292 = tpu.memref_slice %arg8[%add3A_290, %dma_wait3A_291] : memref<80x125xi32, #tpu.memory_space<vmem>> -> memref<1x125xi32, #tpu.memory_space<vmem>>
      %dma_wait3A_293 = tpu.memref_squeeze %dma_wait3A_292 : memref<1x125xi32, #tpu.memory_space<vmem>> -> memref<125xi32, #tpu.memory_space<vmem>>
      %dma_wait3A_294 = arith.constant 0 : i32
      %dma_wait3A_295 = arith.constant 0 : i32
      %dma_wait3A_296 = tpu.memref_slice %arg2[%dma_wait3A_294, %dma_wait3A_295] : memref<10000x32xf32, #tpu.memory_space<hbm>> -> memref<10000x32xf32, #tpu.memory_space<hbm>>
      tpu.wait_indirect_dma semaphore(%arg27 : memref<!tpu.dma_semaphore, #tpu.memory_space<semaphore_mem>>) src(%dma_wait3A_296 : memref<10000x32xf32, #tpu.memory_space<hbm>>) dst(%arg17 : memref<125x32xf32, #tpu.memory_space<vmem>>)
      %dma_start3A_297 = arith.constant 0 : i32
      %dma_start3A_298 = tpu.memref_slice %arg9[%add3A_290, %dma_start3A_297] : memref<80x125xi32, #tpu.memory_space<vmem>> -> memref<1x125xi32, #tpu.memory_space<vmem>>
      %dma_start3A_299 = tpu.memref_squeeze %dma_start3A_298 : memref<1x125xi32, #tpu.memory_space<vmem>> -> memref<125xi32, #tpu.memory_space<vmem>>
      %dma_start3A_300 = arith.constant 0 : i32
      %dma_start3A_301 = arith.constant 0 : i32
      %dma_start3A_302 = tpu.memref_slice %arg20[%dma_start3A_300, %dma_start3A_301] : memref<10240x32xf32, #tpu.memory_space<vmem_shared>> -> memref<10240x32xf32, #tpu.memory_space<vmem_shared>>
      tpu.enqueue_indirect_dma source(%arg17 : memref<125x32xf32, #tpu.memory_space<vmem>>) target(%dma_start3A_302 : memref<10240x32xf32, #tpu.memory_space<vmem_shared>>) offsets(%dma_start3A_299 : memref<125xi32, #tpu.memory_space<vmem>>) semaphore(%arg35 : memref<!tpu.dma_semaphore, #tpu.memory_space<semaphore_mem>>) {add = true}
      %dma_start3A_303 = arith.constant 0 : i32
      %dma_start3A_304 = tpu.memref_slice %arg10[%add3A_290, %dma_start3A_303] : memref<80x125xi32, #tpu.memory_space<vmem>> -> memref<1x125xi32, #tpu.memory_space<vmem>>
      %dma_start3A_305 = tpu.memref_squeeze %dma_start3A_304 : memref<1x125xi32, #tpu.memory_space<vmem>> -> memref<125xi32, #tpu.memory_space<vmem>>
      %dma_start3A_306 = arith.constant 0 : i32
      %dma_start3A_307 = arith.constant 0 : i32
      %dma_start3A_308 = tpu.memref_slice %arg20[%dma_start3A_306, %dma_start3A_307] : memref<10240x32xf32, #tpu.memory_space<vmem_shared>> -> memref<10240x32xf32, #tpu.memory_space<vmem_shared>>
      tpu.enqueue_indirect_dma source(%arg19 : memref<125x32xf32, #tpu.memory_space<vmem>>) target(%dma_start3A_308 : memref<10240x32xf32, #tpu.memory_space<vmem_shared>>) offsets(%dma_start3A_305 : memref<125xi32, #tpu.memory_space<vmem>>) semaphore(%arg35 : memref<!tpu.dma_semaphore, #tpu.memory_space<semaphore_mem>>) {add = true}
      %ge3A_309 = arith.constant 1 : i32
      %ge3A_310 = arith.cmpi sge, %add3A_290, %ge3A_309 : i32
      %convert_element_type3A_311 = arith.extui %ge3A_310 : i1 to i32
      %cond3A_312 = arith.constant 0 : i32
      %cond3A_313 = arith.cmpi ne, %convert_element_type3A_311, %cond3A_312 : i32
      scf.if %cond3A_313 {
        %sub3A_359 = arith.constant 1 : i32
        %sub3A_360 = arith.subi %add3A_290, %sub3A_359 : i32
        %dma_wait3A_361 = arith.constant 0 : i32
        %dma_wait3A_362 = tpu.memref_slice %arg9[%sub3A_360, %dma_wait3A_361] : memref<80x125xi32, #tpu.memory_space<vmem>> -> memref<1x125xi32, #tpu.memory_space<vmem>>
        %dma_wait3A_363 = tpu.memref_squeeze %dma_wait3A_362 : memref<1x125xi32, #tpu.memory_space<vmem>> -> memref<125xi32, #tpu.memory_space<vmem>>
        %dma_wait3A_364 = arith.constant 0 : i32
        %dma_wait3A_365 = arith.constant 0 : i32
        %dma_wait3A_366 = tpu.memref_slice %arg20[%dma_wait3A_364, %dma_wait3A_365] : memref<10240x32xf32, #tpu.memory_space<vmem_shared>> -> memref<10240x32xf32, #tpu.memory_space<vmem_shared>>
        tpu.wait_indirect_dma semaphore(%arg34 : memref<!tpu.dma_semaphore, #tpu.memory_space<semaphore_mem>>) src(%arg16 : memref<125x32xf32, #tpu.memory_space<vmem>>) dst(%dma_wait3A_366 : memref<10240x32xf32, #tpu.memory_space<vmem_shared>>)
        %sub3A_367 = arith.constant 1 : i32
        %sub3A_368 = arith.subi %add3A_290, %sub3A_367 : i32
        %dma_wait3A_369 = arith.constant 0 : i32
        %dma_wait3A_370 = tpu.memref_slice %arg10[%sub3A_368, %dma_wait3A_369] : memref<80x125xi32, #tpu.memory_space<vmem>> -> memref<1x125xi32, #tpu.memory_space<vmem>>
        %dma_wait3A_371 = tpu.memref_squeeze %dma_wait3A_370 : memref<1x125xi32, #tpu.memory_space<vmem>> -> memref<125xi32, #tpu.memory_space<vmem>>
        %dma_wait3A_372 = arith.constant 0 : i32
        %dma_wait3A_373 = arith.constant 0 : i32
        %dma_wait3A_374 = tpu.memref_slice %arg20[%dma_wait3A_372, %dma_wait3A_373] : memref<10240x32xf32, #tpu.memory_space<vmem_shared>> -> memref<10240x32xf32, #tpu.memory_space<vmem_shared>>
        tpu.wait_indirect_dma semaphore(%arg34 : memref<!tpu.dma_semaphore, #tpu.memory_space<semaphore_mem>>) src(%arg19 : memref<125x32xf32, #tpu.memory_space<vmem>>) dst(%dma_wait3A_374 : memref<10240x32xf32, #tpu.memory_space<vmem_shared>>)
      } else {
      }
      %add3A_314 = arith.constant 8 : i32
      %add3A_315 = arith.addi %add3A_290, %add3A_314 : i32
      %sub3A_316 = arith.constant 1 : i32
      %sub3A_317 = arith.subi %add3A_315, %sub3A_316 : i32
      %lt3A_318 = arith.constant 80 : i32
      %lt3A_319 = arith.cmpi slt, %sub3A_317, %lt3A_318 : i32
      %convert_element_type3A_320 = arith.extui %lt3A_319 : i1 to i32
      %cond3A_321 = arith.constant 0 : i32
      %cond3A_322 = arith.cmpi ne, %convert_element_type3A_320, %cond3A_321 : i32
      scf.if %cond3A_322 {
        %add3A_359 = arith.constant 8 : i32
        %add3A_360 = arith.addi %add3A_290, %add3A_359 : i32
        %sub3A_361 = arith.constant 1 : i32
        %sub3A_362 = arith.subi %add3A_360, %sub3A_361 : i32
        %dma_start3A_363 = arith.constant 0 : i32
        %dma_start3A_364 = tpu.memref_slice %arg8[%sub3A_362, %dma_start3A_363] : memref<80x125xi32, #tpu.memory_space<vmem>> -> memref<1x125xi32, #tpu.memory_space<vmem>>
        %dma_start3A_365 = tpu.memref_squeeze %dma_start3A_364 : memref<1x125xi32, #tpu.memory_space<vmem>> -> memref<125xi32, #tpu.memory_space<vmem>>
        %dma_start3A_366 = arith.constant 0 : i32
        %dma_start3A_367 = arith.constant 0 : i32
        %dma_start3A_368 = tpu.memref_slice %arg2[%dma_start3A_366, %dma_start3A_367] : memref<10000x32xf32, #tpu.memory_space<hbm>> -> memref<10000x32xf32, #tpu.memory_space<hbm>>
        tpu.enqueue_indirect_dma source(%dma_start3A_368 : memref<10000x32xf32, #tpu.memory_space<hbm>>) target(%arg16 : memref<125x32xf32, #tpu.memory_space<vmem>>) offsets(%dma_start3A_365 : memref<125xi32, #tpu.memory_space<vmem>>) semaphore(%arg26 : memref<!tpu.dma_semaphore, #tpu.memory_space<semaphore_mem>>)
      } else {
      }
      %mul3A_323 = arith.constant 8 : i32
      %mul3A_324 = arith.muli %scan3A_75, %mul3A_323 : i32
      %add3A_325 = arith.constant 7 : i32
      %add3A_326 = arith.addi %mul3A_324, %add3A_325 : i32
      %dma_wait3A_327 = arith.constant 0 : i32
      %dma_wait3A_328 = tpu.memref_slice %arg8[%add3A_326, %dma_wait3A_327] : memref<80x125xi32, #tpu.memory_space<vmem>> -> memref<1x125xi32, #tpu.memory_space<vmem>>
      %dma_wait3A_329 = tpu.memref_squeeze %dma_wait3A_328 : memref<1x125xi32, #tpu.memory_space<vmem>> -> memref<125xi32, #tpu.memory_space<vmem>>
      %dma_wait3A_330 = arith.constant 0 : i32
      %dma_wait3A_331 = arith.constant 0 : i32
      %dma_wait3A_332 = tpu.memref_slice %arg2[%dma_wait3A_330, %dma_wait3A_331] : memref<10000x32xf32, #tpu.memory_space<hbm>> -> memref<10000x32xf32, #tpu.memory_space<hbm>>
      tpu.wait_indirect_dma semaphore(%arg28 : memref<!tpu.dma_semaphore, #tpu.memory_space<semaphore_mem>>) src(%dma_wait3A_332 : memref<10000x32xf32, #tpu.memory_space<hbm>>) dst(%arg18 : memref<125x32xf32, #tpu.memory_space<vmem>>)
      %dma_start3A_333 = arith.constant 0 : i32
      %dma_start3A_334 = tpu.memref_slice %arg9[%add3A_326, %dma_start3A_333] : memref<80x125xi32, #tpu.memory_space<vmem>> -> memref<1x125xi32, #tpu.memory_space<vmem>>
      %dma_start3A_335 = tpu.memref_squeeze %dma_start3A_334 : memref<1x125xi32, #tpu.memory_space<vmem>> -> memref<125xi32, #tpu.memory_space<vmem>>
      %dma_start3A_336 = arith.constant 0 : i32
      %dma_start3A_337 = arith.constant 0 : i32
      %dma_start3A_338 = tpu.memref_slice %arg20[%dma_start3A_336, %dma_start3A_337] : memref<10240x32xf32, #tpu.memory_space<vmem_shared>> -> memref<10240x32xf32, #tpu.memory_space<vmem_shared>>
      tpu.enqueue_indirect_dma source(%arg18 : memref<125x32xf32, #tpu.memory_space<vmem>>) target(%dma_start3A_338 : memref<10240x32xf32, #tpu.memory_space<vmem_shared>>) offsets(%dma_start3A_335 : memref<125xi32, #tpu.memory_space<vmem>>) semaphore(%arg36 : memref<!tpu.dma_semaphore, #tpu.memory_space<semaphore_mem>>) {add = true}
      %dma_start3A_339 = arith.constant 0 : i32
      %dma_start3A_340 = tpu.memref_slice %arg10[%add3A_326, %dma_start3A_339] : memref<80x125xi32, #tpu.memory_space<vmem>> -> memref<1x125xi32, #tpu.memory_space<vmem>>
      %dma_start3A_341 = tpu.memref_squeeze %dma_start3A_340 : memref<1x125xi32, #tpu.memory_space<vmem>> -> memref<125xi32, #tpu.memory_space<vmem>>
      %dma_start3A_342 = arith.constant 0 : i32
      %dma_start3A_343 = arith.constant 0 : i32
      %dma_start3A_344 = tpu.memref_slice %arg20[%dma_start3A_342, %dma_start3A_343] : memref<10240x32xf32, #tpu.memory_space<vmem_shared>> -> memref<10240x32xf32, #tpu.memory_space<vmem_shared>>
      tpu.enqueue_indirect_dma source(%arg19 : memref<125x32xf32, #tpu.memory_space<vmem>>) target(%dma_start3A_344 : memref<10240x32xf32, #tpu.memory_space<vmem_shared>>) offsets(%dma_start3A_341 : memref<125xi32, #tpu.memory_space<vmem>>) semaphore(%arg36 : memref<!tpu.dma_semaphore, #tpu.memory_space<semaphore_mem>>) {add = true}
      %ge3A_345 = arith.constant 1 : i32
      %ge3A_346 = arith.cmpi sge, %add3A_326, %ge3A_345 : i32
      %convert_element_type3A_347 = arith.extui %ge3A_346 : i1 to i32
      %cond3A_348 = arith.constant 0 : i32
      %cond3A_349 = arith.cmpi ne, %convert_element_type3A_347, %cond3A_348 : i32
      scf.if %cond3A_349 {
        %sub3A_359 = arith.constant 1 : i32
        %sub3A_360 = arith.subi %add3A_326, %sub3A_359 : i32
        %dma_wait3A_361 = arith.constant 0 : i32
        %dma_wait3A_362 = tpu.memref_slice %arg9[%sub3A_360, %dma_wait3A_361] : memref<80x125xi32, #tpu.memory_space<vmem>> -> memref<1x125xi32, #tpu.memory_space<vmem>>
        %dma_wait3A_363 = tpu.memref_squeeze %dma_wait3A_362 : memref<1x125xi32, #tpu.memory_space<vmem>> -> memref<125xi32, #tpu.memory_space<vmem>>
        %dma_wait3A_364 = arith.constant 0 : i32
        %dma_wait3A_365 = arith.constant 0 : i32
        %dma_wait3A_366 = tpu.memref_slice %arg20[%dma_wait3A_364, %dma_wait3A_365] : memref<10240x32xf32, #tpu.memory_space<vmem_shared>> -> memref<10240x32xf32, #tpu.memory_space<vmem_shared>>
        tpu.wait_indirect_dma semaphore(%arg35 : memref<!tpu.dma_semaphore, #tpu.memory_space<semaphore_mem>>) src(%arg17 : memref<125x32xf32, #tpu.memory_space<vmem>>) dst(%dma_wait3A_366 : memref<10240x32xf32, #tpu.memory_space<vmem_shared>>)
        %sub3A_367 = arith.constant 1 : i32
        %sub3A_368 = arith.subi %add3A_326, %sub3A_367 : i32
        %dma_wait3A_369 = arith.constant 0 : i32
        %dma_wait3A_370 = tpu.memref_slice %arg10[%sub3A_368, %dma_wait3A_369] : memref<80x125xi32, #tpu.memory_space<vmem>> -> memref<1x125xi32, #tpu.memory_space<vmem>>
        %dma_wait3A_371 = tpu.memref_squeeze %dma_wait3A_370 : memref<1x125xi32, #tpu.memory_space<vmem>> -> memref<125xi32, #tpu.memory_space<vmem>>
        %dma_wait3A_372 = arith.constant 0 : i32
        %dma_wait3A_373 = arith.constant 0 : i32
        %dma_wait3A_374 = tpu.memref_slice %arg20[%dma_wait3A_372, %dma_wait3A_373] : memref<10240x32xf32, #tpu.memory_space<vmem_shared>> -> memref<10240x32xf32, #tpu.memory_space<vmem_shared>>
        tpu.wait_indirect_dma semaphore(%arg35 : memref<!tpu.dma_semaphore, #tpu.memory_space<semaphore_mem>>) src(%arg19 : memref<125x32xf32, #tpu.memory_space<vmem>>) dst(%dma_wait3A_374 : memref<10240x32xf32, #tpu.memory_space<vmem_shared>>)
      } else {
      }
      %add3A_350 = arith.constant 8 : i32
      %add3A_351 = arith.addi %add3A_326, %add3A_350 : i32
      %sub3A_352 = arith.constant 1 : i32
      %sub3A_353 = arith.subi %add3A_351, %sub3A_352 : i32
      %lt3A_354 = arith.constant 80 : i32
      %lt3A_355 = arith.cmpi slt, %sub3A_353, %lt3A_354 : i32
      %convert_element_type3A_356 = arith.extui %lt3A_355 : i1 to i32
      %cond3A_357 = arith.constant 0 : i32
      %cond3A_358 = arith.cmpi ne, %convert_element_type3A_356, %cond3A_357 : i32
      scf.if %cond3A_358 {
        %add3A_359 = arith.constant 8 : i32
        %add3A_360 = arith.addi %add3A_326, %add3A_359 : i32
        %sub3A_361 = arith.constant 1 : i32
        %sub3A_362 = arith.subi %add3A_360, %sub3A_361 : i32
        %dma_start3A_363 = arith.constant 0 : i32
        %dma_start3A_364 = tpu.memref_slice %arg8[%sub3A_362, %dma_start3A_363] : memref<80x125xi32, #tpu.memory_space<vmem>> -> memref<1x125xi32, #tpu.memory_space<vmem>>
        %dma_start3A_365 = tpu.memref_squeeze %dma_start3A_364 : memref<1x125xi32, #tpu.memory_space<vmem>> -> memref<125xi32, #tpu.memory_space<vmem>>
        %dma_start3A_366 = arith.constant 0 : i32
        %dma_start3A_367 = arith.constant 0 : i32
        %dma_start3A_368 = tpu.memref_slice %arg2[%dma_start3A_366, %dma_start3A_367] : memref<10000x32xf32, #tpu.memory_space<hbm>> -> memref<10000x32xf32, #tpu.memory_space<hbm>>
        tpu.enqueue_indirect_dma source(%dma_start3A_368 : memref<10000x32xf32, #tpu.memory_space<hbm>>) target(%arg17 : memref<125x32xf32, #tpu.memory_space<vmem>>) offsets(%dma_start3A_365 : memref<125xi32, #tpu.memory_space<vmem>>) semaphore(%arg27 : memref<!tpu.dma_semaphore, #tpu.memory_space<semaphore_mem>>)
      } else {
      }
    }
    %scan3A_60 = arith.constant 10 : i32
    %dma_wait3A = arith.constant 79 : i32
    %dma_wait3A_61 = arith.constant 0 : i32
    %dma_wait3A_62 = tpu.memref_slice %arg9[%dma_wait3A, %dma_wait3A_61] : memref<80x125xi32, #tpu.memory_space<vmem>> -> memref<1x125xi32, #tpu.memory_space<vmem>>
    %dma_wait3A_63 = tpu.memref_squeeze %dma_wait3A_62 : memref<1x125xi32, #tpu.memory_space<vmem>> -> memref<125xi32, #tpu.memory_space<vmem>>
    %dma_wait3A_64 = arith.constant 0 : i32
    %dma_wait3A_65 = arith.constant 0 : i32
    %dma_wait3A_66 = tpu.memref_slice %arg20[%dma_wait3A_64, %dma_wait3A_65] : memref<10240x32xf32, #tpu.memory_space<vmem_shared>> -> memref<10240x32xf32, #tpu.memory_space<vmem_shared>>
    tpu.wait_indirect_dma semaphore(%arg36 : memref<!tpu.dma_semaphore, #tpu.memory_space<semaphore_mem>>) src(%arg18 : memref<125x32xf32, #tpu.memory_space<vmem>>) dst(%dma_wait3A_66 : memref<10240x32xf32, #tpu.memory_space<vmem_shared>>)
    %dma_wait3A_67 = arith.constant 79 : i32
    %dma_wait3A_68 = arith.constant 0 : i32
    %dma_wait3A_69 = tpu.memref_slice %arg10[%dma_wait3A_67, %dma_wait3A_68] : memref<80x125xi32, #tpu.memory_space<vmem>> -> memref<1x125xi32, #tpu.memory_space<vmem>>
    %dma_wait3A_70 = tpu.memref_squeeze %dma_wait3A_69 : memref<1x125xi32, #tpu.memory_space<vmem>> -> memref<125xi32, #tpu.memory_space<vmem>>
    %dma_wait3A_71 = arith.constant 0 : i32
    %dma_wait3A_72 = arith.constant 0 : i32
    %dma_wait3A_73 = tpu.memref_slice %arg20[%dma_wait3A_71, %dma_wait3A_72] : memref<10240x32xf32, #tpu.memory_space<vmem_shared>> -> memref<10240x32xf32, #tpu.memory_space<vmem_shared>>
    tpu.wait_indirect_dma semaphore(%arg36 : memref<!tpu.dma_semaphore, #tpu.memory_space<semaphore_mem>>) src(%arg19 : memref<125x32xf32, #tpu.memory_space<vmem>>) dst(%dma_wait3A_73 : memref<10240x32xf32, #tpu.memory_space<vmem_shared>>)
    %barrier3A_74 = arith.constant 0 : index
    tpu.barrier barrier_id(%barrier3A_74)
    "tpu.region"() ({
      %run_scoped3A_75 = tpu.sem_alloc : memref<!tpu.dma_semaphore, #tpu.memory_space<semaphore_mem>>
      %dma_start3A_76 = arith.constant 0 : i32
      %dma_start3A_77 = tpu.memref_slice %arg7[%arg0, %multiple_of3A, %dma_start3A_76] : memref<2x10240x32xf32, #tpu.memory_space<hbm>> -> memref<1x640x32xf32, #tpu.memory_space<hbm>>
      %dma_start3A_78 = tpu.memref_squeeze %dma_start3A_77 : memref<1x640x32xf32, #tpu.memory_space<hbm>> -> memref<640x32xf32, #tpu.memory_space<hbm>>
      %dma_start3A_79 = arith.constant 0 : i32
      %dma_start3A_80 = tpu.memref_slice %arg20[%multiple_of3A, %dma_start3A_79] : memref<10240x32xf32, #tpu.memory_space<vmem_shared>> -> memref<640x32xf32, #tpu.memory_space<vmem_shared>>
      tpu.enqueue_dma source(%dma_start3A_80 : memref<640x32xf32, #tpu.memory_space<vmem_shared>>) target(%dma_start3A_78 : memref<640x32xf32, #tpu.memory_space<hbm>>) target_semaphore(%run_scoped3A_75 : memref<!tpu.dma_semaphore, #tpu.memory_space<semaphore_mem>>)
      %dma_wait3A_81 = arith.constant 0 : i32
      %dma_wait3A_82 = tpu.memref_slice %arg7[%arg0, %multiple_of3A, %dma_wait3A_81] : memref<2x10240x32xf32, #tpu.memory_space<hbm>> -> memref<1x640x32xf32, #tpu.memory_space<hbm>>
      %dma_wait3A_83 = tpu.memref_squeeze %dma_wait3A_82 : memref<1x640x32xf32, #tpu.memory_space<hbm>> -> memref<640x32xf32, #tpu.memory_space<hbm>>
      %dma_wait3A_84 = arith.constant 0 : i32
      %dma_wait3A_85 = tpu.memref_slice %arg20[%multiple_of3A, %dma_wait3A_84] : memref<10240x32xf32, #tpu.memory_space<vmem_shared>> -> memref<640x32xf32, #tpu.memory_space<vmem_shared>>
      tpu.wait_dma2 semaphore(%run_scoped3A_75 : memref<!tpu.dma_semaphore, #tpu.memory_space<semaphore_mem>>) src(%dma_wait3A_85 : memref<640x32xf32, #tpu.memory_space<vmem_shared>>) dst(%dma_wait3A_83 : memref<640x32xf32, #tpu.memory_space<hbm>>)
      tpu.yield
    }) : () -> ()
    return
  }
}

#map = affine_map<(d0, d1) -> (0, 0)>
#map1 = affine_map<(d0, d1) -> (0, 0, 0)>
module attributes {stable_mosaic.version = 14 : i64} {
  func.func @_sc_seg128_body(%arg0: i32, %arg1: i32, %arg2: memref<10000x128xf32, #tpu.memory_space<hbm>>, %arg3: memref<2x2560x125xi32, #tpu.memory_space<hbm>>, %arg4: memref<10240x128xf32, #tpu.memory_space<hbm>>, %arg5: memref<2x10240x128xf32, #tpu.memory_space<hbm>>, %arg6: memref<40x125xi32, #tpu.memory_space<vmem>>, %arg7: memref<40x125xi32, #tpu.memory_space<vmem>>, %arg8: memref<125x128xf32, #tpu.memory_space<vmem>>, %arg9: memref<125x128xf32, #tpu.memory_space<vmem>>, %arg10: memref<10240x128xf32, #tpu.memory_space<vmem_shared>>, %arg11: memref<!tpu.dma_semaphore, #tpu.memory_space<semaphore_mem>>, %arg12: memref<!tpu.dma_semaphore, #tpu.memory_space<semaphore_mem>>, %arg13: memref<!tpu.dma_semaphore, #tpu.memory_space<semaphore_mem>>, %arg14: memref<!tpu.dma_semaphore, #tpu.memory_space<semaphore_mem>>) attributes {dimension_semantics = [#tpu.dimension_semantics<core_parallel>, #tpu.dimension_semantics<subcore_parallel>], iteration_bounds = array<i64: 2, 16>, scalar_prefetch = 0 : i64, scratch_operands = 9 : i64, tpu.core_type = #tpu.core_type<sc_vector_subcore>, window_params = [{transform_indices = #map}, {transform_indices = #map1}, {transform_indices = #map}, {transform_indices = #map1}]} {
    %mul3A = arith.constant 640 : i32
    %mul3A_0 = arith.muli %arg1, %mul3A : i32
    %multiple_of3A = tpu.assume_multiple %mul3A_0, 8 : i32
    "tpu.region"() ({
      %run_scoped3A_58 = tpu.sem_alloc : memref<!tpu.dma_semaphore, #tpu.memory_space<semaphore_mem>>
      %dma_start3A_59 = arith.constant 0 : i32
      %dma_start3A_60 = tpu.memref_slice %arg10[%multiple_of3A, %dma_start3A_59] : memref<10240x128xf32, #tpu.memory_space<vmem_shared>> -> memref<640x128xf32, #tpu.memory_space<vmem_shared>>
      %dma_start3A_61 = arith.constant 0 : i32
      %dma_start3A_62 = tpu.memref_slice %arg4[%multiple_of3A, %dma_start3A_61] : memref<10240x128xf32, #tpu.memory_space<hbm>> -> memref<640x128xf32, #tpu.memory_space<hbm>>
      tpu.enqueue_dma source(%dma_start3A_62 : memref<640x128xf32, #tpu.memory_space<hbm>>) target(%dma_start3A_60 : memref<640x128xf32, #tpu.memory_space<vmem_shared>>) target_semaphore(%run_scoped3A_58 : memref<!tpu.dma_semaphore, #tpu.memory_space<semaphore_mem>>)
      %dma_wait3A = arith.constant 0 : i32
      %dma_wait3A_63 = tpu.memref_slice %arg10[%multiple_of3A, %dma_wait3A] : memref<10240x128xf32, #tpu.memory_space<vmem_shared>> -> memref<640x128xf32, #tpu.memory_space<vmem_shared>>
      %dma_wait3A_64 = arith.constant 0 : i32
      %dma_wait3A_65 = tpu.memref_slice %arg4[%multiple_of3A, %dma_wait3A_64] : memref<10240x128xf32, #tpu.memory_space<hbm>> -> memref<640x128xf32, #tpu.memory_space<hbm>>
      tpu.wait_dma2 semaphore(%run_scoped3A_58 : memref<!tpu.dma_semaphore, #tpu.memory_space<semaphore_mem>>) src(%dma_wait3A_65 : memref<640x128xf32, #tpu.memory_space<hbm>>) dst(%dma_wait3A_63 : memref<640x128xf32, #tpu.memory_space<vmem_shared>>)
      tpu.yield
    }) : () -> ()
    %mul3A_1 = arith.constant 1280 : i32
    %mul3A_2 = arith.muli %arg0, %mul3A_1 : i32
    %mul3A_3 = arith.constant 80 : i32
    %mul3A_4 = arith.muli %arg1, %mul3A_3 : i32
    %add3A = arith.addi %mul3A_2, %mul3A_4 : i32
    %add3A_5 = arith.constant 0 : i32
    %add3A_6 = arith.addi %add3A, %add3A_5 : i32
    %multiple_of3A_7 = tpu.assume_multiple %add3A_6, 8 : i32
    %run_scoped3A = arith.constant 0 : i32
    "tpu.region"() ({
      %run_scoped3A_58 = tpu.sem_alloc : memref<!tpu.dma_semaphore, #tpu.memory_space<semaphore_mem>>
      %dma_start3A_59 = arith.constant 0 : i32
      %dma_start3A_60 = tpu.memref_slice %arg3[%run_scoped3A, %multiple_of3A_7, %dma_start3A_59] : memref<2x2560x125xi32, #tpu.memory_space<hbm>> -> memref<1x40x125xi32, #tpu.memory_space<hbm>>
      %dma_start3A_61 = tpu.memref_squeeze %dma_start3A_60 : memref<1x40x125xi32, #tpu.memory_space<hbm>> -> memref<40x125xi32, #tpu.memory_space<hbm>>
      %dma_start3A_62 = arith.constant 0 : i32
      %dma_start3A_63 = tpu.memref_slice %arg3[%run_scoped3A, %multiple_of3A_7, %dma_start3A_62] : memref<2x2560x125xi32, #tpu.memory_space<hbm>> -> memref<1x40x125xi32, #tpu.memory_space<hbm>>
      %dma_start3A_64 = tpu.memref_squeeze %dma_start3A_63 : memref<1x40x125xi32, #tpu.memory_space<hbm>> -> memref<40x125xi32, #tpu.memory_space<hbm>>
      tpu.enqueue_dma source(%dma_start3A_64 : memref<40x125xi32, #tpu.memory_space<hbm>>) target(%arg6 : memref<40x125xi32, #tpu.memory_space<vmem>>) target_semaphore(%run_scoped3A_58 : memref<!tpu.dma_semaphore, #tpu.memory_space<semaphore_mem>>)
      %dma_wait3A = arith.constant 0 : i32
      %dma_wait3A_65 = tpu.memref_slice %arg3[%run_scoped3A, %multiple_of3A_7, %dma_wait3A] : memref<2x2560x125xi32, #tpu.memory_space<hbm>> -> memref<1x40x125xi32, #tpu.memory_space<hbm>>
      %dma_wait3A_66 = tpu.memref_squeeze %dma_wait3A_65 : memref<1x40x125xi32, #tpu.memory_space<hbm>> -> memref<40x125xi32, #tpu.memory_space<hbm>>
      %dma_wait3A_67 = arith.constant 0 : i32
      %dma_wait3A_68 = tpu.memref_slice %arg3[%run_scoped3A, %multiple_of3A_7, %dma_wait3A_67] : memref<2x2560x125xi32, #tpu.memory_space<hbm>> -> memref<1x40x125xi32, #tpu.memory_space<hbm>>
      %dma_wait3A_69 = tpu.memref_squeeze %dma_wait3A_68 : memref<1x40x125xi32, #tpu.memory_space<hbm>> -> memref<40x125xi32, #tpu.memory_space<hbm>>
      tpu.wait_dma2 semaphore(%run_scoped3A_58 : memref<!tpu.dma_semaphore, #tpu.memory_space<semaphore_mem>>) src(%dma_wait3A_69 : memref<40x125xi32, #tpu.memory_space<hbm>>) dst(%arg6 : memref<40x125xi32, #tpu.memory_space<vmem>>)
      tpu.yield
    }) : () -> ()
    %run_scoped3A_8 = arith.constant 1 : i32
    "tpu.region"() ({
      %run_scoped3A_58 = tpu.sem_alloc : memref<!tpu.dma_semaphore, #tpu.memory_space<semaphore_mem>>
      %dma_start3A_59 = arith.constant 0 : i32
      %dma_start3A_60 = tpu.memref_slice %arg3[%run_scoped3A_8, %multiple_of3A_7, %dma_start3A_59] : memref<2x2560x125xi32, #tpu.memory_space<hbm>> -> memref<1x40x125xi32, #tpu.memory_space<hbm>>
      %dma_start3A_61 = tpu.memref_squeeze %dma_start3A_60 : memref<1x40x125xi32, #tpu.memory_space<hbm>> -> memref<40x125xi32, #tpu.memory_space<hbm>>
      %dma_start3A_62 = arith.constant 0 : i32
      %dma_start3A_63 = tpu.memref_slice %arg3[%run_scoped3A_8, %multiple_of3A_7, %dma_start3A_62] : memref<2x2560x125xi32, #tpu.memory_space<hbm>> -> memref<1x40x125xi32, #tpu.memory_space<hbm>>
      %dma_start3A_64 = tpu.memref_squeeze %dma_start3A_63 : memref<1x40x125xi32, #tpu.memory_space<hbm>> -> memref<40x125xi32, #tpu.memory_space<hbm>>
      tpu.enqueue_dma source(%dma_start3A_64 : memref<40x125xi32, #tpu.memory_space<hbm>>) target(%arg7 : memref<40x125xi32, #tpu.memory_space<vmem>>) target_semaphore(%run_scoped3A_58 : memref<!tpu.dma_semaphore, #tpu.memory_space<semaphore_mem>>)
      %dma_wait3A = arith.constant 0 : i32
      %dma_wait3A_65 = tpu.memref_slice %arg3[%run_scoped3A_8, %multiple_of3A_7, %dma_wait3A] : memref<2x2560x125xi32, #tpu.memory_space<hbm>> -> memref<1x40x125xi32, #tpu.memory_space<hbm>>
      %dma_wait3A_66 = tpu.memref_squeeze %dma_wait3A_65 : memref<1x40x125xi32, #tpu.memory_space<hbm>> -> memref<40x125xi32, #tpu.memory_space<hbm>>
      %dma_wait3A_67 = arith.constant 0 : i32
      %dma_wait3A_68 = tpu.memref_slice %arg3[%run_scoped3A_8, %multiple_of3A_7, %dma_wait3A_67] : memref<2x2560x125xi32, #tpu.memory_space<hbm>> -> memref<1x40x125xi32, #tpu.memory_space<hbm>>
      %dma_wait3A_69 = tpu.memref_squeeze %dma_wait3A_68 : memref<1x40x125xi32, #tpu.memory_space<hbm>> -> memref<40x125xi32, #tpu.memory_space<hbm>>
      tpu.wait_dma2 semaphore(%run_scoped3A_58 : memref<!tpu.dma_semaphore, #tpu.memory_space<semaphore_mem>>) src(%dma_wait3A_69 : memref<40x125xi32, #tpu.memory_space<hbm>>) dst(%arg7 : memref<40x125xi32, #tpu.memory_space<vmem>>)
      tpu.yield
    }) : () -> ()
    %dma_start3A = arith.constant 0 : i32
    %dma_start3A_9 = arith.constant 0 : i32
    %dma_start3A_10 = tpu.memref_slice %arg6[%dma_start3A, %dma_start3A_9] : memref<40x125xi32, #tpu.memory_space<vmem>> -> memref<1x125xi32, #tpu.memory_space<vmem>>
    %dma_start3A_11 = tpu.memref_squeeze %dma_start3A_10 : memref<1x125xi32, #tpu.memory_space<vmem>> -> memref<125xi32, #tpu.memory_space<vmem>>
    %dma_start3A_12 = arith.constant 0 : i32
    %dma_start3A_13 = arith.constant 0 : i32
    %dma_start3A_14 = tpu.memref_slice %arg2[%dma_start3A_12, %dma_start3A_13] : memref<10000x128xf32, #tpu.memory_space<hbm>> -> memref<10000x128xf32, #tpu.memory_space<hbm>>
    tpu.enqueue_indirect_dma source(%dma_start3A_14 : memref<10000x128xf32, #tpu.memory_space<hbm>>) target(%arg8 : memref<125x128xf32, #tpu.memory_space<vmem>>) offsets(%dma_start3A_11 : memref<125xi32, #tpu.memory_space<vmem>>) semaphore(%arg11 : memref<!tpu.dma_semaphore, #tpu.memory_space<semaphore_mem>>)
    %dma_start3A_15 = arith.constant 1 : i32
    %dma_start3A_16 = arith.constant 0 : i32
    %dma_start3A_17 = tpu.memref_slice %arg6[%dma_start3A_15, %dma_start3A_16] : memref<40x125xi32, #tpu.memory_space<vmem>> -> memref<1x125xi32, #tpu.memory_space<vmem>>
    %dma_start3A_18 = tpu.memref_squeeze %dma_start3A_17 : memref<1x125xi32, #tpu.memory_space<vmem>> -> memref<125xi32, #tpu.memory_space<vmem>>
    %dma_start3A_19 = arith.constant 0 : i32
    %dma_start3A_20 = arith.constant 0 : i32
    %dma_start3A_21 = tpu.memref_slice %arg2[%dma_start3A_19, %dma_start3A_20] : memref<10000x128xf32, #tpu.memory_space<hbm>> -> memref<10000x128xf32, #tpu.memory_space<hbm>>
    tpu.enqueue_indirect_dma source(%dma_start3A_21 : memref<10000x128xf32, #tpu.memory_space<hbm>>) target(%arg9 : memref<125x128xf32, #tpu.memory_space<vmem>>) offsets(%dma_start3A_18 : memref<125xi32, #tpu.memory_space<vmem>>) semaphore(%arg12 : memref<!tpu.dma_semaphore, #tpu.memory_space<semaphore_mem>>)
    %barrier3A = arith.constant 0 : index
    tpu.barrier barrier_id(%barrier3A)
    %scan3A = arith.constant 0 : i32
    %scan3A_22 = arith.constant 0 : i32
    %scan3A_23 = arith.constant 20 : i32
    %scan3A_24 = arith.addi %scan3A_22, %scan3A_23 : i32
    %scan3A_25 = arith.constant 1 : i32
    scf.for %scan3A_58 = %scan3A_22 to %scan3A_24 step %scan3A_25  : i32 {
      %mul3A_59 = arith.constant 2 : i32
      %mul3A_60 = arith.muli %scan3A_58, %mul3A_59 : i32
      %add3A_61 = arith.constant 0 : i32
      %add3A_62 = arith.addi %mul3A_60, %add3A_61 : i32
      %dma_wait3A = arith.constant 0 : i32
      %dma_wait3A_63 = tpu.memref_slice %arg6[%add3A_62, %dma_wait3A] : memref<40x125xi32, #tpu.memory_space<vmem>> -> memref<1x125xi32, #tpu.memory_space<vmem>>
      %dma_wait3A_64 = tpu.memref_squeeze %dma_wait3A_63 : memref<1x125xi32, #tpu.memory_space<vmem>> -> memref<125xi32, #tpu.memory_space<vmem>>
      %dma_wait3A_65 = arith.constant 0 : i32
      %dma_wait3A_66 = arith.constant 0 : i32
      %dma_wait3A_67 = tpu.memref_slice %arg2[%dma_wait3A_65, %dma_wait3A_66] : memref<10000x128xf32, #tpu.memory_space<hbm>> -> memref<10000x128xf32, #tpu.memory_space<hbm>>
      tpu.wait_indirect_dma semaphore(%arg11 : memref<!tpu.dma_semaphore, #tpu.memory_space<semaphore_mem>>) src(%dma_wait3A_67 : memref<10000x128xf32, #tpu.memory_space<hbm>>) dst(%arg8 : memref<125x128xf32, #tpu.memory_space<vmem>>)
      "tpu.region"() ({
        %run_scoped3A_89 = tpu.sem_alloc : memref<!tpu.dma_semaphore, #tpu.memory_space<semaphore_mem>>
        %dma_start3A_90 = arith.constant 0 : i32
        %dma_start3A_91 = tpu.memref_slice %arg7[%add3A_62, %dma_start3A_90] : memref<40x125xi32, #tpu.memory_space<vmem>> -> memref<1x125xi32, #tpu.memory_space<vmem>>
        %dma_start3A_92 = tpu.memref_squeeze %dma_start3A_91 : memref<1x125xi32, #tpu.memory_space<vmem>> -> memref<125xi32, #tpu.memory_space<vmem>>
        %dma_start3A_93 = arith.constant 0 : i32
        %dma_start3A_94 = arith.constant 0 : i32
        %dma_start3A_95 = tpu.memref_slice %arg10[%dma_start3A_93, %dma_start3A_94] : memref<10240x128xf32, #tpu.memory_space<vmem_shared>> -> memref<10240x128xf32, #tpu.memory_space<vmem_shared>>
        tpu.enqueue_indirect_dma source(%arg8 : memref<125x128xf32, #tpu.memory_space<vmem>>) target(%dma_start3A_95 : memref<10240x128xf32, #tpu.memory_space<vmem_shared>>) offsets(%dma_start3A_92 : memref<125xi32, #tpu.memory_space<vmem>>) semaphore(%run_scoped3A_89 : memref<!tpu.dma_semaphore, #tpu.memory_space<semaphore_mem>>) {add = true}
        %dma_wait3A_96 = arith.constant 0 : i32
        %dma_wait3A_97 = tpu.memref_slice %arg7[%add3A_62, %dma_wait3A_96] : memref<40x125xi32, #tpu.memory_space<vmem>> -> memref<1x125xi32, #tpu.memory_space<vmem>>
        %dma_wait3A_98 = tpu.memref_squeeze %dma_wait3A_97 : memref<1x125xi32, #tpu.memory_space<vmem>> -> memref<125xi32, #tpu.memory_space<vmem>>
        %dma_wait3A_99 = arith.constant 0 : i32
        %dma_wait3A_100 = arith.constant 0 : i32
        %dma_wait3A_101 = tpu.memref_slice %arg10[%dma_wait3A_99, %dma_wait3A_100] : memref<10240x128xf32, #tpu.memory_space<vmem_shared>> -> memref<10240x128xf32, #tpu.memory_space<vmem_shared>>
        tpu.wait_indirect_dma semaphore(%run_scoped3A_89 : memref<!tpu.dma_semaphore, #tpu.memory_space<semaphore_mem>>) src(%arg8 : memref<125x128xf32, #tpu.memory_space<vmem>>) dst(%dma_wait3A_101 : memref<10240x128xf32, #tpu.memory_space<vmem_shared>>)
        tpu.yield
      }) : () -> ()
      %add3A_68 = arith.constant 2 : i32
      %add3A_69 = arith.addi %add3A_62, %add3A_68 : i32
      %lt3A = arith.constant 40 : i32
      %lt3A_70 = arith.cmpi slt, %add3A_69, %lt3A : i32
      %convert_element_type3A = arith.extui %lt3A_70 : i1 to i32
      %cond3A = arith.constant 0 : i32
      %cond3A_71 = arith.cmpi ne, %convert_element_type3A, %cond3A : i32
      scf.if %cond3A_71 {
        %add3A_89 = arith.constant 2 : i32
        %add3A_90 = arith.addi %add3A_62, %add3A_89 : i32
        %dma_start3A_91 = arith.constant 0 : i32
        %dma_start3A_92 = tpu.memref_slice %arg6[%add3A_90, %dma_start3A_91] : memref<40x125xi32, #tpu.memory_space<vmem>> -> memref<1x125xi32, #tpu.memory_space<vmem>>
        %dma_start3A_93 = tpu.memref_squeeze %dma_start3A_92 : memref<1x125xi32, #tpu.memory_space<vmem>> -> memref<125xi32, #tpu.memory_space<vmem>>
        %dma_start3A_94 = arith.constant 0 : i32
        %dma_start3A_95 = arith.constant 0 : i32
        %dma_start3A_96 = tpu.memref_slice %arg2[%dma_start3A_94, %dma_start3A_95] : memref<10000x128xf32, #tpu.memory_space<hbm>> -> memref<10000x128xf32, #tpu.memory_space<hbm>>
        tpu.enqueue_indirect_dma source(%dma_start3A_96 : memref<10000x128xf32, #tpu.memory_space<hbm>>) target(%arg8 : memref<125x128xf32, #tpu.memory_space<vmem>>) offsets(%dma_start3A_93 : memref<125xi32, #tpu.memory_space<vmem>>) semaphore(%arg11 : memref<!tpu.dma_semaphore, #tpu.memory_space<semaphore_mem>>)
      } else {
      }
      %mul3A_72 = arith.constant 2 : i32
      %mul3A_73 = arith.muli %scan3A_58, %mul3A_72 : i32
      %add3A_74 = arith.constant 1 : i32
      %add3A_75 = arith.addi %mul3A_73, %add3A_74 : i32
      %dma_wait3A_76 = arith.constant 0 : i32
      %dma_wait3A_77 = tpu.memref_slice %arg6[%add3A_75, %dma_wait3A_76] : memref<40x125xi32, #tpu.memory_space<vmem>> -> memref<1x125xi32, #tpu.memory_space<vmem>>
      %dma_wait3A_78 = tpu.memref_squeeze %dma_wait3A_77 : memref<1x125xi32, #tpu.memory_space<vmem>> -> memref<125xi32, #tpu.memory_space<vmem>>
      %dma_wait3A_79 = arith.constant 0 : i32
      %dma_wait3A_80 = arith.constant 0 : i32
      %dma_wait3A_81 = tpu.memref_slice %arg2[%dma_wait3A_79, %dma_wait3A_80] : memref<10000x128xf32, #tpu.memory_space<hbm>> -> memref<10000x128xf32, #tpu.memory_space<hbm>>
      tpu.wait_indirect_dma semaphore(%arg12 : memref<!tpu.dma_semaphore, #tpu.memory_space<semaphore_mem>>) src(%dma_wait3A_81 : memref<10000x128xf32, #tpu.memory_space<hbm>>) dst(%arg9 : memref<125x128xf32, #tpu.memory_space<vmem>>)
      "tpu.region"() ({
        %run_scoped3A_89 = tpu.sem_alloc : memref<!tpu.dma_semaphore, #tpu.memory_space<semaphore_mem>>
        %dma_start3A_90 = arith.constant 0 : i32
        %dma_start3A_91 = tpu.memref_slice %arg7[%add3A_75, %dma_start3A_90] : memref<40x125xi32, #tpu.memory_space<vmem>> -> memref<1x125xi32, #tpu.memory_space<vmem>>
        %dma_start3A_92 = tpu.memref_squeeze %dma_start3A_91 : memref<1x125xi32, #tpu.memory_space<vmem>> -> memref<125xi32, #tpu.memory_space<vmem>>
        %dma_start3A_93 = arith.constant 0 : i32
        %dma_start3A_94 = arith.constant 0 : i32
        %dma_start3A_95 = tpu.memref_slice %arg10[%dma_start3A_93, %dma_start3A_94] : memref<10240x128xf32, #tpu.memory_space<vmem_shared>> -> memref<10240x128xf32, #tpu.memory_space<vmem_shared>>
        tpu.enqueue_indirect_dma source(%arg9 : memref<125x128xf32, #tpu.memory_space<vmem>>) target(%dma_start3A_95 : memref<10240x128xf32, #tpu.memory_space<vmem_shared>>) offsets(%dma_start3A_92 : memref<125xi32, #tpu.memory_space<vmem>>) semaphore(%run_scoped3A_89 : memref<!tpu.dma_semaphore, #tpu.memory_space<semaphore_mem>>) {add = true}
        %dma_wait3A_96 = arith.constant 0 : i32
        %dma_wait3A_97 = tpu.memref_slice %arg7[%add3A_75, %dma_wait3A_96] : memref<40x125xi32, #tpu.memory_space<vmem>> -> memref<1x125xi32, #tpu.memory_space<vmem>>
        %dma_wait3A_98 = tpu.memref_squeeze %dma_wait3A_97 : memref<1x125xi32, #tpu.memory_space<vmem>> -> memref<125xi32, #tpu.memory_space<vmem>>
        %dma_wait3A_99 = arith.constant 0 : i32
        %dma_wait3A_100 = arith.constant 0 : i32
        %dma_wait3A_101 = tpu.memref_slice %arg10[%dma_wait3A_99, %dma_wait3A_100] : memref<10240x128xf32, #tpu.memory_space<vmem_shared>> -> memref<10240x128xf32, #tpu.memory_space<vmem_shared>>
        tpu.wait_indirect_dma semaphore(%run_scoped3A_89 : memref<!tpu.dma_semaphore, #tpu.memory_space<semaphore_mem>>) src(%arg9 : memref<125x128xf32, #tpu.memory_space<vmem>>) dst(%dma_wait3A_101 : memref<10240x128xf32, #tpu.memory_space<vmem_shared>>)
        tpu.yield
      }) : () -> ()
      %add3A_82 = arith.constant 2 : i32
      %add3A_83 = arith.addi %add3A_75, %add3A_82 : i32
      %lt3A_84 = arith.constant 40 : i32
      %lt3A_85 = arith.cmpi slt, %add3A_83, %lt3A_84 : i32
      %convert_element_type3A_86 = arith.extui %lt3A_85 : i1 to i32
      %cond3A_87 = arith.constant 0 : i32
      %cond3A_88 = arith.cmpi ne, %convert_element_type3A_86, %cond3A_87 : i32
      scf.if %cond3A_88 {
        %add3A_89 = arith.constant 2 : i32
        %add3A_90 = arith.addi %add3A_75, %add3A_89 : i32
        %dma_start3A_91 = arith.constant 0 : i32
        %dma_start3A_92 = tpu.memref_slice %arg6[%add3A_90, %dma_start3A_91] : memref<40x125xi32, #tpu.memory_space<vmem>> -> memref<1x125xi32, #tpu.memory_space<vmem>>
        %dma_start3A_93 = tpu.memref_squeeze %dma_start3A_92 : memref<1x125xi32, #tpu.memory_space<vmem>> -> memref<125xi32, #tpu.memory_space<vmem>>
        %dma_start3A_94 = arith.constant 0 : i32
        %dma_start3A_95 = arith.constant 0 : i32
        %dma_start3A_96 = tpu.memref_slice %arg2[%dma_start3A_94, %dma_start3A_95] : memref<10000x128xf32, #tpu.memory_space<hbm>> -> memref<10000x128xf32, #tpu.memory_space<hbm>>
        tpu.enqueue_indirect_dma source(%dma_start3A_96 : memref<10000x128xf32, #tpu.memory_space<hbm>>) target(%arg9 : memref<125x128xf32, #tpu.memory_space<vmem>>) offsets(%dma_start3A_93 : memref<125xi32, #tpu.memory_space<vmem>>) semaphore(%arg12 : memref<!tpu.dma_semaphore, #tpu.memory_space<semaphore_mem>>)
      } else {
      }
    }
    %scan3A_26 = arith.constant 20 : i32
    %mul3A_27 = arith.constant 1280 : i32
    %mul3A_28 = arith.muli %arg0, %mul3A_27 : i32
    %mul3A_29 = arith.constant 80 : i32
    %mul3A_30 = arith.muli %arg1, %mul3A_29 : i32
    %add3A_31 = arith.addi %mul3A_28, %mul3A_30 : i32
    %add3A_32 = arith.constant 40 : i32
    %add3A_33 = arith.addi %add3A_31, %add3A_32 : i32
    %multiple_of3A_34 = tpu.assume_multiple %add3A_33, 8 : i32
    %run_scoped3A_35 = arith.constant 0 : i32
    "tpu.region"() ({
      %run_scoped3A_58 = tpu.sem_alloc : memref<!tpu.dma_semaphore, #tpu.memory_space<semaphore_mem>>
      %dma_start3A_59 = arith.constant 0 : i32
      %dma_start3A_60 = tpu.memref_slice %arg3[%run_scoped3A_35, %multiple_of3A_34, %dma_start3A_59] : memref<2x2560x125xi32, #tpu.memory_space<hbm>> -> memref<1x40x125xi32, #tpu.memory_space<hbm>>
      %dma_start3A_61 = tpu.memref_squeeze %dma_start3A_60 : memref<1x40x125xi32, #tpu.memory_space<hbm>> -> memref<40x125xi32, #tpu.memory_space<hbm>>
      %dma_start3A_62 = arith.constant 0 : i32
      %dma_start3A_63 = tpu.memref_slice %arg3[%run_scoped3A_35, %multiple_of3A_34, %dma_start3A_62] : memref<2x2560x125xi32, #tpu.memory_space<hbm>> -> memref<1x40x125xi32, #tpu.memory_space<hbm>>
      %dma_start3A_64 = tpu.memref_squeeze %dma_start3A_63 : memref<1x40x125xi32, #tpu.memory_space<hbm>> -> memref<40x125xi32, #tpu.memory_space<hbm>>
      tpu.enqueue_dma source(%dma_start3A_64 : memref<40x125xi32, #tpu.memory_space<hbm>>) target(%arg6 : memref<40x125xi32, #tpu.memory_space<vmem>>) target_semaphore(%run_scoped3A_58 : memref<!tpu.dma_semaphore, #tpu.memory_space<semaphore_mem>>)
      %dma_wait3A = arith.constant 0 : i32
      %dma_wait3A_65 = tpu.memref_slice %arg3[%run_scoped3A_35, %multiple_of3A_34, %dma_wait3A] : memref<2x2560x125xi32, #tpu.memory_space<hbm>> -> memref<1x40x125xi32, #tpu.memory_space<hbm>>
      %dma_wait3A_66 = tpu.memref_squeeze %dma_wait3A_65 : memref<1x40x125xi32, #tpu.memory_space<hbm>> -> memref<40x125xi32, #tpu.memory_space<hbm>>
      %dma_wait3A_67 = arith.constant 0 : i32
      %dma_wait3A_68 = tpu.memref_slice %arg3[%run_scoped3A_35, %multiple_of3A_34, %dma_wait3A_67] : memref<2x2560x125xi32, #tpu.memory_space<hbm>> -> memref<1x40x125xi32, #tpu.memory_space<hbm>>
      %dma_wait3A_69 = tpu.memref_squeeze %dma_wait3A_68 : memref<1x40x125xi32, #tpu.memory_space<hbm>> -> memref<40x125xi32, #tpu.memory_space<hbm>>
      tpu.wait_dma2 semaphore(%run_scoped3A_58 : memref<!tpu.dma_semaphore, #tpu.memory_space<semaphore_mem>>) src(%dma_wait3A_69 : memref<40x125xi32, #tpu.memory_space<hbm>>) dst(%arg6 : memref<40x125xi32, #tpu.memory_space<vmem>>)
      tpu.yield
    }) : () -> ()
    %run_scoped3A_36 = arith.constant 1 : i32
    "tpu.region"() ({
      %run_scoped3A_58 = tpu.sem_alloc : memref<!tpu.dma_semaphore, #tpu.memory_space<semaphore_mem>>
      %dma_start3A_59 = arith.constant 0 : i32
      %dma_start3A_60 = tpu.memref_slice %arg3[%run_scoped3A_36, %multiple_of3A_34, %dma_start3A_59] : memref<2x2560x125xi32, #tpu.memory_space<hbm>> -> memref<1x40x125xi32, #tpu.memory_space<hbm>>
      %dma_start3A_61 = tpu.memref_squeeze %dma_start3A_60 : memref<1x40x125xi32, #tpu.memory_space<hbm>> -> memref<40x125xi32, #tpu.memory_space<hbm>>
      %dma_start3A_62 = arith.constant 0 : i32
      %dma_start3A_63 = tpu.memref_slice %arg3[%run_scoped3A_36, %multiple_of3A_34, %dma_start3A_62] : memref<2x2560x125xi32, #tpu.memory_space<hbm>> -> memref<1x40x125xi32, #tpu.memory_space<hbm>>
      %dma_start3A_64 = tpu.memref_squeeze %dma_start3A_63 : memref<1x40x125xi32, #tpu.memory_space<hbm>> -> memref<40x125xi32, #tpu.memory_space<hbm>>
      tpu.enqueue_dma source(%dma_start3A_64 : memref<40x125xi32, #tpu.memory_space<hbm>>) target(%arg7 : memref<40x125xi32, #tpu.memory_space<vmem>>) target_semaphore(%run_scoped3A_58 : memref<!tpu.dma_semaphore, #tpu.memory_space<semaphore_mem>>)
      %dma_wait3A = arith.constant 0 : i32
      %dma_wait3A_65 = tpu.memref_slice %arg3[%run_scoped3A_36, %multiple_of3A_34, %dma_wait3A] : memref<2x2560x125xi32, #tpu.memory_space<hbm>> -> memref<1x40x125xi32, #tpu.memory_space<hbm>>
      %dma_wait3A_66 = tpu.memref_squeeze %dma_wait3A_65 : memref<1x40x125xi32, #tpu.memory_space<hbm>> -> memref<40x125xi32, #tpu.memory_space<hbm>>
      %dma_wait3A_67 = arith.constant 0 : i32
      %dma_wait3A_68 = tpu.memref_slice %arg3[%run_scoped3A_36, %multiple_of3A_34, %dma_wait3A_67] : memref<2x2560x125xi32, #tpu.memory_space<hbm>> -> memref<1x40x125xi32, #tpu.memory_space<hbm>>
      %dma_wait3A_69 = tpu.memref_squeeze %dma_wait3A_68 : memref<1x40x125xi32, #tpu.memory_space<hbm>> -> memref<40x125xi32, #tpu.memory_space<hbm>>
      tpu.wait_dma2 semaphore(%run_scoped3A_58 : memref<!tpu.dma_semaphore, #tpu.memory_space<semaphore_mem>>) src(%dma_wait3A_69 : memref<40x125xi32, #tpu.memory_space<hbm>>) dst(%arg7 : memref<40x125xi32, #tpu.memory_space<vmem>>)
      tpu.yield
    }) : () -> ()
    %dma_start3A_37 = arith.constant 0 : i32
    %dma_start3A_38 = arith.constant 0 : i32
    %dma_start3A_39 = tpu.memref_slice %arg6[%dma_start3A_37, %dma_start3A_38] : memref<40x125xi32, #tpu.memory_space<vmem>> -> memref<1x125xi32, #tpu.memory_space<vmem>>
    %dma_start3A_40 = tpu.memref_squeeze %dma_start3A_39 : memref<1x125xi32, #tpu.memory_space<vmem>> -> memref<125xi32, #tpu.memory_space<vmem>>
    %dma_start3A_41 = arith.constant 0 : i32
    %dma_start3A_42 = arith.constant 0 : i32
    %dma_start3A_43 = tpu.memref_slice %arg2[%dma_start3A_41, %dma_start3A_42] : memref<10000x128xf32, #tpu.memory_space<hbm>> -> memref<10000x128xf32, #tpu.memory_space<hbm>>
    tpu.enqueue_indirect_dma source(%dma_start3A_43 : memref<10000x128xf32, #tpu.memory_space<hbm>>) target(%arg8 : memref<125x128xf32, #tpu.memory_space<vmem>>) offsets(%dma_start3A_40 : memref<125xi32, #tpu.memory_space<vmem>>) semaphore(%arg11 : memref<!tpu.dma_semaphore, #tpu.memory_space<semaphore_mem>>)
    %dma_start3A_44 = arith.constant 1 : i32
    %dma_start3A_45 = arith.constant 0 : i32
    %dma_start3A_46 = tpu.memref_slice %arg6[%dma_start3A_44, %dma_start3A_45] : memref<40x125xi32, #tpu.memory_space<vmem>> -> memref<1x125xi32, #tpu.memory_space<vmem>>
    %dma_start3A_47 = tpu.memref_squeeze %dma_start3A_46 : memref<1x125xi32, #tpu.memory_space<vmem>> -> memref<125xi32, #tpu.memory_space<vmem>>
    %dma_start3A_48 = arith.constant 0 : i32
    %dma_start3A_49 = arith.constant 0 : i32
    %dma_start3A_50 = tpu.memref_slice %arg2[%dma_start3A_48, %dma_start3A_49] : memref<10000x128xf32, #tpu.memory_space<hbm>> -> memref<10000x128xf32, #tpu.memory_space<hbm>>
    tpu.enqueue_indirect_dma source(%dma_start3A_50 : memref<10000x128xf32, #tpu.memory_space<hbm>>) target(%arg9 : memref<125x128xf32, #tpu.memory_space<vmem>>) offsets(%dma_start3A_47 : memref<125xi32, #tpu.memory_space<vmem>>) semaphore(%arg12 : memref<!tpu.dma_semaphore, #tpu.memory_space<semaphore_mem>>)
    %scan3A_51 = arith.constant 0 : i32
    %scan3A_52 = arith.constant 0 : i32
    %scan3A_53 = arith.constant 20 : i32
    %scan3A_54 = arith.addi %scan3A_52, %scan3A_53 : i32
    %scan3A_55 = arith.constant 1 : i32
    scf.for %scan3A_58 = %scan3A_52 to %scan3A_54 step %scan3A_55  : i32 {
      %mul3A_59 = arith.constant 2 : i32
      %mul3A_60 = arith.muli %scan3A_58, %mul3A_59 : i32
      %add3A_61 = arith.constant 0 : i32
      %add3A_62 = arith.addi %mul3A_60, %add3A_61 : i32
      %dma_wait3A = arith.constant 0 : i32
      %dma_wait3A_63 = tpu.memref_slice %arg6[%add3A_62, %dma_wait3A] : memref<40x125xi32, #tpu.memory_space<vmem>> -> memref<1x125xi32, #tpu.memory_space<vmem>>
      %dma_wait3A_64 = tpu.memref_squeeze %dma_wait3A_63 : memref<1x125xi32, #tpu.memory_space<vmem>> -> memref<125xi32, #tpu.memory_space<vmem>>
      %dma_wait3A_65 = arith.constant 0 : i32
      %dma_wait3A_66 = arith.constant 0 : i32
      %dma_wait3A_67 = tpu.memref_slice %arg2[%dma_wait3A_65, %dma_wait3A_66] : memref<10000x128xf32, #tpu.memory_space<hbm>> -> memref<10000x128xf32, #tpu.memory_space<hbm>>
      tpu.wait_indirect_dma semaphore(%arg11 : memref<!tpu.dma_semaphore, #tpu.memory_space<semaphore_mem>>) src(%dma_wait3A_67 : memref<10000x128xf32, #tpu.memory_space<hbm>>) dst(%arg8 : memref<125x128xf32, #tpu.memory_space<vmem>>)
      "tpu.region"() ({
        %run_scoped3A_89 = tpu.sem_alloc : memref<!tpu.dma_semaphore, #tpu.memory_space<semaphore_mem>>
        %dma_start3A_90 = arith.constant 0 : i32
        %dma_start3A_91 = tpu.memref_slice %arg7[%add3A_62, %dma_start3A_90] : memref<40x125xi32, #tpu.memory_space<vmem>> -> memref<1x125xi32, #tpu.memory_space<vmem>>
        %dma_start3A_92 = tpu.memref_squeeze %dma_start3A_91 : memref<1x125xi32, #tpu.memory_space<vmem>> -> memref<125xi32, #tpu.memory_space<vmem>>
        %dma_start3A_93 = arith.constant 0 : i32
        %dma_start3A_94 = arith.constant 0 : i32
        %dma_start3A_95 = tpu.memref_slice %arg10[%dma_start3A_93, %dma_start3A_94] : memref<10240x128xf32, #tpu.memory_space<vmem_shared>> -> memref<10240x128xf32, #tpu.memory_space<vmem_shared>>
        tpu.enqueue_indirect_dma source(%arg8 : memref<125x128xf32, #tpu.memory_space<vmem>>) target(%dma_start3A_95 : memref<10240x128xf32, #tpu.memory_space<vmem_shared>>) offsets(%dma_start3A_92 : memref<125xi32, #tpu.memory_space<vmem>>) semaphore(%run_scoped3A_89 : memref<!tpu.dma_semaphore, #tpu.memory_space<semaphore_mem>>) {add = true}
        %dma_wait3A_96 = arith.constant 0 : i32
        %dma_wait3A_97 = tpu.memref_slice %arg7[%add3A_62, %dma_wait3A_96] : memref<40x125xi32, #tpu.memory_space<vmem>> -> memref<1x125xi32, #tpu.memory_space<vmem>>
        %dma_wait3A_98 = tpu.memref_squeeze %dma_wait3A_97 : memref<1x125xi32, #tpu.memory_space<vmem>> -> memref<125xi32, #tpu.memory_space<vmem>>
        %dma_wait3A_99 = arith.constant 0 : i32
        %dma_wait3A_100 = arith.constant 0 : i32
        %dma_wait3A_101 = tpu.memref_slice %arg10[%dma_wait3A_99, %dma_wait3A_100] : memref<10240x128xf32, #tpu.memory_space<vmem_shared>> -> memref<10240x128xf32, #tpu.memory_space<vmem_shared>>
        tpu.wait_indirect_dma semaphore(%run_scoped3A_89 : memref<!tpu.dma_semaphore, #tpu.memory_space<semaphore_mem>>) src(%arg8 : memref<125x128xf32, #tpu.memory_space<vmem>>) dst(%dma_wait3A_101 : memref<10240x128xf32, #tpu.memory_space<vmem_shared>>)
        tpu.yield
      }) : () -> ()
      %add3A_68 = arith.constant 2 : i32
      %add3A_69 = arith.addi %add3A_62, %add3A_68 : i32
      %lt3A = arith.constant 40 : i32
      %lt3A_70 = arith.cmpi slt, %add3A_69, %lt3A : i32
      %convert_element_type3A = arith.extui %lt3A_70 : i1 to i32
      %cond3A = arith.constant 0 : i32
      %cond3A_71 = arith.cmpi ne, %convert_element_type3A, %cond3A : i32
      scf.if %cond3A_71 {
        %add3A_89 = arith.constant 2 : i32
        %add3A_90 = arith.addi %add3A_62, %add3A_89 : i32
        %dma_start3A_91 = arith.constant 0 : i32
        %dma_start3A_92 = tpu.memref_slice %arg6[%add3A_90, %dma_start3A_91] : memref<40x125xi32, #tpu.memory_space<vmem>> -> memref<1x125xi32, #tpu.memory_space<vmem>>
        %dma_start3A_93 = tpu.memref_squeeze %dma_start3A_92 : memref<1x125xi32, #tpu.memory_space<vmem>> -> memref<125xi32, #tpu.memory_space<vmem>>
        %dma_start3A_94 = arith.constant 0 : i32
        %dma_start3A_95 = arith.constant 0 : i32
        %dma_start3A_96 = tpu.memref_slice %arg2[%dma_start3A_94, %dma_start3A_95] : memref<10000x128xf32, #tpu.memory_space<hbm>> -> memref<10000x128xf32, #tpu.memory_space<hbm>>
        tpu.enqueue_indirect_dma source(%dma_start3A_96 : memref<10000x128xf32, #tpu.memory_space<hbm>>) target(%arg8 : memref<125x128xf32, #tpu.memory_space<vmem>>) offsets(%dma_start3A_93 : memref<125xi32, #tpu.memory_space<vmem>>) semaphore(%arg11 : memref<!tpu.dma_semaphore, #tpu.memory_space<semaphore_mem>>)
      } else {
      }
      %mul3A_72 = arith.constant 2 : i32
      %mul3A_73 = arith.muli %scan3A_58, %mul3A_72 : i32
      %add3A_74 = arith.constant 1 : i32
      %add3A_75 = arith.addi %mul3A_73, %add3A_74 : i32
      %dma_wait3A_76 = arith.constant 0 : i32
      %dma_wait3A_77 = tpu.memref_slice %arg6[%add3A_75, %dma_wait3A_76] : memref<40x125xi32, #tpu.memory_space<vmem>> -> memref<1x125xi32, #tpu.memory_space<vmem>>
      %dma_wait3A_78 = tpu.memref_squeeze %dma_wait3A_77 : memref<1x125xi32, #tpu.memory_space<vmem>> -> memref<125xi32, #tpu.memory_space<vmem>>
      %dma_wait3A_79 = arith.constant 0 : i32
      %dma_wait3A_80 = arith.constant 0 : i32
      %dma_wait3A_81 = tpu.memref_slice %arg2[%dma_wait3A_79, %dma_wait3A_80] : memref<10000x128xf32, #tpu.memory_space<hbm>> -> memref<10000x128xf32, #tpu.memory_space<hbm>>
      tpu.wait_indirect_dma semaphore(%arg12 : memref<!tpu.dma_semaphore, #tpu.memory_space<semaphore_mem>>) src(%dma_wait3A_81 : memref<10000x128xf32, #tpu.memory_space<hbm>>) dst(%arg9 : memref<125x128xf32, #tpu.memory_space<vmem>>)
      "tpu.region"() ({
        %run_scoped3A_89 = tpu.sem_alloc : memref<!tpu.dma_semaphore, #tpu.memory_space<semaphore_mem>>
        %dma_start3A_90 = arith.constant 0 : i32
        %dma_start3A_91 = tpu.memref_slice %arg7[%add3A_75, %dma_start3A_90] : memref<40x125xi32, #tpu.memory_space<vmem>> -> memref<1x125xi32, #tpu.memory_space<vmem>>
        %dma_start3A_92 = tpu.memref_squeeze %dma_start3A_91 : memref<1x125xi32, #tpu.memory_space<vmem>> -> memref<125xi32, #tpu.memory_space<vmem>>
        %dma_start3A_93 = arith.constant 0 : i32
        %dma_start3A_94 = arith.constant 0 : i32
        %dma_start3A_95 = tpu.memref_slice %arg10[%dma_start3A_93, %dma_start3A_94] : memref<10240x128xf32, #tpu.memory_space<vmem_shared>> -> memref<10240x128xf32, #tpu.memory_space<vmem_shared>>
        tpu.enqueue_indirect_dma source(%arg9 : memref<125x128xf32, #tpu.memory_space<vmem>>) target(%dma_start3A_95 : memref<10240x128xf32, #tpu.memory_space<vmem_shared>>) offsets(%dma_start3A_92 : memref<125xi32, #tpu.memory_space<vmem>>) semaphore(%run_scoped3A_89 : memref<!tpu.dma_semaphore, #tpu.memory_space<semaphore_mem>>) {add = true}
        %dma_wait3A_96 = arith.constant 0 : i32
        %dma_wait3A_97 = tpu.memref_slice %arg7[%add3A_75, %dma_wait3A_96] : memref<40x125xi32, #tpu.memory_space<vmem>> -> memref<1x125xi32, #tpu.memory_space<vmem>>
        %dma_wait3A_98 = tpu.memref_squeeze %dma_wait3A_97 : memref<1x125xi32, #tpu.memory_space<vmem>> -> memref<125xi32, #tpu.memory_space<vmem>>
        %dma_wait3A_99 = arith.constant 0 : i32
        %dma_wait3A_100 = arith.constant 0 : i32
        %dma_wait3A_101 = tpu.memref_slice %arg10[%dma_wait3A_99, %dma_wait3A_100] : memref<10240x128xf32, #tpu.memory_space<vmem_shared>> -> memref<10240x128xf32, #tpu.memory_space<vmem_shared>>
        tpu.wait_indirect_dma semaphore(%run_scoped3A_89 : memref<!tpu.dma_semaphore, #tpu.memory_space<semaphore_mem>>) src(%arg9 : memref<125x128xf32, #tpu.memory_space<vmem>>) dst(%dma_wait3A_101 : memref<10240x128xf32, #tpu.memory_space<vmem_shared>>)
        tpu.yield
      }) : () -> ()
      %add3A_82 = arith.constant 2 : i32
      %add3A_83 = arith.addi %add3A_75, %add3A_82 : i32
      %lt3A_84 = arith.constant 40 : i32
      %lt3A_85 = arith.cmpi slt, %add3A_83, %lt3A_84 : i32
      %convert_element_type3A_86 = arith.extui %lt3A_85 : i1 to i32
      %cond3A_87 = arith.constant 0 : i32
      %cond3A_88 = arith.cmpi ne, %convert_element_type3A_86, %cond3A_87 : i32
      scf.if %cond3A_88 {
        %add3A_89 = arith.constant 2 : i32
        %add3A_90 = arith.addi %add3A_75, %add3A_89 : i32
        %dma_start3A_91 = arith.constant 0 : i32
        %dma_start3A_92 = tpu.memref_slice %arg6[%add3A_90, %dma_start3A_91] : memref<40x125xi32, #tpu.memory_space<vmem>> -> memref<1x125xi32, #tpu.memory_space<vmem>>
        %dma_start3A_93 = tpu.memref_squeeze %dma_start3A_92 : memref<1x125xi32, #tpu.memory_space<vmem>> -> memref<125xi32, #tpu.memory_space<vmem>>
        %dma_start3A_94 = arith.constant 0 : i32
        %dma_start3A_95 = arith.constant 0 : i32
        %dma_start3A_96 = tpu.memref_slice %arg2[%dma_start3A_94, %dma_start3A_95] : memref<10000x128xf32, #tpu.memory_space<hbm>> -> memref<10000x128xf32, #tpu.memory_space<hbm>>
        tpu.enqueue_indirect_dma source(%dma_start3A_96 : memref<10000x128xf32, #tpu.memory_space<hbm>>) target(%arg9 : memref<125x128xf32, #tpu.memory_space<vmem>>) offsets(%dma_start3A_93 : memref<125xi32, #tpu.memory_space<vmem>>) semaphore(%arg12 : memref<!tpu.dma_semaphore, #tpu.memory_space<semaphore_mem>>)
      } else {
      }
    }
    %scan3A_56 = arith.constant 20 : i32
    %barrier3A_57 = arith.constant 0 : index
    tpu.barrier barrier_id(%barrier3A_57)
    "tpu.region"() ({
      %run_scoped3A_58 = tpu.sem_alloc : memref<!tpu.dma_semaphore, #tpu.memory_space<semaphore_mem>>
      %dma_start3A_59 = arith.constant 0 : i32
      %dma_start3A_60 = tpu.memref_slice %arg5[%arg0, %multiple_of3A, %dma_start3A_59] : memref<2x10240x128xf32, #tpu.memory_space<hbm>> -> memref<1x640x128xf32, #tpu.memory_space<hbm>>
      %dma_start3A_61 = tpu.memref_squeeze %dma_start3A_60 : memref<1x640x128xf32, #tpu.memory_space<hbm>> -> memref<640x128xf32, #tpu.memory_space<hbm>>
      %dma_start3A_62 = arith.constant 0 : i32
      %dma_start3A_63 = tpu.memref_slice %arg10[%multiple_of3A, %dma_start3A_62] : memref<10240x128xf32, #tpu.memory_space<vmem_shared>> -> memref<640x128xf32, #tpu.memory_space<vmem_shared>>
      tpu.enqueue_dma source(%dma_start3A_63 : memref<640x128xf32, #tpu.memory_space<vmem_shared>>) target(%dma_start3A_61 : memref<640x128xf32, #tpu.memory_space<hbm>>) target_semaphore(%run_scoped3A_58 : memref<!tpu.dma_semaphore, #tpu.memory_space<semaphore_mem>>)
      %dma_wait3A = arith.constant 0 : i32
      %dma_wait3A_64 = tpu.memref_slice %arg5[%arg0, %multiple_of3A, %dma_wait3A] : memref<2x10240x128xf32, #tpu.memory_space<hbm>> -> memref<1x640x128xf32, #tpu.memory_space<hbm>>
      %dma_wait3A_65 = tpu.memref_squeeze %dma_wait3A_64 : memref<1x640x128xf32, #tpu.memory_space<hbm>> -> memref<640x128xf32, #tpu.memory_space<hbm>>
      %dma_wait3A_66 = arith.constant 0 : i32
      %dma_wait3A_67 = tpu.memref_slice %arg10[%multiple_of3A, %dma_wait3A_66] : memref<10240x128xf32, #tpu.memory_space<vmem_shared>> -> memref<640x128xf32, #tpu.memory_space<vmem_shared>>
      tpu.wait_dma2 semaphore(%run_scoped3A_58 : memref<!tpu.dma_semaphore, #tpu.memory_space<semaphore_mem>>) src(%dma_wait3A_67 : memref<640x128xf32, #tpu.memory_space<vmem_shared>>) dst(%dma_wait3A_65 : memref<640x128xf32, #tpu.memory_space<hbm>>)
      tpu.yield
    }) : () -> ()
    return
  }
}

#map = affine_map<(d0, d1) -> (0, 0)>
#map1 = affine_map<(d0, d1) -> (0, 0, 0)>
module attributes {stable_mosaic.version = 14 : i64} {
  func.func @_sc_seg128_body(%arg0: i32, %arg1: i32, %arg2: memref<10000x128xf32, #tpu.memory_space<hbm>>, %arg3: memref<2x2560x125xi32, #tpu.memory_space<hbm>>, %arg4: memref<10240x128xf32, #tpu.memory_space<hbm>>, %arg5: memref<2x10240x128xf32, #tpu.memory_space<hbm>>, %arg6: memref<40x125xi32, #tpu.memory_space<vmem>>, %arg7: memref<40x125xi32, #tpu.memory_space<vmem>>, %arg8: memref<125x128xf32, #tpu.memory_space<vmem>>, %arg9: memref<125x128xf32, #tpu.memory_space<vmem>>, %arg10: memref<10240x128xf32, #tpu.memory_space<vmem_shared>>, %arg11: memref<!tpu.dma_semaphore, #tpu.memory_space<semaphore_mem>>, %arg12: memref<!tpu.dma_semaphore, #tpu.memory_space<semaphore_mem>>, %arg13: memref<!tpu.dma_semaphore, #tpu.memory_space<semaphore_mem>>, %arg14: memref<!tpu.dma_semaphore, #tpu.memory_space<semaphore_mem>>) attributes {dimension_semantics = [#tpu.dimension_semantics<core_parallel>, #tpu.dimension_semantics<subcore_parallel>], iteration_bounds = array<i64: 2, 16>, scalar_prefetch = 0 : i64, scratch_operands = 9 : i64, tpu.core_type = #tpu.core_type<sc_vector_subcore>, window_params = [{transform_indices = #map}, {transform_indices = #map1}, {transform_indices = #map}, {transform_indices = #map1}]} {
    %mul3A = arith.constant 640 : i32
    %mul3A_0 = arith.muli %arg1, %mul3A : i32
    %multiple_of3A = tpu.assume_multiple %mul3A_0, 8 : i32
    "tpu.region"() ({
      %run_scoped3A_58 = tpu.sem_alloc : memref<!tpu.dma_semaphore, #tpu.memory_space<semaphore_mem>>
      %dma_start3A_59 = arith.constant 0 : i32
      %dma_start3A_60 = tpu.memref_slice %arg10[%multiple_of3A, %dma_start3A_59] : memref<10240x128xf32, #tpu.memory_space<vmem_shared>> -> memref<640x128xf32, #tpu.memory_space<vmem_shared>>
      %dma_start3A_61 = arith.constant 0 : i32
      %dma_start3A_62 = tpu.memref_slice %arg4[%multiple_of3A, %dma_start3A_61] : memref<10240x128xf32, #tpu.memory_space<hbm>> -> memref<640x128xf32, #tpu.memory_space<hbm>>
      tpu.enqueue_dma source(%dma_start3A_62 : memref<640x128xf32, #tpu.memory_space<hbm>>) target(%dma_start3A_60 : memref<640x128xf32, #tpu.memory_space<vmem_shared>>) target_semaphore(%run_scoped3A_58 : memref<!tpu.dma_semaphore, #tpu.memory_space<semaphore_mem>>)
      %dma_wait3A = arith.constant 0 : i32
      %dma_wait3A_63 = tpu.memref_slice %arg10[%multiple_of3A, %dma_wait3A] : memref<10240x128xf32, #tpu.memory_space<vmem_shared>> -> memref<640x128xf32, #tpu.memory_space<vmem_shared>>
      %dma_wait3A_64 = arith.constant 0 : i32
      %dma_wait3A_65 = tpu.memref_slice %arg4[%multiple_of3A, %dma_wait3A_64] : memref<10240x128xf32, #tpu.memory_space<hbm>> -> memref<640x128xf32, #tpu.memory_space<hbm>>
      tpu.wait_dma2 semaphore(%run_scoped3A_58 : memref<!tpu.dma_semaphore, #tpu.memory_space<semaphore_mem>>) src(%dma_wait3A_65 : memref<640x128xf32, #tpu.memory_space<hbm>>) dst(%dma_wait3A_63 : memref<640x128xf32, #tpu.memory_space<vmem_shared>>)
      tpu.yield
    }) : () -> ()
    %mul3A_1 = arith.constant 1280 : i32
    %mul3A_2 = arith.muli %arg0, %mul3A_1 : i32
    %mul3A_3 = arith.constant 80 : i32
    %mul3A_4 = arith.muli %arg1, %mul3A_3 : i32
    %add3A = arith.addi %mul3A_2, %mul3A_4 : i32
    %add3A_5 = arith.constant 0 : i32
    %add3A_6 = arith.addi %add3A, %add3A_5 : i32
    %multiple_of3A_7 = tpu.assume_multiple %add3A_6, 8 : i32
    %run_scoped3A = arith.constant 0 : i32
    "tpu.region"() ({
      %run_scoped3A_58 = tpu.sem_alloc : memref<!tpu.dma_semaphore, #tpu.memory_space<semaphore_mem>>
      %dma_start3A_59 = arith.constant 0 : i32
      %dma_start3A_60 = tpu.memref_slice %arg3[%run_scoped3A, %multiple_of3A_7, %dma_start3A_59] : memref<2x2560x125xi32, #tpu.memory_space<hbm>> -> memref<1x40x125xi32, #tpu.memory_space<hbm>>
      %dma_start3A_61 = tpu.memref_squeeze %dma_start3A_60 : memref<1x40x125xi32, #tpu.memory_space<hbm>> -> memref<40x125xi32, #tpu.memory_space<hbm>>
      %dma_start3A_62 = arith.constant 0 : i32
      %dma_start3A_63 = tpu.memref_slice %arg3[%run_scoped3A, %multiple_of3A_7, %dma_start3A_62] : memref<2x2560x125xi32, #tpu.memory_space<hbm>> -> memref<1x40x125xi32, #tpu.memory_space<hbm>>
      %dma_start3A_64 = tpu.memref_squeeze %dma_start3A_63 : memref<1x40x125xi32, #tpu.memory_space<hbm>> -> memref<40x125xi32, #tpu.memory_space<hbm>>
      tpu.enqueue_dma source(%dma_start3A_64 : memref<40x125xi32, #tpu.memory_space<hbm>>) target(%arg6 : memref<40x125xi32, #tpu.memory_space<vmem>>) target_semaphore(%run_scoped3A_58 : memref<!tpu.dma_semaphore, #tpu.memory_space<semaphore_mem>>)
      %dma_wait3A = arith.constant 0 : i32
      %dma_wait3A_65 = tpu.memref_slice %arg3[%run_scoped3A, %multiple_of3A_7, %dma_wait3A] : memref<2x2560x125xi32, #tpu.memory_space<hbm>> -> memref<1x40x125xi32, #tpu.memory_space<hbm>>
      %dma_wait3A_66 = tpu.memref_squeeze %dma_wait3A_65 : memref<1x40x125xi32, #tpu.memory_space<hbm>> -> memref<40x125xi32, #tpu.memory_space<hbm>>
      %dma_wait3A_67 = arith.constant 0 : i32
      %dma_wait3A_68 = tpu.memref_slice %arg3[%run_scoped3A, %multiple_of3A_7, %dma_wait3A_67] : memref<2x2560x125xi32, #tpu.memory_space<hbm>> -> memref<1x40x125xi32, #tpu.memory_space<hbm>>
      %dma_wait3A_69 = tpu.memref_squeeze %dma_wait3A_68 : memref<1x40x125xi32, #tpu.memory_space<hbm>> -> memref<40x125xi32, #tpu.memory_space<hbm>>
      tpu.wait_dma2 semaphore(%run_scoped3A_58 : memref<!tpu.dma_semaphore, #tpu.memory_space<semaphore_mem>>) src(%dma_wait3A_69 : memref<40x125xi32, #tpu.memory_space<hbm>>) dst(%arg6 : memref<40x125xi32, #tpu.memory_space<vmem>>)
      tpu.yield
    }) : () -> ()
    %run_scoped3A_8 = arith.constant 1 : i32
    "tpu.region"() ({
      %run_scoped3A_58 = tpu.sem_alloc : memref<!tpu.dma_semaphore, #tpu.memory_space<semaphore_mem>>
      %dma_start3A_59 = arith.constant 0 : i32
      %dma_start3A_60 = tpu.memref_slice %arg3[%run_scoped3A_8, %multiple_of3A_7, %dma_start3A_59] : memref<2x2560x125xi32, #tpu.memory_space<hbm>> -> memref<1x40x125xi32, #tpu.memory_space<hbm>>
      %dma_start3A_61 = tpu.memref_squeeze %dma_start3A_60 : memref<1x40x125xi32, #tpu.memory_space<hbm>> -> memref<40x125xi32, #tpu.memory_space<hbm>>
      %dma_start3A_62 = arith.constant 0 : i32
      %dma_start3A_63 = tpu.memref_slice %arg3[%run_scoped3A_8, %multiple_of3A_7, %dma_start3A_62] : memref<2x2560x125xi32, #tpu.memory_space<hbm>> -> memref<1x40x125xi32, #tpu.memory_space<hbm>>
      %dma_start3A_64 = tpu.memref_squeeze %dma_start3A_63 : memref<1x40x125xi32, #tpu.memory_space<hbm>> -> memref<40x125xi32, #tpu.memory_space<hbm>>
      tpu.enqueue_dma source(%dma_start3A_64 : memref<40x125xi32, #tpu.memory_space<hbm>>) target(%arg7 : memref<40x125xi32, #tpu.memory_space<vmem>>) target_semaphore(%run_scoped3A_58 : memref<!tpu.dma_semaphore, #tpu.memory_space<semaphore_mem>>)
      %dma_wait3A = arith.constant 0 : i32
      %dma_wait3A_65 = tpu.memref_slice %arg3[%run_scoped3A_8, %multiple_of3A_7, %dma_wait3A] : memref<2x2560x125xi32, #tpu.memory_space<hbm>> -> memref<1x40x125xi32, #tpu.memory_space<hbm>>
      %dma_wait3A_66 = tpu.memref_squeeze %dma_wait3A_65 : memref<1x40x125xi32, #tpu.memory_space<hbm>> -> memref<40x125xi32, #tpu.memory_space<hbm>>
      %dma_wait3A_67 = arith.constant 0 : i32
      %dma_wait3A_68 = tpu.memref_slice %arg3[%run_scoped3A_8, %multiple_of3A_7, %dma_wait3A_67] : memref<2x2560x125xi32, #tpu.memory_space<hbm>> -> memref<1x40x125xi32, #tpu.memory_space<hbm>>
      %dma_wait3A_69 = tpu.memref_squeeze %dma_wait3A_68 : memref<1x40x125xi32, #tpu.memory_space<hbm>> -> memref<40x125xi32, #tpu.memory_space<hbm>>
      tpu.wait_dma2 semaphore(%run_scoped3A_58 : memref<!tpu.dma_semaphore, #tpu.memory_space<semaphore_mem>>) src(%dma_wait3A_69 : memref<40x125xi32, #tpu.memory_space<hbm>>) dst(%arg7 : memref<40x125xi32, #tpu.memory_space<vmem>>)
      tpu.yield
    }) : () -> ()
    %dma_start3A = arith.constant 0 : i32
    %dma_start3A_9 = arith.constant 0 : i32
    %dma_start3A_10 = tpu.memref_slice %arg6[%dma_start3A, %dma_start3A_9] : memref<40x125xi32, #tpu.memory_space<vmem>> -> memref<1x125xi32, #tpu.memory_space<vmem>>
    %dma_start3A_11 = tpu.memref_squeeze %dma_start3A_10 : memref<1x125xi32, #tpu.memory_space<vmem>> -> memref<125xi32, #tpu.memory_space<vmem>>
    %dma_start3A_12 = arith.constant 0 : i32
    %dma_start3A_13 = arith.constant 0 : i32
    %dma_start3A_14 = tpu.memref_slice %arg2[%dma_start3A_12, %dma_start3A_13] : memref<10000x128xf32, #tpu.memory_space<hbm>> -> memref<10000x128xf32, #tpu.memory_space<hbm>>
    tpu.enqueue_indirect_dma source(%dma_start3A_14 : memref<10000x128xf32, #tpu.memory_space<hbm>>) target(%arg8 : memref<125x128xf32, #tpu.memory_space<vmem>>) offsets(%dma_start3A_11 : memref<125xi32, #tpu.memory_space<vmem>>) semaphore(%arg11 : memref<!tpu.dma_semaphore, #tpu.memory_space<semaphore_mem>>)
    %dma_start3A_15 = arith.constant 1 : i32
    %dma_start3A_16 = arith.constant 0 : i32
    %dma_start3A_17 = tpu.memref_slice %arg6[%dma_start3A_15, %dma_start3A_16] : memref<40x125xi32, #tpu.memory_space<vmem>> -> memref<1x125xi32, #tpu.memory_space<vmem>>
    %dma_start3A_18 = tpu.memref_squeeze %dma_start3A_17 : memref<1x125xi32, #tpu.memory_space<vmem>> -> memref<125xi32, #tpu.memory_space<vmem>>
    %dma_start3A_19 = arith.constant 0 : i32
    %dma_start3A_20 = arith.constant 0 : i32
    %dma_start3A_21 = tpu.memref_slice %arg2[%dma_start3A_19, %dma_start3A_20] : memref<10000x128xf32, #tpu.memory_space<hbm>> -> memref<10000x128xf32, #tpu.memory_space<hbm>>
    tpu.enqueue_indirect_dma source(%dma_start3A_21 : memref<10000x128xf32, #tpu.memory_space<hbm>>) target(%arg9 : memref<125x128xf32, #tpu.memory_space<vmem>>) offsets(%dma_start3A_18 : memref<125xi32, #tpu.memory_space<vmem>>) semaphore(%arg12 : memref<!tpu.dma_semaphore, #tpu.memory_space<semaphore_mem>>)
    %barrier3A = arith.constant 0 : index
    tpu.barrier barrier_id(%barrier3A)
    %scan3A = arith.constant 0 : i32
    %scan3A_22 = arith.constant 0 : i32
    %scan3A_23 = arith.constant 20 : i32
    %scan3A_24 = arith.addi %scan3A_22, %scan3A_23 : i32
    %scan3A_25 = arith.constant 1 : i32
    scf.for %scan3A_58 = %scan3A_22 to %scan3A_24 step %scan3A_25  : i32 {
      %mul3A_59 = arith.constant 2 : i32
      %mul3A_60 = arith.muli %scan3A_58, %mul3A_59 : i32
      %add3A_61 = arith.constant 0 : i32
      %add3A_62 = arith.addi %mul3A_60, %add3A_61 : i32
      %dma_wait3A = arith.constant 0 : i32
      %dma_wait3A_63 = tpu.memref_slice %arg6[%add3A_62, %dma_wait3A] : memref<40x125xi32, #tpu.memory_space<vmem>> -> memref<1x125xi32, #tpu.memory_space<vmem>>
      %dma_wait3A_64 = tpu.memref_squeeze %dma_wait3A_63 : memref<1x125xi32, #tpu.memory_space<vmem>> -> memref<125xi32, #tpu.memory_space<vmem>>
      %dma_wait3A_65 = arith.constant 0 : i32
      %dma_wait3A_66 = arith.constant 0 : i32
      %dma_wait3A_67 = tpu.memref_slice %arg2[%dma_wait3A_65, %dma_wait3A_66] : memref<10000x128xf32, #tpu.memory_space<hbm>> -> memref<10000x128xf32, #tpu.memory_space<hbm>>
      tpu.wait_indirect_dma semaphore(%arg11 : memref<!tpu.dma_semaphore, #tpu.memory_space<semaphore_mem>>) src(%dma_wait3A_67 : memref<10000x128xf32, #tpu.memory_space<hbm>>) dst(%arg8 : memref<125x128xf32, #tpu.memory_space<vmem>>)
      "tpu.region"() ({
        %run_scoped3A_89 = tpu.sem_alloc : memref<!tpu.dma_semaphore, #tpu.memory_space<semaphore_mem>>
        %dma_start3A_90 = arith.constant 0 : i32
        %dma_start3A_91 = tpu.memref_slice %arg7[%add3A_62, %dma_start3A_90] : memref<40x125xi32, #tpu.memory_space<vmem>> -> memref<1x125xi32, #tpu.memory_space<vmem>>
        %dma_start3A_92 = tpu.memref_squeeze %dma_start3A_91 : memref<1x125xi32, #tpu.memory_space<vmem>> -> memref<125xi32, #tpu.memory_space<vmem>>
        %dma_start3A_93 = arith.constant 0 : i32
        %dma_start3A_94 = arith.constant 0 : i32
        %dma_start3A_95 = tpu.memref_slice %arg10[%dma_start3A_93, %dma_start3A_94] : memref<10240x128xf32, #tpu.memory_space<vmem_shared>> -> memref<10240x128xf32, #tpu.memory_space<vmem_shared>>
        tpu.enqueue_indirect_dma source(%arg8 : memref<125x128xf32, #tpu.memory_space<vmem>>) target(%dma_start3A_95 : memref<10240x128xf32, #tpu.memory_space<vmem_shared>>) offsets(%dma_start3A_92 : memref<125xi32, #tpu.memory_space<vmem>>) semaphore(%run_scoped3A_89 : memref<!tpu.dma_semaphore, #tpu.memory_space<semaphore_mem>>) {add = true}
        %dma_wait3A_96 = arith.constant 0 : i32
        %dma_wait3A_97 = tpu.memref_slice %arg7[%add3A_62, %dma_wait3A_96] : memref<40x125xi32, #tpu.memory_space<vmem>> -> memref<1x125xi32, #tpu.memory_space<vmem>>
        %dma_wait3A_98 = tpu.memref_squeeze %dma_wait3A_97 : memref<1x125xi32, #tpu.memory_space<vmem>> -> memref<125xi32, #tpu.memory_space<vmem>>
        %dma_wait3A_99 = arith.constant 0 : i32
        %dma_wait3A_100 = arith.constant 0 : i32
        %dma_wait3A_101 = tpu.memref_slice %arg10[%dma_wait3A_99, %dma_wait3A_100] : memref<10240x128xf32, #tpu.memory_space<vmem_shared>> -> memref<10240x128xf32, #tpu.memory_space<vmem_shared>>
        tpu.wait_indirect_dma semaphore(%run_scoped3A_89 : memref<!tpu.dma_semaphore, #tpu.memory_space<semaphore_mem>>) src(%arg8 : memref<125x128xf32, #tpu.memory_space<vmem>>) dst(%dma_wait3A_101 : memref<10240x128xf32, #tpu.memory_space<vmem_shared>>)
        tpu.yield
      }) : () -> ()
      %add3A_68 = arith.constant 2 : i32
      %add3A_69 = arith.addi %add3A_62, %add3A_68 : i32
      %lt3A = arith.constant 40 : i32
      %lt3A_70 = arith.cmpi slt, %add3A_69, %lt3A : i32
      %convert_element_type3A = arith.extui %lt3A_70 : i1 to i32
      %cond3A = arith.constant 0 : i32
      %cond3A_71 = arith.cmpi ne, %convert_element_type3A, %cond3A : i32
      scf.if %cond3A_71 {
        %add3A_89 = arith.constant 2 : i32
        %add3A_90 = arith.addi %add3A_62, %add3A_89 : i32
        %dma_start3A_91 = arith.constant 0 : i32
        %dma_start3A_92 = tpu.memref_slice %arg6[%add3A_90, %dma_start3A_91] : memref<40x125xi32, #tpu.memory_space<vmem>> -> memref<1x125xi32, #tpu.memory_space<vmem>>
        %dma_start3A_93 = tpu.memref_squeeze %dma_start3A_92 : memref<1x125xi32, #tpu.memory_space<vmem>> -> memref<125xi32, #tpu.memory_space<vmem>>
        %dma_start3A_94 = arith.constant 0 : i32
        %dma_start3A_95 = arith.constant 0 : i32
        %dma_start3A_96 = tpu.memref_slice %arg2[%dma_start3A_94, %dma_start3A_95] : memref<10000x128xf32, #tpu.memory_space<hbm>> -> memref<10000x128xf32, #tpu.memory_space<hbm>>
        tpu.enqueue_indirect_dma source(%dma_start3A_96 : memref<10000x128xf32, #tpu.memory_space<hbm>>) target(%arg8 : memref<125x128xf32, #tpu.memory_space<vmem>>) offsets(%dma_start3A_93 : memref<125xi32, #tpu.memory_space<vmem>>) semaphore(%arg11 : memref<!tpu.dma_semaphore, #tpu.memory_space<semaphore_mem>>)
      } else {
      }
      %mul3A_72 = arith.constant 2 : i32
      %mul3A_73 = arith.muli %scan3A_58, %mul3A_72 : i32
      %add3A_74 = arith.constant 1 : i32
      %add3A_75 = arith.addi %mul3A_73, %add3A_74 : i32
      %dma_wait3A_76 = arith.constant 0 : i32
      %dma_wait3A_77 = tpu.memref_slice %arg6[%add3A_75, %dma_wait3A_76] : memref<40x125xi32, #tpu.memory_space<vmem>> -> memref<1x125xi32, #tpu.memory_space<vmem>>
      %dma_wait3A_78 = tpu.memref_squeeze %dma_wait3A_77 : memref<1x125xi32, #tpu.memory_space<vmem>> -> memref<125xi32, #tpu.memory_space<vmem>>
      %dma_wait3A_79 = arith.constant 0 : i32
      %dma_wait3A_80 = arith.constant 0 : i32
      %dma_wait3A_81 = tpu.memref_slice %arg2[%dma_wait3A_79, %dma_wait3A_80] : memref<10000x128xf32, #tpu.memory_space<hbm>> -> memref<10000x128xf32, #tpu.memory_space<hbm>>
      tpu.wait_indirect_dma semaphore(%arg12 : memref<!tpu.dma_semaphore, #tpu.memory_space<semaphore_mem>>) src(%dma_wait3A_81 : memref<10000x128xf32, #tpu.memory_space<hbm>>) dst(%arg9 : memref<125x128xf32, #tpu.memory_space<vmem>>)
      "tpu.region"() ({
        %run_scoped3A_89 = tpu.sem_alloc : memref<!tpu.dma_semaphore, #tpu.memory_space<semaphore_mem>>
        %dma_start3A_90 = arith.constant 0 : i32
        %dma_start3A_91 = tpu.memref_slice %arg7[%add3A_75, %dma_start3A_90] : memref<40x125xi32, #tpu.memory_space<vmem>> -> memref<1x125xi32, #tpu.memory_space<vmem>>
        %dma_start3A_92 = tpu.memref_squeeze %dma_start3A_91 : memref<1x125xi32, #tpu.memory_space<vmem>> -> memref<125xi32, #tpu.memory_space<vmem>>
        %dma_start3A_93 = arith.constant 0 : i32
        %dma_start3A_94 = arith.constant 0 : i32
        %dma_start3A_95 = tpu.memref_slice %arg10[%dma_start3A_93, %dma_start3A_94] : memref<10240x128xf32, #tpu.memory_space<vmem_shared>> -> memref<10240x128xf32, #tpu.memory_space<vmem_shared>>
        tpu.enqueue_indirect_dma source(%arg9 : memref<125x128xf32, #tpu.memory_space<vmem>>) target(%dma_start3A_95 : memref<10240x128xf32, #tpu.memory_space<vmem_shared>>) offsets(%dma_start3A_92 : memref<125xi32, #tpu.memory_space<vmem>>) semaphore(%run_scoped3A_89 : memref<!tpu.dma_semaphore, #tpu.memory_space<semaphore_mem>>) {add = true}
        %dma_wait3A_96 = arith.constant 0 : i32
        %dma_wait3A_97 = tpu.memref_slice %arg7[%add3A_75, %dma_wait3A_96] : memref<40x125xi32, #tpu.memory_space<vmem>> -> memref<1x125xi32, #tpu.memory_space<vmem>>
        %dma_wait3A_98 = tpu.memref_squeeze %dma_wait3A_97 : memref<1x125xi32, #tpu.memory_space<vmem>> -> memref<125xi32, #tpu.memory_space<vmem>>
        %dma_wait3A_99 = arith.constant 0 : i32
        %dma_wait3A_100 = arith.constant 0 : i32
        %dma_wait3A_101 = tpu.memref_slice %arg10[%dma_wait3A_99, %dma_wait3A_100] : memref<10240x128xf32, #tpu.memory_space<vmem_shared>> -> memref<10240x128xf32, #tpu.memory_space<vmem_shared>>
        tpu.wait_indirect_dma semaphore(%run_scoped3A_89 : memref<!tpu.dma_semaphore, #tpu.memory_space<semaphore_mem>>) src(%arg9 : memref<125x128xf32, #tpu.memory_space<vmem>>) dst(%dma_wait3A_101 : memref<10240x128xf32, #tpu.memory_space<vmem_shared>>)
        tpu.yield
      }) : () -> ()
      %add3A_82 = arith.constant 2 : i32
      %add3A_83 = arith.addi %add3A_75, %add3A_82 : i32
      %lt3A_84 = arith.constant 40 : i32
      %lt3A_85 = arith.cmpi slt, %add3A_83, %lt3A_84 : i32
      %convert_element_type3A_86 = arith.extui %lt3A_85 : i1 to i32
      %cond3A_87 = arith.constant 0 : i32
      %cond3A_88 = arith.cmpi ne, %convert_element_type3A_86, %cond3A_87 : i32
      scf.if %cond3A_88 {
        %add3A_89 = arith.constant 2 : i32
        %add3A_90 = arith.addi %add3A_75, %add3A_89 : i32
        %dma_start3A_91 = arith.constant 0 : i32
        %dma_start3A_92 = tpu.memref_slice %arg6[%add3A_90, %dma_start3A_91] : memref<40x125xi32, #tpu.memory_space<vmem>> -> memref<1x125xi32, #tpu.memory_space<vmem>>
        %dma_start3A_93 = tpu.memref_squeeze %dma_start3A_92 : memref<1x125xi32, #tpu.memory_space<vmem>> -> memref<125xi32, #tpu.memory_space<vmem>>
        %dma_start3A_94 = arith.constant 0 : i32
        %dma_start3A_95 = arith.constant 0 : i32
        %dma_start3A_96 = tpu.memref_slice %arg2[%dma_start3A_94, %dma_start3A_95] : memref<10000x128xf32, #tpu.memory_space<hbm>> -> memref<10000x128xf32, #tpu.memory_space<hbm>>
        tpu.enqueue_indirect_dma source(%dma_start3A_96 : memref<10000x128xf32, #tpu.memory_space<hbm>>) target(%arg9 : memref<125x128xf32, #tpu.memory_space<vmem>>) offsets(%dma_start3A_93 : memref<125xi32, #tpu.memory_space<vmem>>) semaphore(%arg12 : memref<!tpu.dma_semaphore, #tpu.memory_space<semaphore_mem>>)
      } else {
      }
    }
    %scan3A_26 = arith.constant 20 : i32
    %mul3A_27 = arith.constant 1280 : i32
    %mul3A_28 = arith.muli %arg0, %mul3A_27 : i32
    %mul3A_29 = arith.constant 80 : i32
    %mul3A_30 = arith.muli %arg1, %mul3A_29 : i32
    %add3A_31 = arith.addi %mul3A_28, %mul3A_30 : i32
    %add3A_32 = arith.constant 40 : i32
    %add3A_33 = arith.addi %add3A_31, %add3A_32 : i32
    %multiple_of3A_34 = tpu.assume_multiple %add3A_33, 8 : i32
    %run_scoped3A_35 = arith.constant 0 : i32
    "tpu.region"() ({
      %run_scoped3A_58 = tpu.sem_alloc : memref<!tpu.dma_semaphore, #tpu.memory_space<semaphore_mem>>
      %dma_start3A_59 = arith.constant 0 : i32
      %dma_start3A_60 = tpu.memref_slice %arg3[%run_scoped3A_35, %multiple_of3A_34, %dma_start3A_59] : memref<2x2560x125xi32, #tpu.memory_space<hbm>> -> memref<1x40x125xi32, #tpu.memory_space<hbm>>
      %dma_start3A_61 = tpu.memref_squeeze %dma_start3A_60 : memref<1x40x125xi32, #tpu.memory_space<hbm>> -> memref<40x125xi32, #tpu.memory_space<hbm>>
      %dma_start3A_62 = arith.constant 0 : i32
      %dma_start3A_63 = tpu.memref_slice %arg3[%run_scoped3A_35, %multiple_of3A_34, %dma_start3A_62] : memref<2x2560x125xi32, #tpu.memory_space<hbm>> -> memref<1x40x125xi32, #tpu.memory_space<hbm>>
      %dma_start3A_64 = tpu.memref_squeeze %dma_start3A_63 : memref<1x40x125xi32, #tpu.memory_space<hbm>> -> memref<40x125xi32, #tpu.memory_space<hbm>>
      tpu.enqueue_dma source(%dma_start3A_64 : memref<40x125xi32, #tpu.memory_space<hbm>>) target(%arg6 : memref<40x125xi32, #tpu.memory_space<vmem>>) target_semaphore(%run_scoped3A_58 : memref<!tpu.dma_semaphore, #tpu.memory_space<semaphore_mem>>)
      %dma_wait3A = arith.constant 0 : i32
      %dma_wait3A_65 = tpu.memref_slice %arg3[%run_scoped3A_35, %multiple_of3A_34, %dma_wait3A] : memref<2x2560x125xi32, #tpu.memory_space<hbm>> -> memref<1x40x125xi32, #tpu.memory_space<hbm>>
      %dma_wait3A_66 = tpu.memref_squeeze %dma_wait3A_65 : memref<1x40x125xi32, #tpu.memory_space<hbm>> -> memref<40x125xi32, #tpu.memory_space<hbm>>
      %dma_wait3A_67 = arith.constant 0 : i32
      %dma_wait3A_68 = tpu.memref_slice %arg3[%run_scoped3A_35, %multiple_of3A_34, %dma_wait3A_67] : memref<2x2560x125xi32, #tpu.memory_space<hbm>> -> memref<1x40x125xi32, #tpu.memory_space<hbm>>
      %dma_wait3A_69 = tpu.memref_squeeze %dma_wait3A_68 : memref<1x40x125xi32, #tpu.memory_space<hbm>> -> memref<40x125xi32, #tpu.memory_space<hbm>>
      tpu.wait_dma2 semaphore(%run_scoped3A_58 : memref<!tpu.dma_semaphore, #tpu.memory_space<semaphore_mem>>) src(%dma_wait3A_69 : memref<40x125xi32, #tpu.memory_space<hbm>>) dst(%arg6 : memref<40x125xi32, #tpu.memory_space<vmem>>)
      tpu.yield
    }) : () -> ()
    %run_scoped3A_36 = arith.constant 1 : i32
    "tpu.region"() ({
      %run_scoped3A_58 = tpu.sem_alloc : memref<!tpu.dma_semaphore, #tpu.memory_space<semaphore_mem>>
      %dma_start3A_59 = arith.constant 0 : i32
      %dma_start3A_60 = tpu.memref_slice %arg3[%run_scoped3A_36, %multiple_of3A_34, %dma_start3A_59] : memref<2x2560x125xi32, #tpu.memory_space<hbm>> -> memref<1x40x125xi32, #tpu.memory_space<hbm>>
      %dma_start3A_61 = tpu.memref_squeeze %dma_start3A_60 : memref<1x40x125xi32, #tpu.memory_space<hbm>> -> memref<40x125xi32, #tpu.memory_space<hbm>>
      %dma_start3A_62 = arith.constant 0 : i32
      %dma_start3A_63 = tpu.memref_slice %arg3[%run_scoped3A_36, %multiple_of3A_34, %dma_start3A_62] : memref<2x2560x125xi32, #tpu.memory_space<hbm>> -> memref<1x40x125xi32, #tpu.memory_space<hbm>>
      %dma_start3A_64 = tpu.memref_squeeze %dma_start3A_63 : memref<1x40x125xi32, #tpu.memory_space<hbm>> -> memref<40x125xi32, #tpu.memory_space<hbm>>
      tpu.enqueue_dma source(%dma_start3A_64 : memref<40x125xi32, #tpu.memory_space<hbm>>) target(%arg7 : memref<40x125xi32, #tpu.memory_space<vmem>>) target_semaphore(%run_scoped3A_58 : memref<!tpu.dma_semaphore, #tpu.memory_space<semaphore_mem>>)
      %dma_wait3A = arith.constant 0 : i32
      %dma_wait3A_65 = tpu.memref_slice %arg3[%run_scoped3A_36, %multiple_of3A_34, %dma_wait3A] : memref<2x2560x125xi32, #tpu.memory_space<hbm>> -> memref<1x40x125xi32, #tpu.memory_space<hbm>>
      %dma_wait3A_66 = tpu.memref_squeeze %dma_wait3A_65 : memref<1x40x125xi32, #tpu.memory_space<hbm>> -> memref<40x125xi32, #tpu.memory_space<hbm>>
      %dma_wait3A_67 = arith.constant 0 : i32
      %dma_wait3A_68 = tpu.memref_slice %arg3[%run_scoped3A_36, %multiple_of3A_34, %dma_wait3A_67] : memref<2x2560x125xi32, #tpu.memory_space<hbm>> -> memref<1x40x125xi32, #tpu.memory_space<hbm>>
      %dma_wait3A_69 = tpu.memref_squeeze %dma_wait3A_68 : memref<1x40x125xi32, #tpu.memory_space<hbm>> -> memref<40x125xi32, #tpu.memory_space<hbm>>
      tpu.wait_dma2 semaphore(%run_scoped3A_58 : memref<!tpu.dma_semaphore, #tpu.memory_space<semaphore_mem>>) src(%dma_wait3A_69 : memref<40x125xi32, #tpu.memory_space<hbm>>) dst(%arg7 : memref<40x125xi32, #tpu.memory_space<vmem>>)
      tpu.yield
    }) : () -> ()
    %dma_start3A_37 = arith.constant 0 : i32
    %dma_start3A_38 = arith.constant 0 : i32
    %dma_start3A_39 = tpu.memref_slice %arg6[%dma_start3A_37, %dma_start3A_38] : memref<40x125xi32, #tpu.memory_space<vmem>> -> memref<1x125xi32, #tpu.memory_space<vmem>>
    %dma_start3A_40 = tpu.memref_squeeze %dma_start3A_39 : memref<1x125xi32, #tpu.memory_space<vmem>> -> memref<125xi32, #tpu.memory_space<vmem>>
    %dma_start3A_41 = arith.constant 0 : i32
    %dma_start3A_42 = arith.constant 0 : i32
    %dma_start3A_43 = tpu.memref_slice %arg2[%dma_start3A_41, %dma_start3A_42] : memref<10000x128xf32, #tpu.memory_space<hbm>> -> memref<10000x128xf32, #tpu.memory_space<hbm>>
    tpu.enqueue_indirect_dma source(%dma_start3A_43 : memref<10000x128xf32, #tpu.memory_space<hbm>>) target(%arg8 : memref<125x128xf32, #tpu.memory_space<vmem>>) offsets(%dma_start3A_40 : memref<125xi32, #tpu.memory_space<vmem>>) semaphore(%arg11 : memref<!tpu.dma_semaphore, #tpu.memory_space<semaphore_mem>>)
    %dma_start3A_44 = arith.constant 1 : i32
    %dma_start3A_45 = arith.constant 0 : i32
    %dma_start3A_46 = tpu.memref_slice %arg6[%dma_start3A_44, %dma_start3A_45] : memref<40x125xi32, #tpu.memory_space<vmem>> -> memref<1x125xi32, #tpu.memory_space<vmem>>
    %dma_start3A_47 = tpu.memref_squeeze %dma_start3A_46 : memref<1x125xi32, #tpu.memory_space<vmem>> -> memref<125xi32, #tpu.memory_space<vmem>>
    %dma_start3A_48 = arith.constant 0 : i32
    %dma_start3A_49 = arith.constant 0 : i32
    %dma_start3A_50 = tpu.memref_slice %arg2[%dma_start3A_48, %dma_start3A_49] : memref<10000x128xf32, #tpu.memory_space<hbm>> -> memref<10000x128xf32, #tpu.memory_space<hbm>>
    tpu.enqueue_indirect_dma source(%dma_start3A_50 : memref<10000x128xf32, #tpu.memory_space<hbm>>) target(%arg9 : memref<125x128xf32, #tpu.memory_space<vmem>>) offsets(%dma_start3A_47 : memref<125xi32, #tpu.memory_space<vmem>>) semaphore(%arg12 : memref<!tpu.dma_semaphore, #tpu.memory_space<semaphore_mem>>)
    %scan3A_51 = arith.constant 0 : i32
    %scan3A_52 = arith.constant 0 : i32
    %scan3A_53 = arith.constant 20 : i32
    %scan3A_54 = arith.addi %scan3A_52, %scan3A_53 : i32
    %scan3A_55 = arith.constant 1 : i32
    scf.for %scan3A_58 = %scan3A_52 to %scan3A_54 step %scan3A_55  : i32 {
      %mul3A_59 = arith.constant 2 : i32
      %mul3A_60 = arith.muli %scan3A_58, %mul3A_59 : i32
      %add3A_61 = arith.constant 0 : i32
      %add3A_62 = arith.addi %mul3A_60, %add3A_61 : i32
      %dma_wait3A = arith.constant 0 : i32
      %dma_wait3A_63 = tpu.memref_slice %arg6[%add3A_62, %dma_wait3A] : memref<40x125xi32, #tpu.memory_space<vmem>> -> memref<1x125xi32, #tpu.memory_space<vmem>>
      %dma_wait3A_64 = tpu.memref_squeeze %dma_wait3A_63 : memref<1x125xi32, #tpu.memory_space<vmem>> -> memref<125xi32, #tpu.memory_space<vmem>>
      %dma_wait3A_65 = arith.constant 0 : i32
      %dma_wait3A_66 = arith.constant 0 : i32
      %dma_wait3A_67 = tpu.memref_slice %arg2[%dma_wait3A_65, %dma_wait3A_66] : memref<10000x128xf32, #tpu.memory_space<hbm>> -> memref<10000x128xf32, #tpu.memory_space<hbm>>
      tpu.wait_indirect_dma semaphore(%arg11 : memref<!tpu.dma_semaphore, #tpu.memory_space<semaphore_mem>>) src(%dma_wait3A_67 : memref<10000x128xf32, #tpu.memory_space<hbm>>) dst(%arg8 : memref<125x128xf32, #tpu.memory_space<vmem>>)
      "tpu.region"() ({
        %run_scoped3A_89 = tpu.sem_alloc : memref<!tpu.dma_semaphore, #tpu.memory_space<semaphore_mem>>
        %dma_start3A_90 = arith.constant 0 : i32
        %dma_start3A_91 = tpu.memref_slice %arg7[%add3A_62, %dma_start3A_90] : memref<40x125xi32, #tpu.memory_space<vmem>> -> memref<1x125xi32, #tpu.memory_space<vmem>>
        %dma_start3A_92 = tpu.memref_squeeze %dma_start3A_91 : memref<1x125xi32, #tpu.memory_space<vmem>> -> memref<125xi32, #tpu.memory_space<vmem>>
        %dma_start3A_93 = arith.constant 0 : i32
        %dma_start3A_94 = arith.constant 0 : i32
        %dma_start3A_95 = tpu.memref_slice %arg10[%dma_start3A_93, %dma_start3A_94] : memref<10240x128xf32, #tpu.memory_space<vmem_shared>> -> memref<10240x128xf32, #tpu.memory_space<vmem_shared>>
        tpu.enqueue_indirect_dma source(%arg8 : memref<125x128xf32, #tpu.memory_space<vmem>>) target(%dma_start3A_95 : memref<10240x128xf32, #tpu.memory_space<vmem_shared>>) offsets(%dma_start3A_92 : memref<125xi32, #tpu.memory_space<vmem>>) semaphore(%run_scoped3A_89 : memref<!tpu.dma_semaphore, #tpu.memory_space<semaphore_mem>>) {add = true}
        %dma_wait3A_96 = arith.constant 0 : i32
        %dma_wait3A_97 = tpu.memref_slice %arg7[%add3A_62, %dma_wait3A_96] : memref<40x125xi32, #tpu.memory_space<vmem>> -> memref<1x125xi32, #tpu.memory_space<vmem>>
        %dma_wait3A_98 = tpu.memref_squeeze %dma_wait3A_97 : memref<1x125xi32, #tpu.memory_space<vmem>> -> memref<125xi32, #tpu.memory_space<vmem>>
        %dma_wait3A_99 = arith.constant 0 : i32
        %dma_wait3A_100 = arith.constant 0 : i32
        %dma_wait3A_101 = tpu.memref_slice %arg10[%dma_wait3A_99, %dma_wait3A_100] : memref<10240x128xf32, #tpu.memory_space<vmem_shared>> -> memref<10240x128xf32, #tpu.memory_space<vmem_shared>>
        tpu.wait_indirect_dma semaphore(%run_scoped3A_89 : memref<!tpu.dma_semaphore, #tpu.memory_space<semaphore_mem>>) src(%arg8 : memref<125x128xf32, #tpu.memory_space<vmem>>) dst(%dma_wait3A_101 : memref<10240x128xf32, #tpu.memory_space<vmem_shared>>)
        tpu.yield
      }) : () -> ()
      %add3A_68 = arith.constant 2 : i32
      %add3A_69 = arith.addi %add3A_62, %add3A_68 : i32
      %lt3A = arith.constant 40 : i32
      %lt3A_70 = arith.cmpi slt, %add3A_69, %lt3A : i32
      %convert_element_type3A = arith.extui %lt3A_70 : i1 to i32
      %cond3A = arith.constant 0 : i32
      %cond3A_71 = arith.cmpi ne, %convert_element_type3A, %cond3A : i32
      scf.if %cond3A_71 {
        %add3A_89 = arith.constant 2 : i32
        %add3A_90 = arith.addi %add3A_62, %add3A_89 : i32
        %dma_start3A_91 = arith.constant 0 : i32
        %dma_start3A_92 = tpu.memref_slice %arg6[%add3A_90, %dma_start3A_91] : memref<40x125xi32, #tpu.memory_space<vmem>> -> memref<1x125xi32, #tpu.memory_space<vmem>>
        %dma_start3A_93 = tpu.memref_squeeze %dma_start3A_92 : memref<1x125xi32, #tpu.memory_space<vmem>> -> memref<125xi32, #tpu.memory_space<vmem>>
        %dma_start3A_94 = arith.constant 0 : i32
        %dma_start3A_95 = arith.constant 0 : i32
        %dma_start3A_96 = tpu.memref_slice %arg2[%dma_start3A_94, %dma_start3A_95] : memref<10000x128xf32, #tpu.memory_space<hbm>> -> memref<10000x128xf32, #tpu.memory_space<hbm>>
        tpu.enqueue_indirect_dma source(%dma_start3A_96 : memref<10000x128xf32, #tpu.memory_space<hbm>>) target(%arg8 : memref<125x128xf32, #tpu.memory_space<vmem>>) offsets(%dma_start3A_93 : memref<125xi32, #tpu.memory_space<vmem>>) semaphore(%arg11 : memref<!tpu.dma_semaphore, #tpu.memory_space<semaphore_mem>>)
      } else {
      }
      %mul3A_72 = arith.constant 2 : i32
      %mul3A_73 = arith.muli %scan3A_58, %mul3A_72 : i32
      %add3A_74 = arith.constant 1 : i32
      %add3A_75 = arith.addi %mul3A_73, %add3A_74 : i32
      %dma_wait3A_76 = arith.constant 0 : i32
      %dma_wait3A_77 = tpu.memref_slice %arg6[%add3A_75, %dma_wait3A_76] : memref<40x125xi32, #tpu.memory_space<vmem>> -> memref<1x125xi32, #tpu.memory_space<vmem>>
      %dma_wait3A_78 = tpu.memref_squeeze %dma_wait3A_77 : memref<1x125xi32, #tpu.memory_space<vmem>> -> memref<125xi32, #tpu.memory_space<vmem>>
      %dma_wait3A_79 = arith.constant 0 : i32
      %dma_wait3A_80 = arith.constant 0 : i32
      %dma_wait3A_81 = tpu.memref_slice %arg2[%dma_wait3A_79, %dma_wait3A_80] : memref<10000x128xf32, #tpu.memory_space<hbm>> -> memref<10000x128xf32, #tpu.memory_space<hbm>>
      tpu.wait_indirect_dma semaphore(%arg12 : memref<!tpu.dma_semaphore, #tpu.memory_space<semaphore_mem>>) src(%dma_wait3A_81 : memref<10000x128xf32, #tpu.memory_space<hbm>>) dst(%arg9 : memref<125x128xf32, #tpu.memory_space<vmem>>)
      "tpu.region"() ({
        %run_scoped3A_89 = tpu.sem_alloc : memref<!tpu.dma_semaphore, #tpu.memory_space<semaphore_mem>>
        %dma_start3A_90 = arith.constant 0 : i32
        %dma_start3A_91 = tpu.memref_slice %arg7[%add3A_75, %dma_start3A_90] : memref<40x125xi32, #tpu.memory_space<vmem>> -> memref<1x125xi32, #tpu.memory_space<vmem>>
        %dma_start3A_92 = tpu.memref_squeeze %dma_start3A_91 : memref<1x125xi32, #tpu.memory_space<vmem>> -> memref<125xi32, #tpu.memory_space<vmem>>
        %dma_start3A_93 = arith.constant 0 : i32
        %dma_start3A_94 = arith.constant 0 : i32
        %dma_start3A_95 = tpu.memref_slice %arg10[%dma_start3A_93, %dma_start3A_94] : memref<10240x128xf32, #tpu.memory_space<vmem_shared>> -> memref<10240x128xf32, #tpu.memory_space<vmem_shared>>
        tpu.enqueue_indirect_dma source(%arg9 : memref<125x128xf32, #tpu.memory_space<vmem>>) target(%dma_start3A_95 : memref<10240x128xf32, #tpu.memory_space<vmem_shared>>) offsets(%dma_start3A_92 : memref<125xi32, #tpu.memory_space<vmem>>) semaphore(%run_scoped3A_89 : memref<!tpu.dma_semaphore, #tpu.memory_space<semaphore_mem>>) {add = true}
        %dma_wait3A_96 = arith.constant 0 : i32
        %dma_wait3A_97 = tpu.memref_slice %arg7[%add3A_75, %dma_wait3A_96] : memref<40x125xi32, #tpu.memory_space<vmem>> -> memref<1x125xi32, #tpu.memory_space<vmem>>
        %dma_wait3A_98 = tpu.memref_squeeze %dma_wait3A_97 : memref<1x125xi32, #tpu.memory_space<vmem>> -> memref<125xi32, #tpu.memory_space<vmem>>
        %dma_wait3A_99 = arith.constant 0 : i32
        %dma_wait3A_100 = arith.constant 0 : i32
        %dma_wait3A_101 = tpu.memref_slice %arg10[%dma_wait3A_99, %dma_wait3A_100] : memref<10240x128xf32, #tpu.memory_space<vmem_shared>> -> memref<10240x128xf32, #tpu.memory_space<vmem_shared>>
        tpu.wait_indirect_dma semaphore(%run_scoped3A_89 : memref<!tpu.dma_semaphore, #tpu.memory_space<semaphore_mem>>) src(%arg9 : memref<125x128xf32, #tpu.memory_space<vmem>>) dst(%dma_wait3A_101 : memref<10240x128xf32, #tpu.memory_space<vmem_shared>>)
        tpu.yield
      }) : () -> ()
      %add3A_82 = arith.constant 2 : i32
      %add3A_83 = arith.addi %add3A_75, %add3A_82 : i32
      %lt3A_84 = arith.constant 40 : i32
      %lt3A_85 = arith.cmpi slt, %add3A_83, %lt3A_84 : i32
      %convert_element_type3A_86 = arith.extui %lt3A_85 : i1 to i32
      %cond3A_87 = arith.constant 0 : i32
      %cond3A_88 = arith.cmpi ne, %convert_element_type3A_86, %cond3A_87 : i32
      scf.if %cond3A_88 {
        %add3A_89 = arith.constant 2 : i32
        %add3A_90 = arith.addi %add3A_75, %add3A_89 : i32
        %dma_start3A_91 = arith.constant 0 : i32
        %dma_start3A_92 = tpu.memref_slice %arg6[%add3A_90, %dma_start3A_91] : memref<40x125xi32, #tpu.memory_space<vmem>> -> memref<1x125xi32, #tpu.memory_space<vmem>>
        %dma_start3A_93 = tpu.memref_squeeze %dma_start3A_92 : memref<1x125xi32, #tpu.memory_space<vmem>> -> memref<125xi32, #tpu.memory_space<vmem>>
        %dma_start3A_94 = arith.constant 0 : i32
        %dma_start3A_95 = arith.constant 0 : i32
        %dma_start3A_96 = tpu.memref_slice %arg2[%dma_start3A_94, %dma_start3A_95] : memref<10000x128xf32, #tpu.memory_space<hbm>> -> memref<10000x128xf32, #tpu.memory_space<hbm>>
        tpu.enqueue_indirect_dma source(%dma_start3A_96 : memref<10000x128xf32, #tpu.memory_space<hbm>>) target(%arg9 : memref<125x128xf32, #tpu.memory_space<vmem>>) offsets(%dma_start3A_93 : memref<125xi32, #tpu.memory_space<vmem>>) semaphore(%arg12 : memref<!tpu.dma_semaphore, #tpu.memory_space<semaphore_mem>>)
      } else {
      }
    }
    %scan3A_56 = arith.constant 20 : i32
    %barrier3A_57 = arith.constant 0 : index
    tpu.barrier barrier_id(%barrier3A_57)
    "tpu.region"() ({
      %run_scoped3A_58 = tpu.sem_alloc : memref<!tpu.dma_semaphore, #tpu.memory_space<semaphore_mem>>
      %dma_start3A_59 = arith.constant 0 : i32
      %dma_start3A_60 = tpu.memref_slice %arg5[%arg0, %multiple_of3A, %dma_start3A_59] : memref<2x10240x128xf32, #tpu.memory_space<hbm>> -> memref<1x640x128xf32, #tpu.memory_space<hbm>>
      %dma_start3A_61 = tpu.memref_squeeze %dma_start3A_60 : memref<1x640x128xf32, #tpu.memory_space<hbm>> -> memref<640x128xf32, #tpu.memory_space<hbm>>
      %dma_start3A_62 = arith.constant 0 : i32
      %dma_start3A_63 = tpu.memref_slice %arg10[%multiple_of3A, %dma_start3A_62] : memref<10240x128xf32, #tpu.memory_space<vmem_shared>> -> memref<640x128xf32, #tpu.memory_space<vmem_shared>>
      tpu.enqueue_dma source(%dma_start3A_63 : memref<640x128xf32, #tpu.memory_space<vmem_shared>>) target(%dma_start3A_61 : memref<640x128xf32, #tpu.memory_space<hbm>>) target_semaphore(%run_scoped3A_58 : memref<!tpu.dma_semaphore, #tpu.memory_space<semaphore_mem>>)
      %dma_wait3A = arith.constant 0 : i32
      %dma_wait3A_64 = tpu.memref_slice %arg5[%arg0, %multiple_of3A, %dma_wait3A] : memref<2x10240x128xf32, #tpu.memory_space<hbm>> -> memref<1x640x128xf32, #tpu.memory_space<hbm>>
      %dma_wait3A_65 = tpu.memref_squeeze %dma_wait3A_64 : memref<1x640x128xf32, #tpu.memory_space<hbm>> -> memref<640x128xf32, #tpu.memory_space<hbm>>
      %dma_wait3A_66 = arith.constant 0 : i32
      %dma_wait3A_67 = tpu.memref_slice %arg10[%multiple_of3A, %dma_wait3A_66] : memref<10240x128xf32, #tpu.memory_space<vmem_shared>> -> memref<640x128xf32, #tpu.memory_space<vmem_shared>>
      tpu.wait_dma2 semaphore(%run_scoped3A_58 : memref<!tpu.dma_semaphore, #tpu.memory_space<semaphore_mem>>) src(%dma_wait3A_67 : memref<640x128xf32, #tpu.memory_space<vmem_shared>>) dst(%dma_wait3A_65 : memref<640x128xf32, #tpu.memory_space<hbm>>)
      tpu.yield
    }) : () -> ()
    return
  }
}

module attributes {stable_mosaic.version = 14 : i64} {
  func.func @_tc_mlp_body(%arg0: i32, %arg1: memref<1000x138xf32, #tpu.memory_space<vmem>>, %arg2: memref<128x20xf32, #tpu.memory_space<vmem>>, %arg3: memref<1x20xf32, #tpu.memory_space<vmem>>, %arg4: memref<20x10xf32, #tpu.memory_space<vmem>>, %arg5: memref<1x10xf32, #tpu.memory_space<vmem>>, %arg6: memref<1000x32xf32, #tpu.memory_space<vmem>>) attributes {dimension_semantics = [#tpu.dimension_semantics<arbitrary>], iteration_bounds = array<i64: 10>, scalar_prefetch = 0 : i64, scratch_operands = 0 : i64, tpu.core_type = #tpu.core_type<tc>, window_params = [{transform_indices = @transform_0, window_bounds = array<i64: 1000, 138>}, {pipeline_mode = #tpu.pipeline_mode<synchronous>, transform_indices = @transform_1, window_bounds = array<i64: 128, 20>}, {pipeline_mode = #tpu.pipeline_mode<synchronous>, transform_indices = @transform_2, window_bounds = array<i64: 1, 20>}, {pipeline_mode = #tpu.pipeline_mode<synchronous>, transform_indices = @transform_3, window_bounds = array<i64: 20, 10>}, {pipeline_mode = #tpu.pipeline_mode<synchronous>, transform_indices = @transform_4, window_bounds = array<i64: 1, 10>}, {transform_indices = @transform_5, window_bounds = array<i64: 1000, 32>}]} {
    %get3A = arith.constant 0 : index
    %get3A_0 = arith.constant 0 : index
    %get3A_1 = vector.load %arg1[%get3A, %get3A_0] : memref<1000x138xf32, #tpu.memory_space<vmem>>, vector<1000x138xf32>
    %slice3A = vector.extract_strided_slice %get3A_1 {offsets = [0, 0], sizes = [1000, 128], strides = [1, 1]} : vector<1000x138xf32> to vector<1000x128xf32>
    %get3A_2 = arith.constant 0 : index
    %get3A_3 = arith.constant 0 : index
    %get3A_4 = vector.load %arg2[%get3A_2, %get3A_3] : memref<128x20xf32, #tpu.memory_space<vmem>>, vector<128x20xf32>
    %dot_general3A = arith.constant dense<0.000000e+00> : vector<1000x20xf32>
    %dot_general3A_5 = tpu.matmul %slice3A, %get3A_4, %dot_general3A {dimension_numbers = #tpu.dot_dimension_numbers<[1], [0], [0], [1], [0, 0, 1, 1], [], []>, transpose_lhs_hint = false} : vector<1000x128xf32>, vector<128x20xf32>, vector<1000x20xf32> -> vector<1000x20xf32>
    %get3A_6 = arith.constant 0 : index
    %get3A_7 = arith.constant 0 : index
    %get3A_8 = vector.load %arg3[%get3A_6, %get3A_7] : memref<1x20xf32, #tpu.memory_space<vmem>>, vector<1x20xf32>
    %add3A = vector.broadcast %get3A_8 : vector<1x20xf32> to vector<1000x20xf32>
    %add3A_9 = arith.addf %dot_general3A_5, %add3A : vector<1000x20xf32>
    %max3A = arith.constant 0.000000e+00 : f32
    %max3A_10 = vector.broadcast %max3A : f32 to vector<1000x20xf32>
    %max3A_11 = arith.maximumf %add3A_9, %max3A_10 : vector<1000x20xf32>
    %get3A_12 = arith.constant 0 : index
    %get3A_13 = arith.constant 0 : index
    %get3A_14 = vector.load %arg4[%get3A_12, %get3A_13] : memref<20x10xf32, #tpu.memory_space<vmem>>, vector<20x10xf32>
    %dot_general3A_15 = arith.constant dense<0.000000e+00> : vector<1000x10xf32>
    %dot_general3A_16 = tpu.matmul %max3A_11, %get3A_14, %dot_general3A_15 {dimension_numbers = #tpu.dot_dimension_numbers<[1], [0], [0], [1], [0, 0, 1, 1], [], []>, transpose_lhs_hint = false} : vector<1000x20xf32>, vector<20x10xf32>, vector<1000x10xf32> -> vector<1000x10xf32>
    %get3A_17 = arith.constant 0 : index
    %get3A_18 = arith.constant 0 : index
    %get3A_19 = vector.load %arg5[%get3A_17, %get3A_18] : memref<1x10xf32, #tpu.memory_space<vmem>>, vector<1x10xf32>
    %add3A_20 = vector.broadcast %get3A_19 : vector<1x10xf32> to vector<1000x10xf32>
    %add3A_21 = arith.addf %dot_general3A_16, %add3A_20 : vector<1000x10xf32>
    %broadcast_in_dim3A = arith.constant 1.000000e+00 : f32
    %broadcast_in_dim3A_22 = vector.broadcast %broadcast_in_dim3A : f32 to vector<1000x1xf32>
    %broadcast_in_dim3A_23 = arith.constant 0.000000e+00 : f32
    %broadcast_in_dim3A_24 = vector.broadcast %broadcast_in_dim3A_23 : f32 to vector<1000x11xf32>
    %slice3A_25 = vector.extract_strided_slice %get3A_1 {offsets = [0, 128], sizes = [1000, 10], strides = [1, 1]} : vector<1000x138xf32> to vector<1000x10xf32>
    %concatenate3A = tpu.concatenate %add3A_21, %slice3A_25, %broadcast_in_dim3A_22, %broadcast_in_dim3A_24 in 1 : vector<1000x10xf32>, vector<1000x10xf32>, vector<1000x1xf32>, vector<1000x11xf32> -> vector<1000x32xf32>
    %swap3A = arith.constant 0 : index
    %swap3A_26 = arith.constant 0 : index
    %swap3A_27 = vector.load %arg6[%swap3A, %swap3A_26] : memref<1000x32xf32, #tpu.memory_space<vmem>>, vector<1000x32xf32>
    tpu.vector_store %arg6[%swap3A, %swap3A_26], %concatenate3A {strides = array<i32>} : memref<1000x32xf32, #tpu.memory_space<vmem>>, vector<1000x32xf32>,
    return
  }
  func.func @transform_0(%arg0: i32) -> (i32, i32) {
    %c0_i32 = arith.constant 0 : i32
    %c0_i32_0 = arith.constant 0 : i32
    return %arg0, %c0_i32 : i32, i32
  }
  func.func @transform_1(%arg0: i32) -> (i32, i32) {
    %c0_i32 = arith.constant 0 : i32
    %c0_i32_0 = arith.constant 0 : i32
    %c0_i32_1 = arith.constant 0 : i32
    return %c0_i32, %c0_i32_0 : i32, i32
  }
  func.func @transform_2(%arg0: i32) -> (i32, i32) {
    %c0_i32 = arith.constant 0 : i32
    %c0_i32_0 = arith.constant 0 : i32
    %c0_i32_1 = arith.constant 0 : i32
    return %c0_i32, %c0_i32_0 : i32, i32
  }
  func.func @transform_3(%arg0: i32) -> (i32, i32) {
    %c0_i32 = arith.constant 0 : i32
    %c0_i32_0 = arith.constant 0 : i32
    %c0_i32_1 = arith.constant 0 : i32
    return %c0_i32, %c0_i32_0 : i32, i32
  }
  func.func @transform_4(%arg0: i32) -> (i32, i32) {
    %c0_i32 = arith.constant 0 : i32
    %c0_i32_0 = arith.constant 0 : i32
    %c0_i32_1 = arith.constant 0 : i32
    return %c0_i32, %c0_i32_0 : i32, i32
  }
  func.func @transform_5(%arg0: i32) -> (i32, i32) {
    %c0_i32 = arith.constant 0 : i32
    %c0_i32_0 = arith.constant 0 : i32
    return %arg0, %c0_i32 : i32, i32
  }
}

module attributes {stable_mosaic.version = 14 : i64} {
  func.func @_tc_l0i_body(%arg0: i32, %arg1: memref<1x1000x32xf32, #tpu.memory_space<vmem>>, %arg2: memref<1x1000x32xf32, #tpu.memory_space<vmem>>, %arg3: memref<1000x128xf32, #tpu.memory_space<vmem>>, %arg4: memref<20x128xf32, #tpu.memory_space<vmem>>, %arg5: memref<1x128xf32, #tpu.memory_space<vmem>>, %arg6: memref<128x128xf32, #tpu.memory_space<vmem>>, %arg7: memref<1000x128xf32, #tpu.memory_space<vmem>>) attributes {dimension_semantics = [#tpu.dimension_semantics<arbitrary>], iteration_bounds = array<i64: 10>, scalar_prefetch = 0 : i64, scratch_operands = 0 : i64, tpu.core_type = #tpu.core_type<tc>, window_params = [{transform_indices = @transform_0, window_bounds = array<i64: 1, 1000, 32>}, {transform_indices = @transform_1, window_bounds = array<i64: 1, 1000, 32>}, {transform_indices = @transform_2, window_bounds = array<i64: 1000, 128>}, {pipeline_mode = #tpu.pipeline_mode<synchronous>, transform_indices = @transform_3, window_bounds = array<i64: 20, 128>}, {pipeline_mode = #tpu.pipeline_mode<synchronous>, transform_indices = @transform_4, window_bounds = array<i64: 1, 128>}, {pipeline_mode = #tpu.pipeline_mode<synchronous>, transform_indices = @transform_5, window_bounds = array<i64: 128, 128>}, {transform_indices = @transform_6, window_bounds = array<i64: 1000, 128>}]} {
    %get3A = arith.constant 0 : index
    %get3A_0 = arith.constant 0 : index
    %get3A_1 = arith.constant 0 : index
    %get3A_2 = vector.load %arg1[%get3A, %get3A_0, %get3A_1] : memref<1x1000x32xf32, #tpu.memory_space<vmem>>, vector<1x1000x32xf32>
    %get3A_3 = vector.shape_cast %get3A_2 : vector<1x1000x32xf32> to vector<1000x32xf32>
    %get3A_4 = arith.constant 0 : index
    %get3A_5 = arith.constant 0 : index
    %get3A_6 = arith.constant 0 : index
    %get3A_7 = vector.load %arg2[%get3A_4, %get3A_5, %get3A_6] : memref<1x1000x32xf32, #tpu.memory_space<vmem>>, vector<1x1000x32xf32>
    %get3A_8 = vector.shape_cast %get3A_7 : vector<1x1000x32xf32> to vector<1000x32xf32>
    %add3A = arith.addf %get3A_3, %get3A_8 : vector<1000x32xf32>
    %slice3A = vector.extract_strided_slice %add3A {offsets = [0, 20], sizes = [1000, 1], strides = [1, 1]} : vector<1000x32xf32> to vector<1000x1xf32>
    %max3A = arith.constant 1.000000e+00 : f32
    %max3A_9 = vector.broadcast %max3A : f32 to vector<1000x1xf32>
    %max3A_10 = arith.maximumf %slice3A, %max3A_9 : vector<1000x1xf32>
    %slice3A_11 = vector.extract_strided_slice %add3A {offsets = [0, 0], sizes = [1000, 20], strides = [1, 1]} : vector<1000x32xf32> to vector<1000x20xf32>
    %div3A = vector.broadcast %max3A_10 : vector<1000x1xf32> to vector<1000x20xf32>
    %div3A_12 = arith.divf %slice3A_11, %div3A : vector<1000x20xf32>
    %get3A_13 = arith.constant 0 : index
    %get3A_14 = arith.constant 0 : index
    %get3A_15 = vector.load %arg3[%get3A_13, %get3A_14] : memref<1000x128xf32, #tpu.memory_space<vmem>>, vector<1000x128xf32>
    %get3A_16 = arith.constant 0 : index
    %get3A_17 = arith.constant 0 : index
    %get3A_18 = vector.load %arg4[%get3A_16, %get3A_17] : memref<20x128xf32, #tpu.memory_space<vmem>>, vector<20x128xf32>
    %dot_general3A = arith.constant dense<0.000000e+00> : vector<1000x128xf32>
    %dot_general3A_19 = tpu.matmul %div3A_12, %get3A_18, %dot_general3A {dimension_numbers = #tpu.dot_dimension_numbers<[1], [0], [0], [1], [0, 0, 1, 1], [], []>, transpose_lhs_hint = false} : vector<1000x20xf32>, vector<20x128xf32>, vector<1000x128xf32> -> vector<1000x128xf32>
    %get3A_20 = arith.constant 0 : index
    %get3A_21 = arith.constant 0 : index
    %get3A_22 = vector.load %arg5[%get3A_20, %get3A_21] : memref<1x128xf32, #tpu.memory_space<vmem>>, vector<1x128xf32>
    %add3A_23 = vector.broadcast %get3A_22 : vector<1x128xf32> to vector<1000x128xf32>
    %add3A_24 = arith.addf %dot_general3A_19, %add3A_23 : vector<1000x128xf32>
    %get3A_25 = arith.constant 0 : index
    %get3A_26 = arith.constant 0 : index
    %get3A_27 = vector.load %arg6[%get3A_25, %get3A_26] : memref<128x128xf32, #tpu.memory_space<vmem>>, vector<128x128xf32>
    %dot_general3A_28 = arith.constant dense<0.000000e+00> : vector<1000x128xf32>
    %dot_general3A_29 = tpu.matmul %get3A_15, %get3A_27, %dot_general3A_28 {dimension_numbers = #tpu.dot_dimension_numbers<[1], [0], [0], [1], [0, 0, 1, 1], [], []>, transpose_lhs_hint = false} : vector<1000x128xf32>, vector<128x128xf32>, vector<1000x128xf32> -> vector<1000x128xf32>
    %add3A_30 = arith.addf %add3A_24, %dot_general3A_29 : vector<1000x128xf32>
    %ge3A = arith.constant 0.000000e+00 : f32
    %ge3A_31 = vector.broadcast %ge3A : f32 to vector<1000x128xf32>
    %ge3A_32 = arith.cmpf oge, %add3A_30, %ge3A_31 : vector<1000x128xf32>
    %mul3A = arith.constant 0.00999999977 : f32
    %mul3A_33 = vector.broadcast %mul3A : f32 to vector<1000x128xf32>
    %mul3A_34 = arith.mulf %mul3A_33, %add3A_30 : vector<1000x128xf32>
    %select_n3A = arith.select %ge3A_32, %add3A_30, %mul3A_34 : vector<1000x128xi1>, vector<1000x128xf32>
    %swap3A = arith.constant 0 : index
    %swap3A_35 = arith.constant 0 : index
    %swap3A_36 = vector.load %arg7[%swap3A, %swap3A_35] : memref<1000x128xf32, #tpu.memory_space<vmem>>, vector<1000x128xf32>
    tpu.vector_store %arg7[%swap3A, %swap3A_35], %select_n3A {strides = array<i32>} : memref<1000x128xf32, #tpu.memory_space<vmem>>, vector<1000x128xf32>,
    return
  }
  func.func @transform_0(%arg0: i32) -> (i32, i32, i32) {
    %c0_i32 = arith.constant 0 : i32
    %c0_i32_0 = arith.constant 0 : i32
    %c0_i32_1 = arith.constant 0 : i32
    return %c0_i32, %arg0, %c0_i32_0 : i32, i32, i32
  }
  func.func @transform_1(%arg0: i32) -> (i32, i32, i32) {
    %c1_i32 = arith.constant 1 : i32
    %c0_i32 = arith.constant 0 : i32
    %c0_i32_0 = arith.constant 0 : i32
    return %c1_i32, %arg0, %c0_i32 : i32, i32, i32
  }
  func.func @transform_2(%arg0: i32) -> (i32, i32) {
    %c0_i32 = arith.constant 0 : i32
    %c0_i32_0 = arith.constant 0 : i32
    return %arg0, %c0_i32 : i32, i32
  }
  func.func @transform_3(%arg0: i32) -> (i32, i32) {
    %c0_i32 = arith.constant 0 : i32
    %c0_i32_0 = arith.constant 0 : i32
    %c0_i32_1 = arith.constant 0 : i32
    return %c0_i32, %c0_i32_0 : i32, i32
  }
  func.func @transform_4(%arg0: i32) -> (i32, i32) {
    %c0_i32 = arith.constant 0 : i32
    %c0_i32_0 = arith.constant 0 : i32
    %c0_i32_1 = arith.constant 0 : i32
    return %c0_i32, %c0_i32_0 : i32, i32
  }
  func.func @transform_5(%arg0: i32) -> (i32, i32) {
    %c0_i32 = arith.constant 0 : i32
    %c0_i32_0 = arith.constant 0 : i32
    %c0_i32_1 = arith.constant 0 : i32
    return %c0_i32, %c0_i32_0 : i32, i32
  }
  func.func @transform_6(%arg0: i32) -> (i32, i32) {
    %c0_i32 = arith.constant 0 : i32
    %c0_i32_0 = arith.constant 0 : i32
    return %arg0, %c0_i32 : i32, i32
  }
}

module attributes {stable_mosaic.version = 14 : i64} {
  func.func @_tc_l0d_body(%arg0: i32, %arg1: memref<1x1000x32xf32, #tpu.memory_space<vmem>>, %arg2: memref<1x1000x32xf32, #tpu.memory_space<vmem>>, %arg3: memref<1x1000x128xf32, #tpu.memory_space<vmem>>, %arg4: memref<1x1000x128xf32, #tpu.memory_space<vmem>>, %arg5: memref<1000x32xf32, #tpu.memory_space<vmem>>, %arg6: memref<128x128xf32, #tpu.memory_space<vmem>>, %arg7: memref<1x128xf32, #tpu.memory_space<vmem>>, %arg8: memref<20x128xf32, #tpu.memory_space<vmem>>, %arg9: memref<1000x128xf32, #tpu.memory_space<vmem>>) attributes {dimension_semantics = [#tpu.dimension_semantics<arbitrary>], iteration_bounds = array<i64: 10>, scalar_prefetch = 0 : i64, scratch_operands = 0 : i64, tpu.core_type = #tpu.core_type<tc>, window_params = [{transform_indices = @transform_0, window_bounds = array<i64: 1, 1000, 32>}, {transform_indices = @transform_1, window_bounds = array<i64: 1, 1000, 32>}, {transform_indices = @transform_2, window_bounds = array<i64: 1, 1000, 128>}, {transform_indices = @transform_3, window_bounds = array<i64: 1, 1000, 128>}, {transform_indices = @transform_4, window_bounds = array<i64: 1000, 32>}, {pipeline_mode = #tpu.pipeline_mode<synchronous>, transform_indices = @transform_5, window_bounds = array<i64: 128, 128>}, {pipeline_mode = #tpu.pipeline_mode<synchronous>, transform_indices = @transform_6, window_bounds = array<i64: 1, 128>}, {pipeline_mode = #tpu.pipeline_mode<synchronous>, transform_indices = @transform_7, window_bounds = array<i64: 20, 128>}, {transform_indices = @transform_8, window_bounds = array<i64: 1000, 128>}]} {
    %get3A = arith.constant 0 : index
    %get3A_0 = arith.constant 0 : index
    %get3A_1 = arith.constant 0 : index
    %get3A_2 = vector.load %arg1[%get3A, %get3A_0, %get3A_1] : memref<1x1000x32xf32, #tpu.memory_space<vmem>>, vector<1x1000x32xf32>
    %get3A_3 = vector.shape_cast %get3A_2 : vector<1x1000x32xf32> to vector<1000x32xf32>
    %get3A_4 = arith.constant 0 : index
    %get3A_5 = arith.constant 0 : index
    %get3A_6 = arith.constant 0 : index
    %get3A_7 = vector.load %arg2[%get3A_4, %get3A_5, %get3A_6] : memref<1x1000x32xf32, #tpu.memory_space<vmem>>, vector<1x1000x32xf32>
    %get3A_8 = vector.shape_cast %get3A_7 : vector<1x1000x32xf32> to vector<1000x32xf32>
    %add3A = arith.addf %get3A_3, %get3A_8 : vector<1000x32xf32>
    %get3A_9 = arith.constant 0 : index
    %get3A_10 = arith.constant 0 : index
    %get3A_11 = arith.constant 0 : index
    %get3A_12 = vector.load %arg3[%get3A_9, %get3A_10, %get3A_11] : memref<1x1000x128xf32, #tpu.memory_space<vmem>>, vector<1x1000x128xf32>
    %get3A_13 = vector.shape_cast %get3A_12 : vector<1x1000x128xf32> to vector<1000x128xf32>
    %get3A_14 = arith.constant 0 : index
    %get3A_15 = arith.constant 0 : index
    %get3A_16 = arith.constant 0 : index
    %get3A_17 = vector.load %arg4[%get3A_14, %get3A_15, %get3A_16] : memref<1x1000x128xf32, #tpu.memory_space<vmem>>, vector<1x1000x128xf32>
    %get3A_18 = vector.shape_cast %get3A_17 : vector<1x1000x128xf32> to vector<1000x128xf32>
    %add3A_19 = arith.addf %get3A_13, %get3A_18 : vector<1000x128xf32>
    %slice3A = vector.extract_strided_slice %add3A {offsets = [0, 24], sizes = [1000, 1], strides = [1, 1]} : vector<1000x32xf32> to vector<1000x1xf32>
    %max3A = arith.constant 1.000000e+00 : f32
    %max3A_20 = vector.broadcast %max3A : f32 to vector<1000x1xf32>
    %max3A_21 = arith.maximumf %slice3A, %max3A_20 : vector<1000x1xf32>
    %div3A = vector.broadcast %max3A_21 : vector<1000x1xf32> to vector<1000x128xf32>
    %div3A_22 = arith.divf %add3A_19, %div3A : vector<1000x128xf32>
    %get3A_23 = arith.constant 0 : index
    %get3A_24 = arith.constant 0 : index
    %get3A_25 = vector.load %arg5[%get3A_23, %get3A_24] : memref<1000x32xf32, #tpu.memory_space<vmem>>, vector<1000x32xf32>
    %slice3A_26 = vector.extract_strided_slice %get3A_25 {offsets = [0, 0], sizes = [1000, 20], strides = [1, 1]} : vector<1000x32xf32> to vector<1000x20xf32>
    %slice3A_27 = vector.extract_strided_slice %get3A_25 {offsets = [0, 10], sizes = [1000, 10], strides = [1, 1]} : vector<1000x32xf32> to vector<1000x10xf32>
    %get3A_28 = arith.constant 0 : index
    %get3A_29 = arith.constant 0 : index
    %get3A_30 = vector.load %arg6[%get3A_28, %get3A_29] : memref<128x128xf32, #tpu.memory_space<vmem>>, vector<128x128xf32>
    %dot_general3A = arith.constant dense<0.000000e+00> : vector<1000x128xf32>
    %dot_general3A_31 = tpu.matmul %div3A_22, %get3A_30, %dot_general3A {dimension_numbers = #tpu.dot_dimension_numbers<[1], [0], [0], [1], [0, 0, 1, 1], [], []>, transpose_lhs_hint = false} : vector<1000x128xf32>, vector<128x128xf32>, vector<1000x128xf32> -> vector<1000x128xf32>
    %get3A_32 = arith.constant 0 : index
    %get3A_33 = arith.constant 0 : index
    %get3A_34 = vector.load %arg7[%get3A_32, %get3A_33] : memref<1x128xf32, #tpu.memory_space<vmem>>, vector<1x128xf32>
    %add3A_35 = vector.broadcast %get3A_34 : vector<1x128xf32> to vector<1000x128xf32>
    %add3A_36 = arith.addf %dot_general3A_31, %add3A_35 : vector<1000x128xf32>
    %get3A_37 = arith.constant 0 : index
    %get3A_38 = arith.constant 0 : index
    %get3A_39 = vector.load %arg8[%get3A_37, %get3A_38] : memref<20x128xf32, #tpu.memory_space<vmem>>, vector<20x128xf32>
    %dot_general3A_40 = arith.constant dense<0.000000e+00> : vector<1000x128xf32>
    %dot_general3A_41 = tpu.matmul %slice3A_26, %get3A_39, %dot_general3A_40 {dimension_numbers = #tpu.dot_dimension_numbers<[1], [0], [0], [1], [0, 0, 1, 1], [], []>, transpose_lhs_hint = false} : vector<1000x20xf32>, vector<20x128xf32>, vector<1000x128xf32> -> vector<1000x128xf32>
    %add3A_42 = arith.addf %add3A_36, %dot_general3A_41 : vector<1000x128xf32>
    %slice3A_43 = vector.extract_strided_slice %add3A_42 {offsets = [0, 0], sizes = [1000, 118], strides = [1, 1]} : vector<1000x128xf32> to vector<1000x118xf32>
    %slice3A_44 = vector.extract_strided_slice %add3A_42 {offsets = [0, 118], sizes = [1000, 10], strides = [1, 1]} : vector<1000x128xf32> to vector<1000x10xf32>
    %add3A_45 = arith.addf %slice3A_44, %slice3A_27 : vector<1000x10xf32>
    %concatenate3A = tpu.concatenate %slice3A_43, %add3A_45 in 1 : vector<1000x118xf32>, vector<1000x10xf32> -> vector<1000x128xf32>
    %ge3A = arith.constant 0.000000e+00 : f32
    %ge3A_46 = vector.broadcast %ge3A : f32 to vector<1000x128xf32>
    %ge3A_47 = arith.cmpf oge, %concatenate3A, %ge3A_46 : vector<1000x128xf32>
    %mul3A = arith.constant 0.00999999977 : f32
    %mul3A_48 = vector.broadcast %mul3A : f32 to vector<1000x128xf32>
    %mul3A_49 = arith.mulf %mul3A_48, %concatenate3A : vector<1000x128xf32>
    %select_n3A = arith.select %ge3A_47, %concatenate3A, %mul3A_49 : vector<1000x128xi1>, vector<1000x128xf32>
    %swap3A = arith.constant 0 : index
    %swap3A_50 = arith.constant 0 : index
    %swap3A_51 = vector.load %arg9[%swap3A, %swap3A_50] : memref<1000x128xf32, #tpu.memory_space<vmem>>, vector<1000x128xf32>
    tpu.vector_store %arg9[%swap3A, %swap3A_50], %select_n3A {strides = array<i32>} : memref<1000x128xf32, #tpu.memory_space<vmem>>, vector<1000x128xf32>,
    return
  }
  func.func @transform_0(%arg0: i32) -> (i32, i32, i32) {
    %c0_i32 = arith.constant 0 : i32
    %c0_i32_0 = arith.constant 0 : i32
    %c0_i32_1 = arith.constant 0 : i32
    return %c0_i32, %arg0, %c0_i32_0 : i32, i32, i32
  }
  func.func @transform_1(%arg0: i32) -> (i32, i32, i32) {
    %c1_i32 = arith.constant 1 : i32
    %c0_i32 = arith.constant 0 : i32
    %c0_i32_0 = arith.constant 0 : i32
    return %c1_i32, %arg0, %c0_i32 : i32, i32, i32
  }
  func.func @transform_2(%arg0: i32) -> (i32, i32, i32) {
    %c0_i32 = arith.constant 0 : i32
    %c0_i32_0 = arith.constant 0 : i32
    %c0_i32_1 = arith.constant 0 : i32
    return %c0_i32, %arg0, %c0_i32_0 : i32, i32, i32
  }
  func.func @transform_3(%arg0: i32) -> (i32, i32, i32) {
    %c1_i32 = arith.constant 1 : i32
    %c0_i32 = arith.constant 0 : i32
    %c0_i32_0 = arith.constant 0 : i32
    return %c1_i32, %arg0, %c0_i32 : i32, i32, i32
  }
  func.func @transform_4(%arg0: i32) -> (i32, i32) {
    %c0_i32 = arith.constant 0 : i32
    %c0_i32_0 = arith.constant 0 : i32
    return %arg0, %c0_i32 : i32, i32
  }
  func.func @transform_5(%arg0: i32) -> (i32, i32) {
    %c0_i32 = arith.constant 0 : i32
    %c0_i32_0 = arith.constant 0 : i32
    %c0_i32_1 = arith.constant 0 : i32
    return %c0_i32, %c0_i32_0 : i32, i32
  }
  func.func @transform_6(%arg0: i32) -> (i32, i32) {
    %c0_i32 = arith.constant 0 : i32
    %c0_i32_0 = arith.constant 0 : i32
    %c0_i32_1 = arith.constant 0 : i32
    return %c0_i32, %c0_i32_0 : i32, i32
  }
  func.func @transform_7(%arg0: i32) -> (i32, i32) {
    %c0_i32 = arith.constant 0 : i32
    %c0_i32_0 = arith.constant 0 : i32
    %c0_i32_1 = arith.constant 0 : i32
    return %c0_i32, %c0_i32_0 : i32, i32
  }
  func.func @transform_8(%arg0: i32) -> (i32, i32) {
    %c0_i32 = arith.constant 0 : i32
    %c0_i32_0 = arith.constant 0 : i32
    return %arg0, %c0_i32 : i32, i32
  }
}

module attributes {stable_mosaic.version = 14 : i64} {
  func.func @_tc_l1_body(%arg0: i32, %arg1: memref<1x1000x128xf32, #tpu.memory_space<vmem>>, %arg2: memref<1x1000x128xf32, #tpu.memory_space<vmem>>, %arg3: memref<1x1000x32xf32, #tpu.memory_space<vmem>>, %arg4: memref<1x1000x32xf32, #tpu.memory_space<vmem>>, %arg5: memref<1000x128xf32, #tpu.memory_space<vmem>>, %arg6: memref<128x128xf32, #tpu.memory_space<vmem>>, %arg7: memref<1x128xf32, #tpu.memory_space<vmem>>, %arg8: memref<128x128xf32, #tpu.memory_space<vmem>>, %arg9: memref<128x64xf32, #tpu.memory_space<vmem>>, %arg10: memref<1x64xf32, #tpu.memory_space<vmem>>, %arg11: memref<64x1xf32, #tpu.memory_space<vmem>>, %arg12: memref<1x1xf32, #tpu.memory_space<vmem>>, %arg13: memref<1000x1xf32, #tpu.memory_space<vmem>>) attributes {dimension_semantics = [#tpu.dimension_semantics<arbitrary>], iteration_bounds = array<i64: 10>, scalar_prefetch = 0 : i64, scratch_operands = 0 : i64, tpu.core_type = #tpu.core_type<tc>, window_params = [{transform_indices = @transform_0, window_bounds = array<i64: 1, 1000, 128>}, {transform_indices = @transform_1, window_bounds = array<i64: 1, 1000, 128>}, {transform_indices = @transform_2, window_bounds = array<i64: 1, 1000, 32>}, {transform_indices = @transform_3, window_bounds = array<i64: 1, 1000, 32>}, {transform_indices = @transform_4, window_bounds = array<i64: 1000, 128>}, {pipeline_mode = #tpu.pipeline_mode<synchronous>, transform_indices = @transform_5, window_bounds = array<i64: 128, 128>}, {pipeline_mode = #tpu.pipeline_mode<synchronous>, transform_indices = @transform_6, window_bounds = array<i64: 1, 128>}, {pipeline_mode = #tpu.pipeline_mode<synchronous>, transform_indices = @transform_7, window_bounds = array<i64: 128, 128>}, {pipeline_mode = #tpu.pipeline_mode<synchronous>, transform_indices = @transform_8, window_bounds = array<i64: 128, 64>}, {pipeline_mode = #tpu.pipeline_mode<synchronous>, transform_indices = @transform_9, window_bounds = array<i64: 1, 64>}, {pipeline_mode = #tpu.pipeline_mode<synchronous>, transform_indices = @transform_10, window_bounds = array<i64: 64, 1>}, {pipeline_mode = #tpu.pipeline_mode<synchronous>, transform_indices = @transform_11, window_bounds = array<i64: 1, 1>}, {transform_indices = @transform_12, window_bounds = array<i64: 1000, 1>}]} {
    %get3A = arith.constant 0 : index
    %get3A_0 = arith.constant 0 : index
    %get3A_1 = arith.constant 0 : index
    %get3A_2 = vector.load %arg3[%get3A, %get3A_0, %get3A_1] : memref<1x1000x32xf32, #tpu.memory_space<vmem>>, vector<1x1000x32xf32>
    %get3A_3 = vector.shape_cast %get3A_2 : vector<1x1000x32xf32> to vector<1000x32xf32>
    %slice3A = vector.extract_strided_slice %get3A_3 {offsets = [0, 24], sizes = [1000, 1], strides = [1, 1]} : vector<1000x32xf32> to vector<1000x1xf32>
    %get3A_4 = arith.constant 0 : index
    %get3A_5 = arith.constant 0 : index
    %get3A_6 = arith.constant 0 : index
    %get3A_7 = vector.load %arg4[%get3A_4, %get3A_5, %get3A_6] : memref<1x1000x32xf32, #tpu.memory_space<vmem>>, vector<1x1000x32xf32>
    %get3A_8 = vector.shape_cast %get3A_7 : vector<1x1000x32xf32> to vector<1000x32xf32>
    %slice3A_9 = vector.extract_strided_slice %get3A_8 {offsets = [0, 24], sizes = [1000, 1], strides = [1, 1]} : vector<1000x32xf32> to vector<1000x1xf32>
    %add3A = arith.addf %slice3A, %slice3A_9 : vector<1000x1xf32>
    %max3A = arith.constant 1.000000e+00 : f32
    %max3A_10 = vector.broadcast %max3A : f32 to vector<1000x1xf32>
    %max3A_11 = arith.maximumf %add3A, %max3A_10 : vector<1000x1xf32>
    %get3A_12 = arith.constant 0 : index
    %get3A_13 = arith.constant 0 : index
    %get3A_14 = arith.constant 0 : index
    %get3A_15 = vector.load %arg1[%get3A_12, %get3A_13, %get3A_14] : memref<1x1000x128xf32, #tpu.memory_space<vmem>>, vector<1x1000x128xf32>
    %get3A_16 = vector.shape_cast %get3A_15 : vector<1x1000x128xf32> to vector<1000x128xf32>
    %get3A_17 = arith.constant 0 : index
    %get3A_18 = arith.constant 0 : index
    %get3A_19 = arith.constant 0 : index
    %get3A_20 = vector.load %arg2[%get3A_17, %get3A_18, %get3A_19] : memref<1x1000x128xf32, #tpu.memory_space<vmem>>, vector<1x1000x128xf32>
    %get3A_21 = vector.shape_cast %get3A_20 : vector<1x1000x128xf32> to vector<1000x128xf32>
    %add3A_22 = arith.addf %get3A_16, %get3A_21 : vector<1000x128xf32>
    %div3A = vector.broadcast %max3A_11 : vector<1000x1xf32> to vector<1000x128xf32>
    %div3A_23 = arith.divf %add3A_22, %div3A : vector<1000x128xf32>
    %get3A_24 = arith.constant 0 : index
    %get3A_25 = arith.constant 0 : index
    %get3A_26 = vector.load %arg5[%get3A_24, %get3A_25] : memref<1000x128xf32, #tpu.memory_space<vmem>>, vector<1000x128xf32>
    %get3A_27 = arith.constant 0 : index
    %get3A_28 = arith.constant 0 : index
    %get3A_29 = vector.load %arg6[%get3A_27, %get3A_28] : memref<128x128xf32, #tpu.memory_space<vmem>>, vector<128x128xf32>
    %dot_general3A = arith.constant dense<0.000000e+00> : vector<1000x128xf32>
    %dot_general3A_30 = tpu.matmul %div3A_23, %get3A_29, %dot_general3A {dimension_numbers = #tpu.dot_dimension_numbers<[1], [0], [0], [1], [0, 0, 1, 1], [], []>, transpose_lhs_hint = false} : vector<1000x128xf32>, vector<128x128xf32>, vector<1000x128xf32> -> vector<1000x128xf32>
    %get3A_31 = arith.constant 0 : index
    %get3A_32 = arith.constant 0 : index
    %get3A_33 = vector.load %arg7[%get3A_31, %get3A_32] : memref<1x128xf32, #tpu.memory_space<vmem>>, vector<1x128xf32>
    %add3A_34 = vector.broadcast %get3A_33 : vector<1x128xf32> to vector<1000x128xf32>
    %add3A_35 = arith.addf %dot_general3A_30, %add3A_34 : vector<1000x128xf32>
    %get3A_36 = arith.constant 0 : index
    %get3A_37 = arith.constant 0 : index
    %get3A_38 = vector.load %arg8[%get3A_36, %get3A_37] : memref<128x128xf32, #tpu.memory_space<vmem>>, vector<128x128xf32>
    %dot_general3A_39 = arith.constant dense<0.000000e+00> : vector<1000x128xf32>
    %dot_general3A_40 = tpu.matmul %get3A_26, %get3A_38, %dot_general3A_39 {dimension_numbers = #tpu.dot_dimension_numbers<[1], [0], [0], [1], [0, 0, 1, 1], [], []>, transpose_lhs_hint = false} : vector<1000x128xf32>, vector<128x128xf32>, vector<1000x128xf32> -> vector<1000x128xf32>
    %add3A_41 = arith.addf %add3A_35, %dot_general3A_40 : vector<1000x128xf32>
    %slice3A_42 = vector.extract_strided_slice %add3A_41 {offsets = [0, 0], sizes = [1000, 118], strides = [1, 1]} : vector<1000x128xf32> to vector<1000x118xf32>
    %slice3A_43 = vector.extract_strided_slice %add3A_41 {offsets = [0, 118], sizes = [1000, 10], strides = [1, 1]} : vector<1000x128xf32> to vector<1000x10xf32>
    %slice3A_44 = vector.extract_strided_slice %get3A_26 {offsets = [0, 118], sizes = [1000, 10], strides = [1, 1]} : vector<1000x128xf32> to vector<1000x10xf32>
    %add3A_45 = arith.addf %slice3A_43, %slice3A_44 : vector<1000x10xf32>
    %concatenate3A = tpu.concatenate %slice3A_42, %add3A_45 in 1 : vector<1000x118xf32>, vector<1000x10xf32> -> vector<1000x128xf32>
    %ge3A = arith.constant 0.000000e+00 : f32
    %ge3A_46 = vector.broadcast %ge3A : f32 to vector<1000x128xf32>
    %ge3A_47 = arith.cmpf oge, %concatenate3A, %ge3A_46 : vector<1000x128xf32>
    %mul3A = arith.constant 0.00999999977 : f32
    %mul3A_48 = vector.broadcast %mul3A : f32 to vector<1000x128xf32>
    %mul3A_49 = arith.mulf %mul3A_48, %concatenate3A : vector<1000x128xf32>
    %select_n3A = arith.select %ge3A_47, %concatenate3A, %mul3A_49 : vector<1000x128xi1>, vector<1000x128xf32>
    %get3A_50 = arith.constant 0 : index
    %get3A_51 = arith.constant 0 : index
    %get3A_52 = vector.load %arg9[%get3A_50, %get3A_51] : memref<128x64xf32, #tpu.memory_space<vmem>>, vector<128x64xf32>
    %dot_general3A_53 = arith.constant dense<0.000000e+00> : vector<1000x64xf32>
    %dot_general3A_54 = tpu.matmul %select_n3A, %get3A_52, %dot_general3A_53 {dimension_numbers = #tpu.dot_dimension_numbers<[1], [0], [0], [1], [0, 0, 1, 1], [], []>, transpose_lhs_hint = false} : vector<1000x128xf32>, vector<128x64xf32>, vector<1000x64xf32> -> vector<1000x64xf32>
    %get3A_55 = arith.constant 0 : index
    %get3A_56 = arith.constant 0 : index
    %get3A_57 = vector.load %arg10[%get3A_55, %get3A_56] : memref<1x64xf32, #tpu.memory_space<vmem>>, vector<1x64xf32>
    %add3A_58 = vector.broadcast %get3A_57 : vector<1x64xf32> to vector<1000x64xf32>
    %add3A_59 = arith.addf %dot_general3A_54, %add3A_58 : vector<1000x64xf32>
    %max3A_60 = arith.constant 0.000000e+00 : f32
    %max3A_61 = vector.broadcast %max3A_60 : f32 to vector<1000x64xf32>
    %max3A_62 = arith.maximumf %add3A_59, %max3A_61 : vector<1000x64xf32>
    %get3A_63 = arith.constant 0 : index
    %get3A_64 = arith.constant 0 : index
    %get3A_65 = vector.load %arg11[%get3A_63, %get3A_64] : memref<64x1xf32, #tpu.memory_space<vmem>>, vector<64x1xf32>
    %dot_general3A_66 = arith.constant dense<0.000000e+00> : vector<1000x1xf32>
    %dot_general3A_67 = tpu.matmul %max3A_62, %get3A_65, %dot_general3A_66 {dimension_numbers = #tpu.dot_dimension_numbers<[1], [0], [0], [1], [0, 0, 1, 1], [], []>, transpose_lhs_hint = false} : vector<1000x64xf32>, vector<64x1xf32>, vector<1000x1xf32> -> vector<1000x1xf32>
    %get3A_68 = arith.constant 0 : index
    %get3A_69 = arith.constant 0 : index
    %get3A_70 = vector.load %arg12[%get3A_68, %get3A_69] : memref<1x1xf32, #tpu.memory_space<vmem>>, vector<1x1xf32>
    %add3A_71 = vector.broadcast %get3A_70 : vector<1x1xf32> to vector<1000x1xf32>
    %add3A_72 = arith.addf %dot_general3A_67, %add3A_71 : vector<1000x1xf32>
    %swap3A = arith.constant 0 : index
    %swap3A_73 = arith.constant 0 : index
    %swap3A_74 = vector.load %arg13[%swap3A, %swap3A_73] : memref<1000x1xf32, #tpu.memory_space<vmem>>, vector<1000x1xf32>
    tpu.vector_store %arg13[%swap3A, %swap3A_73], %add3A_72 {strides = array<i32>} : memref<1000x1xf32, #tpu.memory_space<vmem>>, vector<1000x1xf32>,
    return
  }
  func.func @transform_0(%arg0: i32) -> (i32, i32, i32) {
    %c0_i32 = arith.constant 0 : i32
    %c0_i32_0 = arith.constant 0 : i32
    %c0_i32_1 = arith.constant 0 : i32
    return %c0_i32, %arg0, %c0_i32_0 : i32, i32, i32
  }
  func.func @transform_1(%arg0: i32) -> (i32, i32, i32) {
    %c1_i32 = arith.constant 1 : i32
    %c0_i32 = arith.constant 0 : i32
    %c0_i32_0 = arith.constant 0 : i32
    return %c1_i32, %arg0, %c0_i32 : i32, i32, i32
  }
  func.func @transform_2(%arg0: i32) -> (i32, i32, i32) {
    %c0_i32 = arith.constant 0 : i32
    %c0_i32_0 = arith.constant 0 : i32
    %c0_i32_1 = arith.constant 0 : i32
    return %c0_i32, %arg0, %c0_i32_0 : i32, i32, i32
  }
  func.func @transform_3(%arg0: i32) -> (i32, i32, i32) {
    %c1_i32 = arith.constant 1 : i32
    %c0_i32 = arith.constant 0 : i32
    %c0_i32_0 = arith.constant 0 : i32
    return %c1_i32, %arg0, %c0_i32 : i32, i32, i32
  }
  func.func @transform_4(%arg0: i32) -> (i32, i32) {
    %c0_i32 = arith.constant 0 : i32
    %c0_i32_0 = arith.constant 0 : i32
    return %arg0, %c0_i32 : i32, i32
  }
  func.func @transform_5(%arg0: i32) -> (i32, i32) {
    %c0_i32 = arith.constant 0 : i32
    %c0_i32_0 = arith.constant 0 : i32
    %c0_i32_1 = arith.constant 0 : i32
    return %c0_i32, %c0_i32_0 : i32, i32
  }
  func.func @transform_6(%arg0: i32) -> (i32, i32) {
    %c0_i32 = arith.constant 0 : i32
    %c0_i32_0 = arith.constant 0 : i32
    %c0_i32_1 = arith.constant 0 : i32
    return %c0_i32, %c0_i32_0 : i32, i32
  }
  func.func @transform_7(%arg0: i32) -> (i32, i32) {
    %c0_i32 = arith.constant 0 : i32
    %c0_i32_0 = arith.constant 0 : i32
    %c0_i32_1 = arith.constant 0 : i32
    return %c0_i32, %c0_i32_0 : i32, i32
  }
  func.func @transform_8(%arg0: i32) -> (i32, i32) {
    %c0_i32 = arith.constant 0 : i32
    %c0_i32_0 = arith.constant 0 : i32
    %c0_i32_1 = arith.constant 0 : i32
    return %c0_i32, %c0_i32_0 : i32, i32
  }
  func.func @transform_9(%arg0: i32) -> (i32, i32) {
    %c0_i32 = arith.constant 0 : i32
    %c0_i32_0 = arith.constant 0 : i32
    %c0_i32_1 = arith.constant 0 : i32
    return %c0_i32, %c0_i32_0 : i32, i32
  }
  func.func @transform_10(%arg0: i32) -> (i32, i32) {
    %c0_i32 = arith.constant 0 : i32
    %c0_i32_0 = arith.constant 0 : i32
    %c0_i32_1 = arith.constant 0 : i32
    return %c0_i32, %c0_i32_0 : i32, i32
  }
  func.func @transform_11(%arg0: i32) -> (i32, i32) {
    %c0_i32 = arith.constant 0 : i32
    %c0_i32_0 = arith.constant 0 : i32
    %c0_i32_1 = arith.constant 0 : i32
    return %c0_i32, %c0_i32_0 : i32, i32
  }
  func.func @transform_12(%arg0: i32) -> (i32, i32) {
    %c0_i32 = arith.constant 0 : i32
    %c0_i32_0 = arith.constant 0 : i32
    return %arg0, %c0_i32 : i32, i32
  }
}

</mosaic_0001>

<sc_bundles>
// kernel: kernel.12.cloned.1.call-start
scs
__scs_entry_jumppad:
0x0: {  	(pc) =	sbr.rel $0x88, $3  }
0x1: {  	(tag) =	ssettag $0x0;
	lr =	simm.s32 $0x1  }
0x2: {  	[smem:$0x3F8C] =	sst lr;
	_ =	strace $0xD0000000  }
0x3: {  	_ = 	snop  }
0x4: {  	_ = 	snop  }
0x5: {  	_ = 	snop  }
0x6: {  	_ = 	snop  }
0x7: {  	_ = 	snop  }
__scs_overlays_trampoline_lowered:
0x8: {  	[smem:$0x3F9B] =	sst s0  }
0x9: {  	[smem:$0x3F9C] =	sst s1  }
0xa: {  	[smem:$0x3F9D] =	sst s2  }
0xb: {  	[smem:$0x3F9E] =	sst s3  }
0xc: {  	[smem:$0x3F9F] =	sst s4  }
0xd: {  	[smem:$0x3FA0] =	sst s5  }
0xe: {  	[smem:$0x3FA1] =	sst s6  }
0xf: {  	[smem:$0x3FA2] =	sst s7  }
0x10: {  	[smem:$0x3FA3] =	sst s8  }
0x11: {  	[smem:$0x3FA4] =	sst s9;
	s0 =	simm.s32 @!p0 $0x0  }
0x12: {  	s1 =	sld [smem:$0x3F8A];
	s0 =	simm.s32 @p0 $0x1  }
0x13: {  	[smem:$0x3FA5] =	sst s0;
	s0 =	simm.s32 @!p1 $0x0  }
0x14: {  	s2 =	sld [smem:$0x3F89];
	s0 =	simm.s32 @p1 $0x1  }
0x15: {  	[smem:$0x3FA6] =	sst s0;
	s0 =	simm.s32 @!p2 $0x0  }
0x16: {  	s3 =	sld [smem:$0x3FDB];
	s0 =	simm.s32 @p2 $0x1  }
0x17: {  	s4 =	simm.s32 $0x1BF5;
	[smem:$0x3FA8] =	sst s0  }
0x18: {  	s0 =	sld [smem:$0x3F8B];
	_ =	swait.ge [sflag:s4], $0x0  }
0x19: {  	s7 =	sld [smem:$0x3F8C]  }
0x1a: {  	s8 =	sadd.s32 $0xFFFFE003, lr  }
0x1b: {  	s9 =	sadd.s32 $0xFFFFFEF7, lr;
	s5 =	simm.s32 $0xFFFFFFFF;
	p2 =	slt.u32 s8, $0xFFFFF086  }
0x1c: {  	p1 =	slt.u32 s9, $0xF7A;
	s5 =	simm.s32 @!p2 $0x0  }
0x1d: {  	s5 =	simm.s32 @p1 $0x1;
	p0 =	seq.s32 s7, s2  }
0x1e: {  	s7 =	smul.u32 @!p0 $0xF7A, s2;
	p2 =	seq.s32 @!p0 s5, $0x0  }
0x1f: {  	s9 =	smul.u32 $0xF7A, s1;
	s8 =	simm.s32 @!p0 $0x1BF5;
	p2 =	por !p2, p0  }
0x20: {  	[sflag:s8] =	ssyncset.s32 @!p0 $0xFFFFF086;
	s6 =	sadd.s32 @!p0 s3, s7;
	s7 =	simm.s32 @!p0 $0x108  }
0x21: {  	s3 =	sadd.s32 s3, s9;
	s6 =	sadd.s32 @!p0 $0x88, s6;
	s7 =	simm.s32 @p2 $0x1082  }
0x22: {  	[simem:s7], [sflag:s8] =	dma.local @!p0 [hbm:s6], $0xF7A  }
0x23: {  	s9 =	sor.u32 $0xD0000000, s2;
	s6 =	simm.s32 $0x108;
	_ =	swait.ge @!p0 [sflag:s8], $0x0  }
0x24: {  	s3 =	sadd.s32 $0x88, s3;
	s6 =	simm.s32 @!p1 $0x1082;
	[sflag:s4] =	ssyncset.s32 $0xFFFFF086  }
0x25: {  	[simem:s6], [sflag:s4] =	dma.local [hbm:s3], $0xF7A  }
0x26: {  	[smem:$0x3F8C] =	sst s1;
	(tag) =	ssettag s2;
	_ =	strace s9  }
0x27: {  	s1 =	sld [smem:$0x3F9C]  }
0x28: {  	s2 =	sld [smem:$0x3F9D]  }
0x29: {  	s4 =	sld [smem:$0x3F9F]  }
0x2a: {  	p0 =	seq.s32 s5, $0x0;
	s5 =	sld [smem:$0x3FA0]  }
0x2b: {  	s6 =	sld [smem:$0x3FA1]  }
0x2c: {  	s7 =	sld [smem:$0x3FA2]  }
0x2d: {  	s3 =	simm.s32 $0x108;
	s8 =	sld [smem:$0x3FA3]  }
0x2e: {  	s3 =	simm.s32 @!p0 $0x1082;
	s9 =	sld [smem:$0x3FA4]  }
0x2f: {  	lr =	sadd.s32 s0, s3;
	s0 =	sld [smem:$0x3F9B]  }
0x30: {  	s3 =	sld [smem:$0x3F9E]  }
0x31: {  	[smem:$0x3FA7] =	sst s10  }
0x32: {  	s10 =	sld [smem:$0x3FA5];
	_ =	sdelay $0x3  }
0x33: {  	p0 =	seq.s32 s10, $0x1;
	s10 =	sld [smem:$0x3FA7];
	_ =	sdelay $0x3  }
0x34: {  	[smem:$0x3FA7] =	sst s10  }
0x35: {  	s10 =	sld [smem:$0x3FA6];
	_ =	sdelay $0x3  }
0x36: {  	p1 =	seq.s32 s10, $0x1;
	s10 =	sld [smem:$0x3FA7];
	_ =	sdelay $0x3  }
0x37: {  	[smem:$0x3FA7] =	sst s10  }
0x38: {  	s10 =	sld [smem:$0x3FA8]  }
0x39: {  	_ = 	snop;
	(pc) =	sbr.ind lr, $3  }
0x3a: {  	_ = 	snop  }
0x3b: {  	_ = 	snop  }
0x3c: {  	p2 =	seq.s32 s10, $0x1;
	s10 =	sld [smem:$0x3FA7]  }
0x3d: {  	_ =	shalt  }
0x3e: {  	_ =	shalt  }
0x3f: {  	_ =	shalt  }
0x40: {  	_ =	shalt  }
0x41: {  	_ =	shalt  }
0x42: {  	_ =	shalt  }
0x43: {  	_ =	shalt  }
0x44: {  	_ =	shalt  }
0x45: {  	_ =	shalt  }
0x46: {  	_ =	shalt  }
0x47: {  	_ =	shalt  }
0x48: {  	_ =	shalt  }
0x49: {  	_ =	shalt  }
0x4a: {  	_ =	shalt  }
0x4b: {  	_ =	shalt  }
0x4c: {  	_ =	shalt  }
0x4d: {  	_ =	shalt  }
0x4e: {  	_ =	shalt  }
0x4f: {  	_ =	shalt  }
0x50: {  	_ =	shalt  }
0x51: {  	_ =	shalt  }
0x52: {  	_ =	shalt  }
0x53: {  	_ =	shalt  }
0x54: {  	_ =	shalt  }
0x55: {  	_ =	shalt  }
0x56: {  	_ =	shalt  }
0x57: {  	_ =	shalt  }
0x58: {  	_ =	shalt  }
0x59: {  	_ =	shalt  }
0x5a: {  	_ =	shalt  }
0x5b: {  	_ =	shalt  }
0x5c: {  	_ =	shalt  }
0x5d: {  	_ =	shalt  }
0x5e: {  	_ =	shalt  }
0x5f: {  	_ =	shalt  }
0x60: {  	_ =	shalt  }
0x61: {  	_ =	shalt  }
0x62: {  	_ =	shalt  }
0x63: {  	_ =	shalt  }
0x64: {  	_ =	shalt  }
0x65: {  	_ =	shalt  }
0x66: {  	_ =	shalt  }
0x67: {  	_ =	shalt  }
0x68: {  	_ =	shalt  }
0x69: {  	_ =	shalt  }
0x6a: {  	_ =	shalt  }
0x6b: {  	_ =	shalt  }
0x6c: {  	_ =	shalt  }
0x6d: {  	_ =	shalt  }
0x6e: {  	_ =	shalt  }
0x6f: {  	_ =	shalt  }
0x70: {  	_ =	shalt  }
0x71: {  	_ =	shalt  }
0x72: {  	_ =	shalt  }
0x73: {  	_ =	shalt  }
0x74: {  	_ =	shalt  }
0x75: {  	_ =	shalt  }
0x76: {  	_ =	shalt  }
0x77: {  	_ =	shalt  }
0x78: {  	_ =	shalt  }
0x79: {  	_ =	shalt  }
0x7a: {  	_ =	shalt  }
0x7b: {  	_ =	shalt  }
0x7c: {  	_ =	shalt  }
0x7d: {  	_ =	shalt  }
0x7e: {  	_ =	shalt  }
0x7f: {  	_ =	shalt  }
0x80: {  	_ =	shalt  }
0x81: {  	_ =	shalt  }
0x82: {  	_ =	shalt  }
0x83: {  	_ =	shalt  }
0x84: {  	_ =	shalt  }
0x85: {  	_ =	shalt  }
0x86: {  	_ =	shalt  }
0x87: {  	_ =	shalt  }
.Lfunc_end0:
.L_simem_size_0:
called_computation.1_lowered:
.L_overlay_start_0:
0x88: {  	s2 =	sld [smem:$0x3FD9]  }
0x89: {  	s3 =	sld [smem:$0x3FFE];
	_ =	sdelay $0x1  }
0x8a: {  	s1 =	srdreg.scid  }
0x8b: {  	s0 =	sand.u32 $0x1, s1  }
0x8c: {  	s17 =	sshll.u32 s0, $0xA;
	s2 =	sadd.s32 s3, s2  }
0x8d: {  	s2 =	sadd.s32 s2, s17  }
0x8e: {  	[smem:$0x3FB3] =	sst s2  }
0x8f: {  	_ = 	snop  }
0x90: {  	s18 =	sld [smem:$0x3FC8];
	(tm) =	ssettm $0x1  }
0x91: {  	s19 =	sld [smem:$0x3FFB];
	_ =	sdelay $0x3  }
0x92: {  	_ =	strace s19  }
0x93: {  	s2 =	sld [smem:$0x3FFC];
	_ =	sdelay $0x3  }
0x94: {  	_ =	strace s2  }
0x95: {  	s2 =	sld [smem:$0x3FFD];
	_ =	sdelay $0x3  }
0x96: {  	_ =	strace s2  }
0x97: {  	_ =	strace $0x8FFFFFFF  }
0x98: {  	s20 =	sld [smem:$0x3FDB];
	_ =	sdelay $0x1  }
0x99: {  	s4 =	simm.s32 $_scs_section_size  }
0x9a: {  	s5 =	simm.s32 $_size__tile_overlayer_lowered;
	s6 =	simm.s32 $_tile_overlayer_lowered  }
0x9b: {  	s7 =	simm.s32 $0x1BFF;
	s21 =	sshll.u32 s6, $0x1;
	s4 =	sadd.s32 s4, s20  }
0x9c: {  	s22 =	simm.s32 $0x0;
	s5 =	sshll.u32 s5, $0x1;
	s6 =	sadd.s32 s21, s4  }
0x9d: {  	[timem:s22], [sflag:s7] =	dma.local [hbm:s6], s5  }
0x9e: {  	_ =	swait.ge [sflag:s7], s5  }
0x9f: {  	s5 =	ssub.s32 $0x0, s5;
	[sflag:s7] =	ssyncset.done $0x0  }
0xa0: {  	[sflag:s7] =	ssyncadd.s32 s5;
	_ =	sdelay $0x1  }
0xa1: {  	s23 =	simm.s32 $0x1B8B  }
0xa2: {  	_ =	swait.ge [sflag:s23], $0x1  }
0xa3: {  	[sflag:s23] =	ssyncset.done $0x0  }
0xa4: {  	[sflag:s23] =	ssyncadd.s32 $0xFFFFFFFF  }
0xa5: {  	s5 =	sld [smem:$0x0]  }
0xa6: {  	s6 =	sand.u32 $0xFFFFFFFE, s1  }
0xa7: {  	p0 =	sne.s32 s1, s6  }
0xa8: {  	s6 =	sshll.u32 @p0 s6, $0xE  }
0xa9: {  	s6 =	sadd.s32 @p0 $0x11B8D, s6;
	s7 =	sshll.u32 @p0 s5, $0x11  }
0xaa: {  	s6 =	sor.u32 @p0 s7, s6  }
0xab: {  	[sflag:s6] =	ssyncadd.remote.s32 @p0 $0x1;
	_ =	sdelay $0x1  }
0xac: {  	s6 =	simm.s32 @p0 $0x1B8D  }
0xad: {  	_ =	swait.eq @p0 [sflag:s6], $0x1  }
0xae: {  	[sflag:s6] =	ssyncadd.s32 @p0 $0xFFFFFFFF  }
0xaf: {  	s7 =	sshll.u32 @!p0 s1, $0xE  }
0xb0: {  	s7 =	sor.u32 @!p0 $0x4000, s7;
	s6 =	simm.s32 @!p0 $0x1B8D  }
0xb1: {  	s5 =	sshll.u32 @!p0 s5, $0x11;
	s7 =	sadd.s32 @!p0 $0x11B8D, s7;
	_ =	swait.eq @!p0 [sflag:s6], $0x1  }
0xb2: {  	s5 =	sor.u32 @!p0 s5, s7;
	[sflag:s6] =	ssyncadd.s32 @!p0 $0xFFFFFFFF  }
0xb3: {  	s25 =	simm.s32 $0x1B8E;
	s24 =	sld [smem:$0x3FFE];
	[sflag:s5] =	ssyncadd.remote.s32 @!p0 $0x1  }
0xb4: {  	s26 =	simm.s32 $execute0_lowered;
	[smem:$0x3FD2] =	sst s25  }
0xb5: {  	s6 =	sshll.u32 s26, $0x1;
	_ =	strace $0x80000049;
	[dreg:$0x1] =	wrdreg $0xFFFFFFFF  }
0xb6: {  	s28 =	simm.s32 $_size_execute0_lowered;
	s4 =	sadd.s32 s4, s6;
	[dreg:$0x0] =	wrdreg $0x0  }
0xb7: {  	s6 =	sshll.u32 s28, $0x1;
	[dreg:$0x2] =	wrdreg s4  }
0xb8: {  	[dreg:$0x3] =	wrdreg s6  }
0xb9: {  	[dreg:$0x4] =	wrdreg $0xC0  }
0xba: {  	_ =	task [dreg:s22], $0x5FFFF  }
0xbb: {  	[dreg:$0x1] =	wrdreg $0xFFFFFFFF  }
0xbc: {  	[dreg:$0x0] =	wrdreg $0x60  }
0xbd: {  	[dreg:$0x2] =	wrdreg s18  }
0xbe: {  	[dreg:$0x3] =	wrdreg s24  }
0xbf: {  	[dreg:$0x4] =	wrdreg $0xA5000  }
0xc0: {  	[dreg:$0x5] =	wrdreg $0x9  }
0xc1: {  	_ =	task.clear_ibuf [dreg:s22], $0x6FFFF;
	_ =	strace $0x90000049  }
0xc2: {  	s29 =	simm.s32 $0x9;
	_ =	strace $0x8000004B  }
0xc3: {  	_ =	swait.ge [sflag:s29], $0x1  }
0xc4: {  	[sflag:s29] =	ssyncadd.s32 $0xFFFFFFFF  }
0xc5: {  	_ =	strace $0x9000004B  }
0xc6: {  	_ =	sfence  }
0xc7: {  	s30 =	sld [smem:$0x0];
	_ =	sdelay $0x2  }
0xc8: {  	s31 =	sshll.u32 s1, $0xD;
	s1 =	sshrl.u32 s1, $0x2  }
0xc9: {  	s4 =	sand.u32 $0x4000, s31;
	s1 =	sadd.s32 s1, s30  }
0xca: {  	s0 =	sor.u32 s4, s0;
	s1 =	sshll.u32 s1, $0x11  }
0xcb: {  	s0 =	sor.u32 s1, s0  }
0xcc: {  	s0 =	sadd.s32 $0x8F2B, s0  }
0xcd: {  	[sflag:s0] =	ssyncadd.remote.s32 $0x1  }
0xce: {  	_ =	sfence.sel $0xFFFF  }
0xcf: {  	[dreg:$0x0] =	wrdreg $0xFFFFFFFF;
	(pc) =	sbr.abs _section_cstart, $3  }
0xd0: {  	[dreg:$0x1] =	wrdreg $0xFFFFFFFF  }
0xd1: {  	_ =	task.clear_ibuf [dreg:s22], $0x2FFFF;
	_ =	strace $0x9FFFFFFF  }
0xd2: {  	(tm) =	ssettm $0x7FFFFFFF  }
0xd3: {  	_ =	shalt  }
tec
execute0_lowered:
.L_overlay_start_1:
0x0: {  	(tag) =	ssettag $0x1  }
0x1: {  	s1 =	rddreg [dreg:$0x0]  }
0x2: {  	s5 =	rddreg [dreg:$0x1]  }
0x3: {  	s3 =	rddreg [dreg:$0x2]  }
0x4: {  	s0 =	srdreg.scid;
	s2 =	rddreg [dreg:$0x3]  }
0x5: {  	s4 =	simm.s32 $0x0;
	s15 =	simm.s32 $0x1400;
	s16 =	simm.s32 $0x7D  }
0x6: {  	s17 =	simm.s32 $0x2800;
	s18 =	simm.s32 $0x80;
	s6 =	sand.u32 $0x1, s0  }
0x7: {  	s19 =	simm.s32 $0x6680;
	s0 =	stileid.u32;
	s7 =	smul.u32 $0x500, s6  }
0x8: {  	s20 =	simm.s32 $0x1;
	s21 =	simm.s32 $0x2;
	s8 =	smul.u32 $0x50, s0  }
0x9: {  	s22 =	simm.s32 $0x2700;
	s23 =	simm.s32 $0x2780;
	s29 =	smul.u32 $0x14000, s0  }
0xa: {  	s24 =	simm.s32 $0x0;
	[smem:$0x7FF] =	sst s4;
	s9 =	smul.u32 $0x140000, s6  }
0xb: {  	_ =	strace $0x8000004A;
	s6 =	ssub.s32 $0x2, s6;
	s31 =	sshll.u32 s0, $0x6  }
0xc: {  	s11 =	sshrl.u32 s6, $0x1;
	s7 =	sadd.s32 s8, s7;
	s30 =	sshrl.u32 s29, $0x3  }
0xd: {  	s9 =	sadd.s32 s29, s9;
	s13 =	ssub.s32 s6, s11;
	s14 =	sadd.s32 s29, s3  }
0xe: {  	s6 =	sor.u32 $0x1C03, s31;
	s7 =	sshll.u32 s7, $0x4;
	s9 =	sshrl.u32 s9, $0x3  }
0xf: {  	s10 =	sadd.s32 s7, s5;
	s7 =	sadd.s32 s30, s5;
	s12 =	sadd.s32 s9, s5  }
0x10: {  	s5 =	sadd.s32 $0x54000, s7;
	s7 =	sadd.s32 $0xE000, s10;
	s8 =	sadd.s32 $0x18000, s10  }
0x11: {  	s9 =	sadd.s32 $0xE280, s10;
	s10 =	sadd.s32 $0x18280, s10;
	s11 =	sadd.s32 $0x7C000, s12  }
0x12: {  	s12 =	smax.u32 s13, $0x1;
	s13 =	sshrl.u32 s14, $0x3;
	s14 =	simm.s32 $0x3  }
.LBB2_1:
0x13: {  	[spmem:s13], [sflag:s6] =	dma.local [hbm:s5], $0x2800  }
0x14: {  	_ =	swait.ge [sflag:s14], $0x2800  }
0x15: {  	[sflag:s14] =	ssyncset.done $0x0  }
0x16: {  	[sflag:s14] =	ssyncadd.s32 $0xFFFFD800  }
0x17: {  	[tilespmem:s4], [sflag:$0x3] =	stream.linear.gather [hbm4b:s7+s4], $0x1400, $0x38;
	[tilespmem:$0x1E500] =	vst v63  }
0x18: {  	_ =	swait.ge [sflag:s14], $0x1400  }
0x19: {  	[sflag:s14] =	ssyncset.done $0x0  }
0x1a: {  	[sflag:s14] =	ssyncadd.s32 $0xFFFFEC00  }
0x1b: {  	[tilespmem:s15], [sflag:$0x3] =	stream.linear.gather [hbm4b:s8+s4], $0x1400, $0x38;
	[tilespmem:$0x1E500] =	vst v63  }
0x1c: {  	_ =	swait.ge [sflag:s14], $0x1400  }
0x1d: {  	[sflag:s14] =	ssyncset.done $0x0  }
0x1e: {  	[sflag:s14] =	ssyncadd.s32 $0xFFFFEC00  }
0x1f: {  	[tilespmem:s17], [sflag:$0x1] =	stream.indirect.gather [hbm4b:s1+s16], $0x80, s4, s16, $0xb8;
	[tilespmem:$0x1E500] =	vst v63  }
0x20: {  	_ = 	snop  }
0x21: {  	[tilespmem:s19], [sflag:$0x2] =	stream.indirect.gather [hbm4b:s1+s16], $0x80, s18, s16, $0xb8;
	[tilespmem:$0x1E500] =	vst v63  }
0x22: {  	[bflag:$0x0] =	sbarrier.arrive $0xFFFF  }
0x23: {  	_ =	swait.ge [sflag:s20], $0x3E80  }
0x24: {  	[sflag:s20] =	ssyncset.done $0x0  }
0x25: {  	s25 =	simm.s32 $0x1400;
	[sflag:s20] =	ssyncadd.s32 $0xFFFFC180  }
0x26: {  	[spmem:s3] =	stream.indirect.scatter.add.f32 [tilespmem:s17], [sflag:$0x3], $0x80, s25, s16, $0xb8;
	[tilespmem:$0x1E500] =	vst v63  }
0x27: {  	_ =	swait.ge [sflag:s14], $0x3E80  }
0x28: {  	[sflag:s14] =	ssyncset.done $0x0  }
0x29: {  	s30 =	simm.s32 $0x100;
	[sflag:s14] =	ssyncadd.s32 $0xFFFFC180  }
0x2a: {  	[tilespmem:s17], [sflag:$0x1] =	stream.indirect.gather [hbm4b:s1+s16], $0x80, s30, s16, $0xb8;
	[tilespmem:$0x1E500] =	vst v63  }
0x2b: {  	_ =	swait.ge [sflag:s21], $0x3E80  }
0x2c: {  	[sflag:s21] =	ssyncset.done $0x0  }
0x2d: {  	s31 =	simm.s32 $0x1480;
	[sflag:s21] =	ssyncadd.s32 $0xFFFFC180  }
0x2e: {  	[spmem:s3] =	stream.indirect.scatter.add.f32 [tilespmem:s19], [sflag:$0x3], $0x80, s31, s16, $0xb8;
	[tilespmem:$0x1E500] =	vst v63  }
0x2f: {  	_ =	swait.ge [sflag:s14], $0x3E80  }
0x30: {  	[sflag:s14] =	ssyncset.done $0x0  }
0x31: {  	s26 =	simm.s32 $0x180;
	s25 =	simm.s32 $0x400;
	[sflag:s14] =	ssyncadd.s32 $0xFFFFC180  }
.LBB2_2:
0x32: {  	[tilespmem:s19], [sflag:$0x2] =	stream.indirect.gather [hbm4b:s1+s16], $0x80, s26, s16, $0xb8;
	[tilespmem:$0x1E500] =	vst v63  }
0x33: {  	s26 =	smov.u32 s25  }
0x34: {  	p0 =	sne.s32 s25, $0x4800;
	s25 =	sadd.s32 $0x400, s25;
	_ =	swait.ge [sflag:s20], $0x3E80  }
0x35: {  	s26 =	sshra.s32 s26, $0x2;
	[sflag:s20] =	ssyncset.done $0x0  }
0x36: {  	s28 =	sadd.s32 $0x1400, s26;
	[sflag:s20] =	ssyncadd.s32 $0xFFFFC180  }
0x37: {  	[spmem:s3] =	stream.indirect.scatter.add.f32 [tilespmem:s17], [sflag:$0x3], $0x80, s28, s16, $0xb8;
	[tilespmem:$0x1E500] =	vst v63  }
0x38: {  	_ =	swait.ge [sflag:s14], $0x3E80  }
0x39: {  	[sflag:s14] =	ssyncset.done $0x0  }
0x3a: {  	s28 =	sadd.s32 $0x100, s26;
	[sflag:s14] =	ssyncadd.s32 $0xFFFFC180  }
0x3b: {  	[tilespmem:s17], [sflag:$0x1] =	stream.indirect.gather [hbm4b:s1+s16], $0x80, s28, s16, $0xb8;
	[tilespmem:$0x1E500] =	vst v63  }
0x3c: {  	_ =	swait.ge [sflag:s21], $0x3E80  }
0x3d: {  	[sflag:s21] =	ssyncset.done $0x0  }
.Ltmp0:
0x3e: {  	s28 =	sadd.s32 $0x1480, s26;
	[sflag:s21] =	ssyncadd.s32 $0xFFFFC180;
	(pc) =	sbr.rel @p0 .LBB2_2-.Ltmp0, $4  }
0x3f: {  	[spmem:s3] =	stream.indirect.scatter.add.f32 [tilespmem:s19], [sflag:$0x3], $0x80, s28, s16, $0xb8;
	[tilespmem:$0x1E500] =	vst v63  }
0x40: {  	_ =	swait.ge [sflag:s14], $0x3E80  }
0x41: {  	[sflag:s14] =	ssyncset.done $0x0  }
0x42: {  	s26 =	sadd.s32 $0x180, s26;
	[sflag:s14] =	ssyncadd.s32 $0xFFFFC180  }
0x43: {  	[tilespmem:s19], [sflag:$0x2] =	stream.indirect.gather [hbm4b:s1+s16], $0x80, s26, s16, $0xb8;
	[tilespmem:$0x1E500] =	vst v63  }
0x44: {  	_ =	swait.ge [sflag:s20], $0x3E80  }
0x45: {  	[sflag:s20] =	ssyncset.done $0x0  }
0x46: {  	[sflag:s20] =	ssyncadd.s32 $0xFFFFC180  }
0x47: {  	[spmem:s3] =	stream.indirect.scatter.add.f32 [tilespmem:s17], [sflag:$0x3], $0x80, s22, s16, $0xb8;
	[tilespmem:$0x1E500] =	vst v63  }
0x48: {  	_ =	swait.ge [sflag:s14], $0x3E80  }
0x49: {  	[sflag:s14] =	ssyncset.done $0x0  }
0x4a: {  	[sflag:s14] =	ssyncadd.s32 $0xFFFFC180  }
0x4b: {  	_ =	swait.ge [sflag:s21], $0x3E80  }
0x4c: {  	[sflag:s21] =	ssyncset.done $0x0  }
0x4d: {  	[sflag:s21] =	ssyncadd.s32 $0xFFFFC180  }
0x4e: {  	[spmem:s3] =	stream.indirect.scatter.add.f32 [tilespmem:s19], [sflag:$0x3], $0x80, s23, s16, $0xb8;
	[tilespmem:$0x1E500] =	vst v63  }
0x4f: {  	_ =	swait.ge [sflag:s14], $0x3E80  }
0x50: {  	[sflag:s14] =	ssyncset.done $0x0  }
0x51: {  	s25 =	simm.s32 $0x0;
	[sflag:s14] =	ssyncadd.s32 $0xFFFFC180  }
0x52: {  	[tilespmem:s25], [sflag:$0x3] =	stream.linear.gather [hbm4b:s9+s25], $0x1400, $0x38;
	[tilespmem:$0x1E500] =	vst v63  }
0x53: {  	_ =	swait.ge [sflag:s14], $0x1400  }
0x54: {  	[sflag:s14] =	ssyncset.done $0x0  }
0x55: {  	[sflag:s14] =	ssyncadd.s32 $0xFFFFEC00  }
0x56: {  	[tilespmem:s15], [sflag:$0x3] =	stream.linear.gather [hbm4b:s10+s25], $0x1400, $0x38;
	[tilespmem:$0x1E500] =	vst v63  }
0x57: {  	_ =	swait.ge [sflag:s14], $0x1400  }
0x58: {  	[sflag:s14] =	ssyncset.done $0x0  }
0x59: {  	[sflag:s14] =	ssyncadd.s32 $0xFFFFEC00  }
0x5a: {  	[tilespmem:s17], [sflag:$0x1] =	stream.indirect.gather [hbm4b:s1+s16], $0x80, s25, s16, $0xb8;
	[tilespmem:$0x1E500] =	vst v63  }
0x5b: {  	_ = 	snop  }
0x5c: {  	[tilespmem:s19], [sflag:$0x2] =	stream.indirect.gather [hbm4b:s1+s16], $0x80, s18, s16, $0xb8;
	[tilespmem:$0x1E500] =	vst v63  }
0x5d: {  	_ =	swait.ge [sflag:s20], $0x3E80  }
0x5e: {  	[sflag:s20] =	ssyncset.done $0x0  }
0x5f: {  	s29 =	simm.s32 $0x1400;
	[sflag:s20] =	ssyncadd.s32 $0xFFFFC180  }
0x60: {  	[spmem:s3] =	stream.indirect.scatter.add.f32 [tilespmem:s17], [sflag:$0x3], $0x80, s29, s16, $0xb8;
	[tilespmem:$0x1E500] =	vst v63  }
0x61: {  	_ =	swait.ge [sflag:s14], $0x3E80  }
0x62: {  	[sflag:s14] =	ssyncset.done $0x0  }
0x63: {  	s30 =	simm.s32 $0x100;
	[sflag:s14] =	ssyncadd.s32 $0xFFFFC180  }
0x64: {  	[tilespmem:s17], [sflag:$0x1] =	stream.indirect.gather [hbm4b:s1+s16], $0x80, s30, s16, $0xb8;
	[tilespmem:$0x1E500] =	vst v63  }
0x65: {  	_ =	swait.ge [sflag:s21], $0x3E80  }
0x66: {  	[sflag:s21] =	ssyncset.done $0x0  }
0x67: {  	s31 =	simm.s32 $0x1480;
	[sflag:s21] =	ssyncadd.s32 $0xFFFFC180  }
0x68: {  	[spmem:s3] =	stream.indirect.scatter.add.f32 [tilespmem:s19], [sflag:$0x3], $0x80, s31, s16, $0xb8;
	[tilespmem:$0x1E500] =	vst v63  }
0x69: {  	_ =	swait.ge [sflag:s14], $0x3E80  }
0x6a: {  	[sflag:s14] =	ssyncset.done $0x0  }
0x6b: {  	s26 =	simm.s32 $0x180;
	s25 =	simm.s32 $0x400;
	[sflag:s14] =	ssyncadd.s32 $0xFFFFC180  }
.LBB2_4:
0x6c: {  	[tilespmem:s19], [sflag:$0x2] =	stream.indirect.gather [hbm4b:s1+s16], $0x80, s26, s16, $0xb8;
	[tilespmem:$0x1E500] =	vst v63  }
0x6d: {  	s26 =	smov.u32 s25  }
0x6e: {  	p0 =	sne.s32 s25, $0x4800;
	s25 =	sadd.s32 $0x400, s25;
	_ =	swait.ge [sflag:s20], $0x3E80  }
0x6f: {  	s26 =	sshra.s32 s26, $0x2;
	[sflag:s20] =	ssyncset.done $0x0  }
0x70: {  	s28 =	sadd.s32 $0x1400, s26;
	[sflag:s20] =	ssyncadd.s32 $0xFFFFC180  }
0x71: {  	[spmem:s3] =	stream.indirect.scatter.add.f32 [tilespmem:s17], [sflag:$0x3], $0x80, s28, s16, $0xb8;
	[tilespmem:$0x1E500] =	vst v63  }
0x72: {  	_ =	swait.ge [sflag:s14], $0x3E80  }
0x73: {  	[sflag:s14] =	ssyncset.done $0x0  }
0x74: {  	s28 =	sadd.s32 $0x100, s26;
	[sflag:s14] =	ssyncadd.s32 $0xFFFFC180  }
0x75: {  	[tilespmem:s17], [sflag:$0x1] =	stream.indirect.gather [hbm4b:s1+s16], $0x80, s28, s16, $0xb8;
	[tilespmem:$0x1E500] =	vst v63  }
0x76: {  	_ =	swait.ge [sflag:s21], $0x3E80  }
0x77: {  	[sflag:s21] =	ssyncset.done $0x0  }
.Ltmp1:
0x78: {  	s28 =	sadd.s32 $0x1480, s26;
	[sflag:s21] =	ssyncadd.s32 $0xFFFFC180;
	(pc) =	sbr.rel @p0 .LBB2_4-.Ltmp1, $4  }
0x79: {  	[spmem:s3] =	stream.indirect.scatter.add.f32 [tilespmem:s19], [sflag:$0x3], $0x80, s28, s16, $0xb8;
	[tilespmem:$0x1E500] =	vst v63  }
0x7a: {  	_ =	swait.ge [sflag:s14], $0x3E80  }
0x7b: {  	[sflag:s14] =	ssyncset.done $0x0  }
0x7c: {  	s26 =	sadd.s32 $0x180, s26;
	[sflag:s14] =	ssyncadd.s32 $0xFFFFC180  }
0x7d: {  	[tilespmem:s19], [sflag:$0x2] =	stream.indirect.gather [hbm4b:s1+s16], $0x80, s26, s16, $0xb8;
	[tilespmem:$0x1E500] =	vst v63  }
0x7e: {  	_ =	swait.ge [sflag:s20], $0x3E80  }
0x7f: {  	[sflag:s20] =	ssyncset.done $0x0  }
0x80: {  	[sflag:s20] =	ssyncadd.s32 $0xFFFFC180  }
0x81: {  	[spmem:s3] =	stream.indirect.scatter.add.f32 [tilespmem:s17], [sflag:$0x3], $0x80, s22, s16, $0xb8;
	[tilespmem:$0x1E500] =	vst v63  }
0x82: {  	_ =	swait.ge [sflag:s14], $0x3E80  }
0x83: {  	[sflag:s14] =	ssyncset.done $0x0  }
0x84: {  	[sflag:s14] =	ssyncadd.s32 $0xFFFFC180  }
0x85: {  	_ =	swait.ge [sflag:s21], $0x3E80  }
0x86: {  	[sflag:s21] =	ssyncset.done $0x0  }
0x87: {  	[sflag:s21] =	ssyncadd.s32 $0xFFFFC180  }
0x88: {  	[spmem:s3] =	stream.indirect.scatter.add.f32 [tilespmem:s19], [sflag:$0x3], $0x80, s23, s16, $0xb8;
	[tilespmem:$0x1E500] =	vst v63  }
0x89: {  	_ =	swait.ge [sflag:s14], $0x3E80  }
0x8a: {  	s24 =	sadd.s32 $0x1, s24;
	[sflag:s14] =	ssyncset.done $0x0  }
0x8b: {  	p0 =	sne.s32 s24, s12;
	[sflag:s14] =	ssyncadd.s32 $0xFFFFC180  }
.Ltmp2:
0x8c: {  	[bflag:$0x0] =	sbarrier.arrive $0xFFFF;
	(pc) =	sbr.rel @p0 .LBB2_1-.Ltmp2, $4  }
0x8d: {  	[hbm:s11], [sflag:s6] =	dma.local [spmem:s13], $0x2800  }
0x8e: {  	_ =	swait.ge [sflag:s14], $0x2800  }
0x8f: {  	[sflag:s14] =	ssyncset.done $0x0  }
0x90: {  	[sflag:s14] =	ssyncadd.s32 $0xFFFFD800  }
0x91: {  	_ =	sfence.sel $0x180000  }
0x92: {  	[bflag:$0x0] =	sbarrier.arrive $0xFFFF  }
0x93: {  	p0 =	sne.s32 s0, $0x0;
	_ =	strace $0x9000004A  }
0x94: {  	s0 =	sadd.s32 @!p0 $0x100000, s2;
	[bflag:$0x2] =	sbarrier.arrive $0xFFFF  }
0x95: {  	[sflag:s0] =	ssyncadd.tile.s32 @!p0 $0x1;
	_ =	shalt  }
.Lfunc_end2:
_tile_overlayer_lowered:
.L_overlay_start_2:
0x96: {  	(tag) =	ssettag $0x2  }
0x97: {  	s0 =	rddreg [dreg:$0x0];
	s2 =	stileid.u32  }
0x98: {  	s1 =	rddreg [dreg:$0x1];
	p0 =	sne.s32 s2, $0x0  }
0x99: {  	s3 =	rddreg [dreg:$0x2];
	[bflag:$0x3] =	sbarrier.arrive $0xFFFF;
	s2 =	simm.s32 @!p0 $0x1C03  }
0x9a: {  	[timem:s3], [sflag:s2] =	dma.local @!p0 [hbm:s0], s1  }
0x9b: {  	s0 =	simm.s32 @!p0 $0x3  }
0x9c: {  	_ =	swait.ge @!p0 [sflag:s0], s1  }
0x9d: {  	s1 =	ssub.s32 @!p0 $0x0, s1;
	[sflag:s0] =	ssyncset.done @!p0 $0x0  }
0x9e: {  	[sflag:s0] =	ssyncadd.s32 @!p0 s1  }
0x9f: {  	[bflag:$0x3] =	sbarrier.arrive $0xFFFF  }
0xa0: {  	_ =	shalt  }

// kernel: kernel.15.cloned.1.call-start
scs
__scs_entry_jumppad:
0x0: {  	(pc) =	sbr.rel $0x88, $3  }
0x1: {  	(tag) =	ssettag $0x0;
	lr =	simm.s32 $0x1  }
0x2: {  	[smem:$0x3F8C] =	sst lr;
	_ =	strace $0xD0000000  }
0x3: {  	_ = 	snop  }
0x4: {  	_ = 	snop  }
0x5: {  	_ = 	snop  }
0x6: {  	_ = 	snop  }
0x7: {  	_ = 	snop  }
__scs_overlays_trampoline_lowered:
0x8: {  	[smem:$0x3F9B] =	sst s0  }
0x9: {  	[smem:$0x3F9C] =	sst s1  }
0xa: {  	[smem:$0x3F9D] =	sst s2  }
0xb: {  	[smem:$0x3F9E] =	sst s3  }
0xc: {  	[smem:$0x3F9F] =	sst s4  }
0xd: {  	[smem:$0x3FA0] =	sst s5  }
0xe: {  	[smem:$0x3FA1] =	sst s6  }
0xf: {  	[smem:$0x3FA2] =	sst s7  }
0x10: {  	[smem:$0x3FA3] =	sst s8  }
0x11: {  	[smem:$0x3FA4] =	sst s9;
	s0 =	simm.s32 @!p0 $0x0  }
0x12: {  	s1 =	sld [smem:$0x3F8A];
	s0 =	simm.s32 @p0 $0x1  }
0x13: {  	[smem:$0x3FA5] =	sst s0;
	s0 =	simm.s32 @!p1 $0x0  }
0x14: {  	s2 =	sld [smem:$0x3F89];
	s0 =	simm.s32 @p1 $0x1  }
0x15: {  	[smem:$0x3FA6] =	sst s0;
	s0 =	simm.s32 @!p2 $0x0  }
0x16: {  	s3 =	sld [smem:$0x3FDB];
	s0 =	simm.s32 @p2 $0x1  }
0x17: {  	s4 =	simm.s32 $0x1BF5;
	[smem:$0x3FA8] =	sst s0  }
0x18: {  	s0 =	sld [smem:$0x3F8B];
	_ =	swait.ge [sflag:s4], $0x0  }
0x19: {  	s7 =	sld [smem:$0x3F8C]  }
0x1a: {  	s8 =	sadd.s32 $0xFFFFE003, lr  }
0x1b: {  	s9 =	sadd.s32 $0xFFFFFEF7, lr;
	s5 =	simm.s32 $0xFFFFFFFF;
	p2 =	slt.u32 s8, $0xFFFFF086  }
0x1c: {  	p1 =	slt.u32 s9, $0xF7A;
	s5 =	simm.s32 @!p2 $0x0  }
0x1d: {  	s5 =	simm.s32 @p1 $0x1;
	p0 =	seq.s32 s7, s2  }
0x1e: {  	s7 =	smul.u32 @!p0 $0xF7A, s2;
	p2 =	seq.s32 @!p0 s5, $0x0  }
0x1f: {  	s9 =	smul.u32 $0xF7A, s1;
	s8 =	simm.s32 @!p0 $0x1BF5;
	p2 =	por !p2, p0  }
0x20: {  	[sflag:s8] =	ssyncset.s32 @!p0 $0xFFFFF086;
	s6 =	sadd.s32 @!p0 s3, s7;
	s7 =	simm.s32 @!p0 $0x108  }
0x21: {  	s3 =	sadd.s32 s3, s9;
	s6 =	sadd.s32 @!p0 $0x88, s6;
	s7 =	simm.s32 @p2 $0x1082  }
0x22: {  	[simem:s7], [sflag:s8] =	dma.local @!p0 [hbm:s6], $0xF7A  }
0x23: {  	s9 =	sor.u32 $0xD0000000, s2;
	s6 =	simm.s32 $0x108;
	_ =	swait.ge @!p0 [sflag:s8], $0x0  }
0x24: {  	s3 =	sadd.s32 $0x88, s3;
	s6 =	simm.s32 @!p1 $0x1082;
	[sflag:s4] =	ssyncset.s32 $0xFFFFF086  }
0x25: {  	[simem:s6], [sflag:s4] =	dma.local [hbm:s3], $0xF7A  }
0x26: {  	[smem:$0x3F8C] =	sst s1;
	(tag) =	ssettag s2;
	_ =	strace s9  }
0x27: {  	s1 =	sld [smem:$0x3F9C]  }
0x28: {  	s2 =	sld [smem:$0x3F9D]  }
0x29: {  	s4 =	sld [smem:$0x3F9F]  }
0x2a: {  	p0 =	seq.s32 s5, $0x0;
	s5 =	sld [smem:$0x3FA0]  }
0x2b: {  	s6 =	sld [smem:$0x3FA1]  }
0x2c: {  	s7 =	sld [smem:$0x3FA2]  }
0x2d: {  	s3 =	simm.s32 $0x108;
	s8 =	sld [smem:$0x3FA3]  }
0x2e: {  	s3 =	simm.s32 @!p0 $0x1082;
	s9 =	sld [smem:$0x3FA4]  }
0x2f: {  	lr =	sadd.s32 s0, s3;
	s0 =	sld [smem:$0x3F9B]  }
0x30: {  	s3 =	sld [smem:$0x3F9E]  }
0x31: {  	[smem:$0x3FA7] =	sst s10  }
0x32: {  	s10 =	sld [smem:$0x3FA5];
	_ =	sdelay $0x3  }
0x33: {  	p0 =	seq.s32 s10, $0x1;
	s10 =	sld [smem:$0x3FA7];
	_ =	sdelay $0x3  }
0x34: {  	[smem:$0x3FA7] =	sst s10  }
0x35: {  	s10 =	sld [smem:$0x3FA6];
	_ =	sdelay $0x3  }
0x36: {  	p1 =	seq.s32 s10, $0x1;
	s10 =	sld [smem:$0x3FA7];
	_ =	sdelay $0x3  }
0x37: {  	[smem:$0x3FA7] =	sst s10  }
0x38: {  	s10 =	sld [smem:$0x3FA8]  }
0x39: {  	_ = 	snop;
	(pc) =	sbr.ind lr, $3  }
0x3a: {  	_ = 	snop  }
0x3b: {  	_ = 	snop  }
0x3c: {  	p2 =	seq.s32 s10, $0x1;
	s10 =	sld [smem:$0x3FA7]  }
0x3d: {  	_ =	shalt  }
0x3e: {  	_ =	shalt  }
0x3f: {  	_ =	shalt  }
0x40: {  	_ =	shalt  }
0x41: {  	_ =	shalt  }
0x42: {  	_ =	shalt  }
0x43: {  	_ =	shalt  }
0x44: {  	_ =	shalt  }
0x45: {  	_ =	shalt  }
0x46: {  	_ =	shalt  }
0x47: {  	_ =	shalt  }
0x48: {  	_ =	shalt  }
0x49: {  	_ =	shalt  }
0x4a: {  	_ =	shalt  }
0x4b: {  	_ =	shalt  }
0x4c: {  	_ =	shalt  }
0x4d: {  	_ =	shalt  }
0x4e: {  	_ =	shalt  }
0x4f: {  	_ =	shalt  }
0x50: {  	_ =	shalt  }
0x51: {  	_ =	shalt  }
0x52: {  	_ =	shalt  }
0x53: {  	_ =	shalt  }
0x54: {  	_ =	shalt  }
0x55: {  	_ =	shalt  }
0x56: {  	_ =	shalt  }
0x57: {  	_ =	shalt  }
0x58: {  	_ =	shalt  }
0x59: {  	_ =	shalt  }
0x5a: {  	_ =	shalt  }
0x5b: {  	_ =	shalt  }
0x5c: {  	_ =	shalt  }
0x5d: {  	_ =	shalt  }
0x5e: {  	_ =	shalt  }
0x5f: {  	_ =	shalt  }
0x60: {  	_ =	shalt  }
0x61: {  	_ =	shalt  }
0x62: {  	_ =	shalt  }
0x63: {  	_ =	shalt  }
0x64: {  	_ =	shalt  }
0x65: {  	_ =	shalt  }
0x66: {  	_ =	shalt  }
0x67: {  	_ =	shalt  }
0x68: {  	_ =	shalt  }
0x69: {  	_ =	shalt  }
0x6a: {  	_ =	shalt  }
0x6b: {  	_ =	shalt  }
0x6c: {  	_ =	shalt  }
0x6d: {  	_ =	shalt  }
0x6e: {  	_ =	shalt  }
0x6f: {  	_ =	shalt  }
0x70: {  	_ =	shalt  }
0x71: {  	_ =	shalt  }
0x72: {  	_ =	shalt  }
0x73: {  	_ =	shalt  }
0x74: {  	_ =	shalt  }
0x75: {  	_ =	shalt  }
0x76: {  	_ =	shalt  }
0x77: {  	_ =	shalt  }
0x78: {  	_ =	shalt  }
0x79: {  	_ =	shalt  }
0x7a: {  	_ =	shalt  }
0x7b: {  	_ =	shalt  }
0x7c: {  	_ =	shalt  }
0x7d: {  	_ =	shalt  }
0x7e: {  	_ =	shalt  }
0x7f: {  	_ =	shalt  }
0x80: {  	_ =	shalt  }
0x81: {  	_ =	shalt  }
0x82: {  	_ =	shalt  }
0x83: {  	_ =	shalt  }
0x84: {  	_ =	shalt  }
0x85: {  	_ =	shalt  }
0x86: {  	_ =	shalt  }
0x87: {  	_ =	shalt  }
.Lfunc_end0:
.L_simem_size_0:
called_computation.2_lowered:
.L_overlay_start_0:
0x88: {  	s2 =	sld [smem:$0x3FD9]  }
0x89: {  	s3 =	sld [smem:$0x3FFE];
	_ =	sdelay $0x1  }
0x8a: {  	s1 =	srdreg.scid  }
0x8b: {  	s0 =	sand.u32 $0x1, s1  }
0x8c: {  	s17 =	sshll.u32 s0, $0xA;
	s2 =	sadd.s32 s3, s2  }
0x8d: {  	s2 =	sadd.s32 s2, s17  }
0x8e: {  	[smem:$0x3FB3] =	sst s2  }
0x8f: {  	_ = 	snop  }
0x90: {  	(tm) =	ssettm $0x1  }
0x91: {  	s18 =	sld [smem:$0x3FFB];
	_ =	sdelay $0x3  }
0x92: {  	_ =	strace s18  }
0x93: {  	s2 =	sld [smem:$0x3FFC];
	_ =	sdelay $0x3  }
0x94: {  	_ =	strace s2  }
0x95: {  	s2 =	sld [smem:$0x3FFD];
	_ =	sdelay $0x3  }
0x96: {  	_ =	strace s2  }
0x97: {  	_ =	strace $0x8FFFFFFF  }
0x98: {  	s19 =	sld [smem:$0x3FDB];
	_ =	sdelay $0x1  }
0x99: {  	s20 =	simm.s32 $_scs_section_size  }
0x9a: {  	s4 =	simm.s32 $_size__tile_overlayer_lowered;
	s5 =	simm.s32 $_tile_overlayer_lowered  }
0x9b: {  	s6 =	simm.s32 $0x1BFF;
	s21 =	sshll.u32 s5, $0x1;
	s3 =	sadd.s32 s20, s19  }
0x9c: {  	s22 =	simm.s32 $0x0;
	s4 =	sshll.u32 s4, $0x1;
	s5 =	sadd.s32 s21, s3  }
0x9d: {  	[timem:s22], [sflag:s6] =	dma.local [hbm:s5], s4  }
0x9e: {  	_ =	swait.ge [sflag:s6], s4  }
0x9f: {  	s4 =	ssub.s32 $0x0, s4;
	[sflag:s6] =	ssyncset.done $0x0  }
0xa0: {  	[sflag:s6] =	ssyncadd.s32 s4;
	_ =	sdelay $0x1  }
0xa1: {  	s23 =	simm.s32 $0x1B8B  }
0xa2: {  	_ =	swait.ge [sflag:s23], $0x1  }
0xa3: {  	[sflag:s23] =	ssyncset.done $0x0  }
0xa4: {  	[sflag:s23] =	ssyncadd.s32 $0xFFFFFFFF  }
0xa5: {  	s4 =	sld [smem:$0x0]  }
0xa6: {  	s5 =	sand.u32 $0xFFFFFFFE, s1  }
0xa7: {  	p0 =	sne.s32 s1, s5  }
0xa8: {  	s5 =	sshll.u32 @p0 s5, $0xE  }
0xa9: {  	s5 =	sadd.s32 @p0 $0x11B8D, s5;
	s6 =	sshll.u32 @p0 s4, $0x11  }
0xaa: {  	s5 =	sor.u32 @p0 s6, s5  }
0xab: {  	[sflag:s5] =	ssyncadd.remote.s32 @p0 $0x1;
	_ =	sdelay $0x1  }
0xac: {  	s5 =	simm.s32 @p0 $0x1B8D  }
0xad: {  	_ =	swait.eq @p0 [sflag:s5], $0x1  }
0xae: {  	[sflag:s5] =	ssyncadd.s32 @p0 $0xFFFFFFFF  }
0xaf: {  	s6 =	sshll.u32 @!p0 s1, $0xE  }
0xb0: {  	s6 =	sor.u32 @!p0 $0x4000, s6;
	s5 =	simm.s32 @!p0 $0x1B8D  }
0xb1: {  	s4 =	sshll.u32 @!p0 s4, $0x11;
	s6 =	sadd.s32 @!p0 $0x11B8D, s6;
	_ =	swait.eq @!p0 [sflag:s5], $0x1  }
0xb2: {  	s4 =	sor.u32 @!p0 s4, s6;
	[sflag:s5] =	ssyncadd.s32 @!p0 $0xFFFFFFFF  }
0xb3: {  	s25 =	simm.s32 $0x1B8E;
	s24 =	sld [smem:$0x3FFE];
	[sflag:s4] =	ssyncadd.remote.s32 @!p0 $0x1  }
0xb4: {  	s26 =	simm.s32 $execute0_lowered;
	[smem:$0x3FD2] =	sst s25  }
0xb5: {  	s5 =	sshll.u32 s26, $0x1;
	_ =	strace $0x8000004C;
	[dreg:$0x1] =	wrdreg $0xFFFFFFFF  }
0xb6: {  	s28 =	simm.s32 $_size_execute0_lowered;
	s3 =	sadd.s32 s3, s5;
	[dreg:$0x0] =	wrdreg $0x0  }
0xb7: {  	s5 =	sshll.u32 s28, $0x1;
	[dreg:$0x2] =	wrdreg s3  }
0xb8: {  	[dreg:$0x3] =	wrdreg s5  }
0xb9: {  	[dreg:$0x4] =	wrdreg $0xC0  }
0xba: {  	_ =	task [dreg:s22], $0x5FFFF  }
0xbb: {  	[dreg:$0x1] =	wrdreg $0xFFFFFFFF  }
0xbc: {  	[dreg:$0x0] =	wrdreg $0x60  }
0xbd: {  	[dreg:$0x2] =	wrdreg s24  }
0xbe: {  	[dreg:$0x3] =	wrdreg $0xA5000  }
0xbf: {  	[dreg:$0x4] =	wrdreg $0xA  }
0xc0: {  	_ =	task.clear_ibuf [dreg:s22], $0x5FFFF;
	_ =	strace $0x9000004C  }
0xc1: {  	s29 =	simm.s32 $0xA;
	_ =	strace $0x8000004E  }
0xc2: {  	_ =	swait.ge [sflag:s29], $0x1  }
0xc3: {  	[sflag:s29] =	ssyncadd.s32 $0xFFFFFFFF  }
0xc4: {  	_ =	strace $0x9000004E  }
0xc5: {  	_ =	sfence  }
0xc6: {  	s30 =	sld [smem:$0x0];
	_ =	sdelay $0x2  }
0xc7: {  	s31 =	sshll.u32 s1, $0xD;
	s1 =	sshrl.u32 s1, $0x2  }
0xc8: {  	s4 =	sand.u32 $0x4000, s31;
	s1 =	sadd.s32 s1, s30  }
0xc9: {  	s0 =	sor.u32 s4, s0;
	s1 =	sshll.u32 s1, $0x11  }
0xca: {  	s0 =	sor.u32 s1, s0  }
0xcb: {  	s0 =	sadd.s32 $0x8F2B, s0  }
0xcc: {  	[sflag:s0] =	ssyncadd.remote.s32 $0x1  }
0xcd: {  	_ =	sfence.sel $0xFFFF  }
0xce: {  	[dreg:$0x0] =	wrdreg $0xFFFFFFFF;
	(pc) =	sbr.abs _section_cstart, $3  }
0xcf: {  	[dreg:$0x1] =	wrdreg $0xFFFFFFFF  }
0xd0: {  	_ =	task.clear_ibuf [dreg:s22], $0x2FFFF;
	_ =	strace $0x9FFFFFFF  }
0xd1: {  	(tm) =	ssettm $0x7FFFFFFF  }
tec
execute0_lowered:
.L_overlay_start_1:
0x0: {  	(tag) =	ssettag $0x1  }
0x1: {  	s5 =	rddreg [dreg:$0x0]  }
0x2: {  	s2 =	rddreg [dreg:$0x1]  }
0x3: {  	s0 =	srdreg.scid;
	s1 =	rddreg [dreg:$0x2];
	s3 =	simm.s32 $0x0  }
0x4: {  	s15 =	simm.s32 $0x1400;
	s16 =	simm.s32 $0x7D;
	s17 =	simm.s32 $0x2800  }
0x5: {  	s18 =	simm.s32 $0x80;
	s19 =	simm.s32 $0x6680;
	s6 =	sand.u32 $0x1, s0  }
0x6: {  	s20 =	simm.s32 $0x1;
	s0 =	stileid.u32;
	s4 =	smul.u32 $0x500, s6  }
0x7: {  	s21 =	simm.s32 $0x2;
	s22 =	simm.s32 $0x2700;
	s7 =	smul.u32 $0x50, s0  }
0x8: {  	s23 =	simm.s32 $0x2780;
	s24 =	simm.s32 $0x0;
	s29 =	smul.u32 $0x14000, s0  }
0x9: {  	[smem:$0x7FF] =	sst s3;
	s9 =	smul.u32 $0x140000, s6;
	s6 =	ssub.s32 $0x2, s6  }
0xa: {  	_ =	strace $0x8000004D;
	s31 =	sshll.u32 s0, $0x6;
	s11 =	sshrl.u32 s6, $0x1  }
0xb: {  	s4 =	sadd.s32 s7, s4;
	s30 =	sshrl.u32 s29, $0x3;
	s9 =	sadd.s32 s29, s9  }
0xc: {  	s13 =	ssub.s32 s6, s11;
	s14 =	sadd.s32 s29, s2;
	s6 =	sor.u32 $0x1C03, s31  }
0xd: {  	s8 =	sshll.u32 s4, $0x4;
	s4 =	sadd.s32 $0x22000, s5;
	s9 =	sshrl.u32 s9, $0x3  }
0xe: {  	s10 =	sadd.s32 s8, s5;
	s8 =	sadd.s32 s30, s5;
	s12 =	sadd.s32 s9, s5  }
0xf: {  	s5 =	sadd.s32 $0x54000, s8;
	s7 =	sadd.s32 $0xE000, s10;
	s8 =	sadd.s32 $0x18000, s10  }
0x10: {  	s9 =	sadd.s32 $0xE280, s10;
	s10 =	sadd.s32 $0x18280, s10;
	s11 =	sadd.s32 $0x11C000, s12  }
0x11: {  	s12 =	smax.u32 s13, $0x1;
	s13 =	sshrl.u32 s14, $0x3;
	s14 =	simm.s32 $0x3  }
.LBB2_1:
0x12: {  	[spmem:s13], [sflag:s6] =	dma.local [hbm:s5], $0x2800  }
0x13: {  	_ =	swait.ge [sflag:s14], $0x2800  }
0x14: {  	[sflag:s14] =	ssyncset.done $0x0  }
0x15: {  	[sflag:s14] =	ssyncadd.s32 $0xFFFFD800  }
0x16: {  	[tilespmem:s3], [sflag:$0x3] =	stream.linear.gather [hbm4b:s7+s3], $0x1400, $0x38;
	[tilespmem:$0x1E500] =	vst v63  }
0x17: {  	_ =	swait.ge [sflag:s14], $0x1400  }
0x18: {  	[sflag:s14] =	ssyncset.done $0x0  }
0x19: {  	[sflag:s14] =	ssyncadd.s32 $0xFFFFEC00  }
0x1a: {  	[tilespmem:s15], [sflag:$0x3] =	stream.linear.gather [hbm4b:s8+s3], $0x1400, $0x38;
	[tilespmem:$0x1E500] =	vst v63  }
0x1b: {  	_ =	swait.ge [sflag:s14], $0x1400  }
0x1c: {  	[sflag:s14] =	ssyncset.done $0x0  }
0x1d: {  	[sflag:s14] =	ssyncadd.s32 $0xFFFFEC00  }
0x1e: {  	[tilespmem:s17], [sflag:$0x1] =	stream.indirect.gather [hbm4b:s4+s16], $0x80, s3, s16, $0xb8;
	[tilespmem:$0x1E500] =	vst v63  }
0x1f: {  	_ = 	snop  }
0x20: {  	[tilespmem:s19], [sflag:$0x2] =	stream.indirect.gather [hbm4b:s4+s16], $0x80, s18, s16, $0xb8;
	[tilespmem:$0x1E500] =	vst v63  }
0x21: {  	[bflag:$0x0] =	sbarrier.arrive $0xFFFF  }
0x22: {  	_ =	swait.ge [sflag:s20], $0x3E80  }
0x23: {  	[sflag:s20] =	ssyncset.done $0x0  }
0x24: {  	s25 =	simm.s32 $0x1400;
	[sflag:s20] =	ssyncadd.s32 $0xFFFFC180  }
0x25: {  	[spmem:s2] =	stream.indirect.scatter.add.f32 [tilespmem:s17], [sflag:$0x3], $0x80, s25, s16, $0xb8;
	[tilespmem:$0x1E500] =	vst v63  }
0x26: {  	_ =	swait.ge [sflag:s14], $0x3E80  }
0x27: {  	[sflag:s14] =	ssyncset.done $0x0  }
0x28: {  	s30 =	simm.s32 $0x100;
	[sflag:s14] =	ssyncadd.s32 $0xFFFFC180  }
0x29: {  	[tilespmem:s17], [sflag:$0x1] =	stream.indirect.gather [hbm4b:s4+s16], $0x80, s30, s16, $0xb8;
	[tilespmem:$0x1E500] =	vst v63  }
0x2a: {  	_ =	swait.ge [sflag:s21], $0x3E80  }
0x2b: {  	[sflag:s21] =	ssyncset.done $0x0  }
0x2c: {  	s31 =	simm.s32 $0x1480;
	[sflag:s21] =	ssyncadd.s32 $0xFFFFC180  }
0x2d: {  	[spmem:s2] =	stream.indirect.scatter.add.f32 [tilespmem:s19], [sflag:$0x3], $0x80, s31, s16, $0xb8;
	[tilespmem:$0x1E500] =	vst v63  }
0x2e: {  	_ =	swait.ge [sflag:s14], $0x3E80  }
0x2f: {  	[sflag:s14] =	ssyncset.done $0x0  }
0x30: {  	s26 =	simm.s32 $0x180;
	s25 =	simm.s32 $0x400;
	[sflag:s14] =	ssyncadd.s32 $0xFFFFC180  }
.LBB2_2:
0x31: {  	[tilespmem:s19], [sflag:$0x2] =	stream.indirect.gather [hbm4b:s4+s16], $0x80, s26, s16, $0xb8;
	[tilespmem:$0x1E500] =	vst v63  }
0x32: {  	s26 =	smov.u32 s25  }
0x33: {  	p0 =	sne.s32 s25, $0x4800;
	s25 =	sadd.s32 $0x400, s25;
	_ =	swait.ge [sflag:s20], $0x3E80  }
0x34: {  	s26 =	sshra.s32 s26, $0x2;
	[sflag:s20] =	ssyncset.done $0x0  }
0x35: {  	s28 =	sadd.s32 $0x1400, s26;
	[sflag:s20] =	ssyncadd.s32 $0xFFFFC180  }
0x36: {  	[spmem:s2] =	stream.indirect.scatter.add.f32 [tilespmem:s17], [sflag:$0x3], $0x80, s28, s16, $0xb8;
	[tilespmem:$0x1E500] =	vst v63  }
0x37: {  	_ =	swait.ge [sflag:s14], $0x3E80  }
0x38: {  	[sflag:s14] =	ssyncset.done $0x0  }
0x39: {  	s28 =	sadd.s32 $0x100, s26;
	[sflag:s14] =	ssyncadd.s32 $0xFFFFC180  }
0x3a: {  	[tilespmem:s17], [sflag:$0x1] =	stream.indirect.gather [hbm4b:s4+s16], $0x80, s28, s16, $0xb8;
	[tilespmem:$0x1E500] =	vst v63  }
0x3b: {  	_ =	swait.ge [sflag:s21], $0x3E80  }
0x3c: {  	[sflag:s21] =	ssyncset.done $0x0  }
.Ltmp0:
0x3d: {  	s28 =	sadd.s32 $0x1480, s26;
	[sflag:s21] =	ssyncadd.s32 $0xFFFFC180;
	(pc) =	sbr.rel @p0 .LBB2_2-.Ltmp0, $4  }
0x3e: {  	[spmem:s2] =	stream.indirect.scatter.add.f32 [tilespmem:s19], [sflag:$0x3], $0x80, s28, s16, $0xb8;
	[tilespmem:$0x1E500] =	vst v63  }
0x3f: {  	_ =	swait.ge [sflag:s14], $0x3E80  }
0x40: {  	[sflag:s14] =	ssyncset.done $0x0  }
0x41: {  	s26 =	sadd.s32 $0x180, s26;
	[sflag:s14] =	ssyncadd.s32 $0xFFFFC180  }
0x42: {  	[tilespmem:s19], [sflag:$0x2] =	stream.indirect.gather [hbm4b:s4+s16], $0x80, s26, s16, $0xb8;
	[tilespmem:$0x1E500] =	vst v63  }
0x43: {  	_ =	swait.ge [sflag:s20], $0x3E80  }
0x44: {  	[sflag:s20] =	ssyncset.done $0x0  }
0x45: {  	[sflag:s20] =	ssyncadd.s32 $0xFFFFC180  }
0x46: {  	[spmem:s2] =	stream.indirect.scatter.add.f32 [tilespmem:s17], [sflag:$0x3], $0x80, s22, s16, $0xb8;
	[tilespmem:$0x1E500] =	vst v63  }
0x47: {  	_ =	swait.ge [sflag:s14], $0x3E80  }
0x48: {  	[sflag:s14] =	ssyncset.done $0x0  }
0x49: {  	[sflag:s14] =	ssyncadd.s32 $0xFFFFC180  }
0x4a: {  	_ =	swait.ge [sflag:s21], $0x3E80  }
0x4b: {  	[sflag:s21] =	ssyncset.done $0x0  }
0x4c: {  	[sflag:s21] =	ssyncadd.s32 $0xFFFFC180  }
0x4d: {  	[spmem:s2] =	stream.indirect.scatter.add.f32 [tilespmem:s19], [sflag:$0x3], $0x80, s23, s16, $0xb8;
	[tilespmem:$0x1E500] =	vst v63  }
0x4e: {  	_ =	swait.ge [sflag:s14], $0x3E80  }
0x4f: {  	[sflag:s14] =	ssyncset.done $0x0  }
0x50: {  	s25 =	simm.s32 $0x0;
	[sflag:s14] =	ssyncadd.s32 $0xFFFFC180  }
0x51: {  	[tilespmem:s25], [sflag:$0x3] =	stream.linear.gather [hbm4b:s9+s25], $0x1400, $0x38;
	[tilespmem:$0x1E500] =	vst v63  }
0x52: {  	_ =	swait.ge [sflag:s14], $0x1400  }
0x53: {  	[sflag:s14] =	ssyncset.done $0x0  }
0x54: {  	[sflag:s14] =	ssyncadd.s32 $0xFFFFEC00  }
0x55: {  	[tilespmem:s15], [sflag:$0x3] =	stream.linear.gather [hbm4b:s10+s25], $0x1400, $0x38;
	[tilespmem:$0x1E500] =	vst v63  }
0x56: {  	_ =	swait.ge [sflag:s14], $0x1400  }
0x57: {  	[sflag:s14] =	ssyncset.done $0x0  }
0x58: {  	[sflag:s14] =	ssyncadd.s32 $0xFFFFEC00  }
0x59: {  	[tilespmem:s17], [sflag:$0x1] =	stream.indirect.gather [hbm4b:s4+s16], $0x80, s25, s16, $0xb8;
	[tilespmem:$0x1E500] =	vst v63  }
0x5a: {  	_ = 	snop  }
0x5b: {  	[tilespmem:s19], [sflag:$0x2] =	stream.indirect.gather [hbm4b:s4+s16], $0x80, s18, s16, $0xb8;
	[tilespmem:$0x1E500] =	vst v63  }
0x5c: {  	_ =	swait.ge [sflag:s20], $0x3E80  }
0x5d: {  	[sflag:s20] =	ssyncset.done $0x0  }
0x5e: {  	s29 =	simm.s32 $0x1400;
	[sflag:s20] =	ssyncadd.s32 $0xFFFFC180  }
0x5f: {  	[spmem:s2] =	stream.indirect.scatter.add.f32 [tilespmem:s17], [sflag:$0x3], $0x80, s29, s16, $0xb8;
	[tilespmem:$0x1E500] =	vst v63  }
0x60: {  	_ =	swait.ge [sflag:s14], $0x3E80  }
0x61: {  	[sflag:s14] =	ssyncset.done $0x0  }
0x62: {  	s30 =	simm.s32 $0x100;
	[sflag:s14] =	ssyncadd.s32 $0xFFFFC180  }
0x63: {  	[tilespmem:s17], [sflag:$0x1] =	stream.indirect.gather [hbm4b:s4+s16], $0x80, s30, s16, $0xb8;
	[tilespmem:$0x1E500] =	vst v63  }
0x64: {  	_ =	swait.ge [sflag:s21], $0x3E80  }
0x65: {  	[sflag:s21] =	ssyncset.done $0x0  }
0x66: {  	s31 =	simm.s32 $0x1480;
	[sflag:s21] =	ssyncadd.s32 $0xFFFFC180  }
0x67: {  	[spmem:s2] =	stream.indirect.scatter.add.f32 [tilespmem:s19], [sflag:$0x3], $0x80, s31, s16, $0xb8;
	[tilespmem:$0x1E500] =	vst v63  }
0x68: {  	_ =	swait.ge [sflag:s14], $0x3E80  }
0x69: {  	[sflag:s14] =	ssyncset.done $0x0  }
0x6a: {  	s26 =	simm.s32 $0x180;
	s25 =	simm.s32 $0x400;
	[sflag:s14] =	ssyncadd.s32 $0xFFFFC180  }
.LBB2_4:
0x6b: {  	[tilespmem:s19], [sflag:$0x2] =	stream.indirect.gather [hbm4b:s4+s16], $0x80, s26, s16, $0xb8;
	[tilespmem:$0x1E500] =	vst v63  }
0x6c: {  	s26 =	smov.u32 s25  }
0x6d: {  	p0 =	sne.s32 s25, $0x4800;
	s25 =	sadd.s32 $0x400, s25;
	_ =	swait.ge [sflag:s20], $0x3E80  }
0x6e: {  	s26 =	sshra.s32 s26, $0x2;
	[sflag:s20] =	ssyncset.done $0x0  }
0x6f: {  	s28 =	sadd.s32 $0x1400, s26;
	[sflag:s20] =	ssyncadd.s32 $0xFFFFC180  }
0x70: {  	[spmem:s2] =	stream.indirect.scatter.add.f32 [tilespmem:s17], [sflag:$0x3], $0x80, s28, s16, $0xb8;
	[tilespmem:$0x1E500] =	vst v63  }
0x71: {  	_ =	swait.ge [sflag:s14], $0x3E80  }
0x72: {  	[sflag:s14] =	ssyncset.done $0x0  }
0x73: {  	s28 =	sadd.s32 $0x100, s26;
	[sflag:s14] =	ssyncadd.s32 $0xFFFFC180  }
0x74: {  	[tilespmem:s17], [sflag:$0x1] =	stream.indirect.gather [hbm4b:s4+s16], $0x80, s28, s16, $0xb8;
	[tilespmem:$0x1E500] =	vst v63  }
0x75: {  	_ =	swait.ge [sflag:s21], $0x3E80  }
0x76: {  	[sflag:s21] =	ssyncset.done $0x0  }
.Ltmp1:
0x77: {  	s28 =	sadd.s32 $0x1480, s26;
	[sflag:s21] =	ssyncadd.s32 $0xFFFFC180;
	(pc) =	sbr.rel @p0 .LBB2_4-.Ltmp1, $4  }
0x78: {  	[spmem:s2] =	stream.indirect.scatter.add.f32 [tilespmem:s19], [sflag:$0x3], $0x80, s28, s16, $0xb8;
	[tilespmem:$0x1E500] =	vst v63  }
0x79: {  	_ =	swait.ge [sflag:s14], $0x3E80  }
0x7a: {  	[sflag:s14] =	ssyncset.done $0x0  }
0x7b: {  	s26 =	sadd.s32 $0x180, s26;
	[sflag:s14] =	ssyncadd.s32 $0xFFFFC180  }
0x7c: {  	[tilespmem:s19], [sflag:$0x2] =	stream.indirect.gather [hbm4b:s4+s16], $0x80, s26, s16, $0xb8;
	[tilespmem:$0x1E500] =	vst v63  }
0x7d: {  	_ =	swait.ge [sflag:s20], $0x3E80  }
0x7e: {  	[sflag:s20] =	ssyncset.done $0x0  }
0x7f: {  	[sflag:s20] =	ssyncadd.s32 $0xFFFFC180  }
0x80: {  	[spmem:s2] =	stream.indirect.scatter.add.f32 [tilespmem:s17], [sflag:$0x3], $0x80, s22, s16, $0xb8;
	[tilespmem:$0x1E500] =	vst v63  }
0x81: {  	_ =	swait.ge [sflag:s14], $0x3E80  }
0x82: {  	[sflag:s14] =	ssyncset.done $0x0  }
0x83: {  	[sflag:s14] =	ssyncadd.s32 $0xFFFFC180  }
0x84: {  	_ =	swait.ge [sflag:s21], $0x3E80  }
0x85: {  	[sflag:s21] =	ssyncset.done $0x0  }
0x86: {  	[sflag:s21] =	ssyncadd.s32 $0xFFFFC180  }
0x87: {  	[spmem:s2] =	stream.indirect.scatter.add.f32 [tilespmem:s19], [sflag:$0x3], $0x80, s23, s16, $0xb8;
	[tilespmem:$0x1E500] =	vst v63  }
0x88: {  	_ =	swait.ge [sflag:s14], $0x3E80  }
0x89: {  	s24 =	sadd.s32 $0x1, s24;
	[sflag:s14] =	ssyncset.done $0x0  }
0x8a: {  	p0 =	sne.s32 s24, s12;
	[sflag:s14] =	ssyncadd.s32 $0xFFFFC180  }
.Ltmp2:
0x8b: {  	[bflag:$0x0] =	sbarrier.arrive $0xFFFF;
	(pc) =	sbr.rel @p0 .LBB2_1-.Ltmp2, $4  }
0x8c: {  	[hbm:s11], [sflag:s6] =	dma.local [spmem:s13], $0x2800  }
0x8d: {  	_ =	swait.ge [sflag:s14], $0x2800  }
0x8e: {  	[sflag:s14] =	ssyncset.done $0x0  }
0x8f: {  	[sflag:s14] =	ssyncadd.s32 $0xFFFFD800  }
0x90: {  	_ =	sfence.sel $0x180000  }
0x91: {  	[bflag:$0x0] =	sbarrier.arrive $0xFFFF  }
0x92: {  	p0 =	sne.s32 s0, $0x0;
	_ =	strace $0x9000004D  }
0x93: {  	s0 =	sadd.s32 @!p0 $0x100000, s1;
	[bflag:$0x2] =	sbarrier.arrive $0xFFFF  }
0x94: {  	[sflag:s0] =	ssyncadd.tile.s32 @!p0 $0x1;
	_ =	shalt  }
.Lfunc_end2:
_tile_overlayer_lowered:
.L_overlay_start_2:
0x95: {  	(tag) =	ssettag $0x2  }
0x96: {  	s0 =	rddreg [dreg:$0x0];
	s2 =	stileid.u32  }
0x97: {  	s1 =	rddreg [dreg:$0x1];
	p0 =	sne.s32 s2, $0x0  }
0x98: {  	s3 =	rddreg [dreg:$0x2];
	[bflag:$0x3] =	sbarrier.arrive $0xFFFF;
	s2 =	simm.s32 @!p0 $0x1C03  }
0x99: {  	[timem:s3], [sflag:s2] =	dma.local @!p0 [hbm:s0], s1  }
0x9a: {  	s0 =	simm.s32 @!p0 $0x3  }
0x9b: {  	_ =	swait.ge @!p0 [sflag:s0], s1  }
0x9c: {  	s1 =	ssub.s32 @!p0 $0x0, s1;
	[sflag:s0] =	ssyncset.done @!p0 $0x0  }
0x9d: {  	[sflag:s0] =	ssyncadd.s32 @!p0 s1  }
0x9e: {  	[bflag:$0x3] =	sbarrier.arrive $0xFFFF  }
0x9f: {  	_ =	shalt  }

// kernel: kernel.9.cloned.1.call-start
scs
__scs_entry_jumppad:
0x0: {  	(pc) =	sbr.rel $0x88, $3  }
0x1: {  	(tag) =	ssettag $0x0;
	lr =	simm.s32 $0x1  }
0x2: {  	[smem:$0x3F8C] =	sst lr;
	_ =	strace $0xD0000000  }
0x3: {  	_ = 	snop  }
0x4: {  	_ = 	snop  }
0x5: {  	_ = 	snop  }
0x6: {  	_ = 	snop  }
0x7: {  	_ = 	snop  }
__scs_overlays_trampoline_lowered:
0x8: {  	[smem:$0x3F9B] =	sst s0  }
0x9: {  	[smem:$0x3F9C] =	sst s1  }
0xa: {  	[smem:$0x3F9D] =	sst s2  }
0xb: {  	[smem:$0x3F9E] =	sst s3  }
0xc: {  	[smem:$0x3F9F] =	sst s4  }
0xd: {  	[smem:$0x3FA0] =	sst s5  }
0xe: {  	[smem:$0x3FA1] =	sst s6  }
0xf: {  	[smem:$0x3FA2] =	sst s7  }
0x10: {  	[smem:$0x3FA3] =	sst s8  }
0x11: {  	[smem:$0x3FA4] =	sst s9;
	s0 =	simm.s32 @!p0 $0x0  }
0x12: {  	s1 =	sld [smem:$0x3F8A];
	s0 =	simm.s32 @p0 $0x1  }
0x13: {  	[smem:$0x3FA5] =	sst s0;
	s0 =	simm.s32 @!p1 $0x0  }
0x14: {  	s2 =	sld [smem:$0x3F89];
	s0 =	simm.s32 @p1 $0x1  }
0x15: {  	[smem:$0x3FA6] =	sst s0;
	s0 =	simm.s32 @!p2 $0x0  }
0x16: {  	s3 =	sld [smem:$0x3FDB];
	s0 =	simm.s32 @p2 $0x1  }
0x17: {  	s4 =	simm.s32 $0x1BF5;
	[smem:$0x3FA8] =	sst s0  }
0x18: {  	s0 =	sld [smem:$0x3F8B];
	_ =	swait.ge [sflag:s4], $0x0  }
0x19: {  	s7 =	sld [smem:$0x3F8C]  }
0x1a: {  	s8 =	sadd.s32 $0xFFFFE003, lr  }
0x1b: {  	s9 =	sadd.s32 $0xFFFFFEF7, lr;
	s5 =	simm.s32 $0xFFFFFFFF;
	p2 =	slt.u32 s8, $0xFFFFF086  }
0x1c: {  	p1 =	slt.u32 s9, $0xF7A;
	s5 =	simm.s32 @!p2 $0x0  }
0x1d: {  	s5 =	simm.s32 @p1 $0x1;
	p0 =	seq.s32 s7, s2  }
0x1e: {  	s7 =	smul.u32 @!p0 $0xF7A, s2;
	p2 =	seq.s32 @!p0 s5, $0x0  }
0x1f: {  	s9 =	smul.u32 $0xF7A, s1;
	s8 =	simm.s32 @!p0 $0x1BF5;
	p2 =	por !p2, p0  }
0x20: {  	[sflag:s8] =	ssyncset.s32 @!p0 $0xFFFFF086;
	s6 =	sadd.s32 @!p0 s3, s7;
	s7 =	simm.s32 @!p0 $0x108  }
0x21: {  	s3 =	sadd.s32 s3, s9;
	s6 =	sadd.s32 @!p0 $0x88, s6;
	s7 =	simm.s32 @p2 $0x1082  }
0x22: {  	[simem:s7], [sflag:s8] =	dma.local @!p0 [hbm:s6], $0xF7A  }
0x23: {  	s9 =	sor.u32 $0xD0000000, s2;
	s6 =	simm.s32 $0x108;
	_ =	swait.ge @!p0 [sflag:s8], $0x0  }
0x24: {  	s3 =	sadd.s32 $0x88, s3;
	s6 =	simm.s32 @!p1 $0x1082;
	[sflag:s4] =	ssyncset.s32 $0xFFFFF086  }
0x25: {  	[simem:s6], [sflag:s4] =	dma.local [hbm:s3], $0xF7A  }
0x26: {  	[smem:$0x3F8C] =	sst s1;
	(tag) =	ssettag s2;
	_ =	strace s9  }
0x27: {  	s1 =	sld [smem:$0x3F9C]  }
0x28: {  	s2 =	sld [smem:$0x3F9D]  }
0x29: {  	s4 =	sld [smem:$0x3F9F]  }
0x2a: {  	p0 =	seq.s32 s5, $0x0;
	s5 =	sld [smem:$0x3FA0]  }
0x2b: {  	s6 =	sld [smem:$0x3FA1]  }
0x2c: {  	s7 =	sld [smem:$0x3FA2]  }
0x2d: {  	s3 =	simm.s32 $0x108;
	s8 =	sld [smem:$0x3FA3]  }
0x2e: {  	s3 =	simm.s32 @!p0 $0x1082;
	s9 =	sld [smem:$0x3FA4]  }
0x2f: {  	lr =	sadd.s32 s0, s3;
	s0 =	sld [smem:$0x3F9B]  }
0x30: {  	s3 =	sld [smem:$0x3F9E]  }
0x31: {  	[smem:$0x3FA7] =	sst s10  }
0x32: {  	s10 =	sld [smem:$0x3FA5];
	_ =	sdelay $0x3  }
0x33: {  	p0 =	seq.s32 s10, $0x1;
	s10 =	sld [smem:$0x3FA7];
	_ =	sdelay $0x3  }
0x34: {  	[smem:$0x3FA7] =	sst s10  }
0x35: {  	s10 =	sld [smem:$0x3FA6];
	_ =	sdelay $0x3  }
0x36: {  	p1 =	seq.s32 s10, $0x1;
	s10 =	sld [smem:$0x3FA7];
	_ =	sdelay $0x3  }
0x37: {  	[smem:$0x3FA7] =	sst s10  }
0x38: {  	s10 =	sld [smem:$0x3FA8]  }
0x39: {  	_ = 	snop;
	(pc) =	sbr.ind lr, $3  }
0x3a: {  	_ = 	snop  }
0x3b: {  	_ = 	snop  }
0x3c: {  	p2 =	seq.s32 s10, $0x1;
	s10 =	sld [smem:$0x3FA7]  }
0x3d: {  	_ =	shalt  }
0x3e: {  	_ =	shalt  }
0x3f: {  	_ =	shalt  }
0x40: {  	_ =	shalt  }
0x41: {  	_ =	shalt  }
0x42: {  	_ =	shalt  }
0x43: {  	_ =	shalt  }
0x44: {  	_ =	shalt  }
0x45: {  	_ =	shalt  }
0x46: {  	_ =	shalt  }
0x47: {  	_ =	shalt  }
0x48: {  	_ =	shalt  }
0x49: {  	_ =	shalt  }
0x4a: {  	_ =	shalt  }
0x4b: {  	_ =	shalt  }
0x4c: {  	_ =	shalt  }
0x4d: {  	_ =	shalt  }
0x4e: {  	_ =	shalt  }
0x4f: {  	_ =	shalt  }
0x50: {  	_ =	shalt  }
0x51: {  	_ =	shalt  }
0x52: {  	_ =	shalt  }
0x53: {  	_ =	shalt  }
0x54: {  	_ =	shalt  }
0x55: {  	_ =	shalt  }
0x56: {  	_ =	shalt  }
0x57: {  	_ =	shalt  }
0x58: {  	_ =	shalt  }
0x59: {  	_ =	shalt  }
0x5a: {  	_ =	shalt  }
0x5b: {  	_ =	shalt  }
0x5c: {  	_ =	shalt  }
0x5d: {  	_ =	shalt  }
0x5e: {  	_ =	shalt  }
0x5f: {  	_ =	shalt  }
0x60: {  	_ =	shalt  }
0x61: {  	_ =	shalt  }
0x62: {  	_ =	shalt  }
0x63: {  	_ =	shalt  }
0x64: {  	_ =	shalt  }
0x65: {  	_ =	shalt  }
0x66: {  	_ =	shalt  }
0x67: {  	_ =	shalt  }
0x68: {  	_ =	shalt  }
0x69: {  	_ =	shalt  }
0x6a: {  	_ =	shalt  }
0x6b: {  	_ =	shalt  }
0x6c: {  	_ =	shalt  }
0x6d: {  	_ =	shalt  }
0x6e: {  	_ =	shalt  }
0x6f: {  	_ =	shalt  }
0x70: {  	_ =	shalt  }
0x71: {  	_ =	shalt  }
0x72: {  	_ =	shalt  }
0x73: {  	_ =	shalt  }
0x74: {  	_ =	shalt  }
0x75: {  	_ =	shalt  }
0x76: {  	_ =	shalt  }
0x77: {  	_ =	shalt  }
0x78: {  	_ =	shalt  }
0x79: {  	_ =	shalt  }
0x7a: {  	_ =	shalt  }
0x7b: {  	_ =	shalt  }
0x7c: {  	_ =	shalt  }
0x7d: {  	_ =	shalt  }
0x7e: {  	_ =	shalt  }
0x7f: {  	_ =	shalt  }
0x80: {  	_ =	shalt  }
0x81: {  	_ =	shalt  }
0x82: {  	_ =	shalt  }
0x83: {  	_ =	shalt  }
0x84: {  	_ =	shalt  }
0x85: {  	_ =	shalt  }
0x86: {  	_ =	shalt  }
0x87: {  	_ =	shalt  }
.Lfunc_end0:
.L_simem_size_0:
called_computation_lowered:
.L_overlay_start_0:
0x88: {  	s2 =	sld [smem:$0x3FD9]  }
0x89: {  	s3 =	sld [smem:$0x3FFE];
	_ =	sdelay $0x1  }
0x8a: {  	s1 =	srdreg.scid  }
0x8b: {  	s0 =	sand.u32 $0x1, s1  }
0x8c: {  	s17 =	sshll.u32 s0, $0xA;
	s2 =	sadd.s32 s3, s2  }
0x8d: {  	s2 =	sadd.s32 s2, s17  }
0x8e: {  	[smem:$0x3FB3] =	sst s2  }
0x8f: {  	_ = 	snop  }
0x90: {  	s2 =	sld [smem:$0x3FD0];
	(tm) =	ssettm $0x1  }
0x91: {  	s18 =	sld [smem:$0x3FFB];
	_ =	sdelay $0x3  }
0x92: {  	_ =	strace s18  }
0x93: {  	s3 =	sld [smem:$0x3FFC];
	_ =	sdelay $0x3  }
0x94: {  	_ =	strace s3  }
0x95: {  	s3 =	sld [smem:$0x3FFD];
	_ =	sdelay $0x3  }
0x96: {  	_ =	strace s3  }
0x97: {  	_ =	strace $0x8FFFFFFF  }
0x98: {  	s19 =	sld [smem:$0x3FDB];
	_ =	sdelay $0x1  }
0x99: {  	s4 =	simm.s32 $_scs_section_size  }
0x9a: {  	s5 =	simm.s32 $_size__tile_overlayer_lowered;
	s6 =	simm.s32 $_tile_overlayer_lowered  }
0x9b: {  	s22 =	simm.s32 $0x1BFF;
	s21 =	sshll.u32 s6, $0x1;
	s3 =	sadd.s32 s4, s19  }
0x9c: {  	s7 =	simm.s32 $0x0;
	s20 =	sshll.u32 s5, $0x1;
	s5 =	sadd.s32 s21, s3  }
0x9d: {  	[timem:s7], [sflag:s22] =	dma.local [hbm:s5], s20  }
0x9e: {  	_ =	swait.ge [sflag:s22], s20  }
0x9f: {  	s4 =	ssub.s32 $0x0, s20;
	[sflag:s22] =	ssyncset.done $0x0  }
0xa0: {  	[sflag:s22] =	ssyncadd.s32 s4;
	_ =	sdelay $0x1  }
0xa1: {  	s23 =	simm.s32 $0x1B8B  }
0xa2: {  	_ =	swait.ge [sflag:s23], $0x1  }
0xa3: {  	[sflag:s23] =	ssyncset.done $0x0  }
0xa4: {  	s25 =	simm.s32 $0x1B8E;
	s24 =	sld [smem:$0x3FFE];
	[sflag:s23] =	ssyncadd.s32 $0xFFFFFFFF  }
0xa5: {  	s26 =	simm.s32 $execute0_lowered;
	[smem:$0x3FD2] =	sst s25  }
0xa6: {  	s5 =	sshll.u32 s26, $0x1;
	_ =	strace $0x80000046;
	[dreg:$0x1] =	wrdreg $0xFFFFFFFF  }
0xa7: {  	s28 =	simm.s32 $_size_execute0_lowered;
	s3 =	sadd.s32 s3, s5;
	[dreg:$0x0] =	wrdreg $0x0  }
0xa8: {  	s5 =	sshll.u32 s28, $0x1;
	[dreg:$0x2] =	wrdreg s3  }
0xa9: {  	[dreg:$0x3] =	wrdreg s5  }
0xaa: {  	[dreg:$0x4] =	wrdreg $0xC0  }
0xab: {  	_ =	task [dreg:s7], $0x5FFFF  }
0xac: {  	[dreg:$0x1] =	wrdreg $0xFFFFFFFF  }
0xad: {  	[dreg:$0x0] =	wrdreg $0x60  }
0xae: {  	[dreg:$0x2] =	wrdreg s24  }
0xaf: {  	[dreg:$0x3] =	wrdreg s2  }
0xb0: {  	[dreg:$0x4] =	wrdreg $0x104A00  }
0xb1: {  	[dreg:$0x5] =	wrdreg $0xA  }
0xb2: {  	_ =	task.clear_ibuf [dreg:s7], $0x6FFFF;
	_ =	strace $0x90000046  }
0xb3: {  	s29 =	simm.s32 $0xA;
	_ =	strace $0x80000048  }
0xb4: {  	_ =	swait.ge [sflag:s29], $0x1  }
0xb5: {  	[sflag:s29] =	ssyncadd.s32 $0xFFFFFFFF  }
0xb6: {  	_ =	strace $0x90000048  }
0xb7: {  	_ =	sfence  }
0xb8: {  	s30 =	sld [smem:$0x0];
	_ =	sdelay $0x2  }
0xb9: {  	s31 =	sshll.u32 s1, $0xD;
	s1 =	sshrl.u32 s1, $0x2  }
0xba: {  	s3 =	sand.u32 $0x4000, s31;
	s1 =	sadd.s32 s1, s30  }
0xbb: {  	s0 =	sor.u32 s3, s0;
	s1 =	sshll.u32 s1, $0x11  }
0xbc: {  	s0 =	sor.u32 s1, s0  }
0xbd: {  	s0 =	sadd.s32 $0x8F2B, s0  }
0xbe: {  	[sflag:s0] =	ssyncadd.remote.s32 $0x1  }
0xbf: {  	_ =	sfence.sel $0xFFFF  }
0xc0: {  	[dreg:$0x0] =	wrdreg $0xFFFFFFFF;
	(pc) =	sbr.abs _section_cstart, $3  }
0xc1: {  	[dreg:$0x1] =	wrdreg $0xFFFFFFFF  }
0xc2: {  	_ =	task.clear_ibuf [dreg:s7], $0x2FFFF;
	_ =	strace $0x9FFFFFFF  }
0xc3: {  	(tm) =	ssettm $0x7FFFFFFF  }
tec
execute0_lowered:
.L_overlay_start_1:
0x0: {  	(tag) =	ssettag $0x1  }
0x1: {  	s0 =	srdreg.scid;
	s1 =	rddreg [dreg:$0x0]  }
0x2: {  	s12 =	stileid.u32;
	s3 =	rddreg [dreg:$0x2]  }
0x3: {  	s5 =	simm.s32 $0x0;
	s14 =	simm.s32 $0x11;
	s15 =	simm.s32 $0xF500  }
0x4: {  	s18 =	simm.s32 $0x7D;
	s28 =	simm.s32 $0xB680;
	s30 =	simm.s32 $0xC620  }
0x5: {  	s16 =	simm.s32 $0x2;
	s17 =	simm.s32 $0x9;
	s20 =	simm.s32 $0x3  }
0x6: {  	s22 =	simm.s32 $0xA;
	s29 =	simm.s32 $0x5;
	s31 =	simm.s32 $0xC  }
0x7: {  	s19 =	simm.s32 $0x0;
	s0 =	sand.u32 $0x1, s0;
	s4 =	smul.u32 $0x50, s12  }
0x8: {  	[smem:$0x7FF] =	sst s5;
	s23 =	smul.u32 $0x5000, s12;
	s5 =	sadd.s32 $0x4200, s1  }
0x9: {  	s8 =	sadd.s32 $0x22000, s1;
	s24 =	sshll.u32 s12, $0x6;
	s2 =	smul.u32 $0x500, s0  }
0xa: {  	s12 =	simm.s32 $0xF;
	s7 =	smul.u32 $0x50000, s0;
	s0 =	ssub.s32 $0x2, s0  }
0xb: {  	_ =	strace $0x80000047;
	s10 =	sshrl.u32 s23, $0x3;
	s11 =	sshrl.u32 s0, $0x1  }
0xc: {  	s2 =	sadd.s32 s4, s2;
	s7 =	sadd.s32 s23, s7;
	s10 =	sadd.s32 s10, s1  }
0xd: {  	s0 =	ssub.s32 s0, s11;
	s4 =	sadd.s32 s23, s3;
	s23 =	simm.s32 $0x9740  }
0xe: {  	s11 =	simm.s32 $0x8;
	s2 =	sshll.u32 s2, $0x4;
	s7 =	sshrl.u32 s7, $0x3  }
0xf: {  	s10 =	sadd.s32 $0x36000, s10;
	s0 =	smax.u32 s0, $0x1;
	s13 =	sshrl.u32 s4, $0x3  }
0x10: {  	s6 =	sadd.s32 $0xA000, s2;
	[dreg:$0x4] =	wrdreg s10;
	s2 =	sadd.s32 s8, s2  }
0x11: {  	[dreg:$0xa] =	wrdreg s0;
	s0 =	simm.s32 $0x1;
	s10 =	simm.s32 $0xE  }
0x12: {  	[dreg:$0xb] =	wrdreg s13;
	s9 =	sadd.s32 s6, s1;
	s1 =	sadd.s32 s7, s1  }
0x13: {  	s7 =	sor.u32 $0x1C11, s24;
	[dreg:$0x6] =	wrdreg s2;
	s25 =	sadd.s32 s8, s6  }
.Ltmp0:
0x14: {  	s2 =	simm.s32 $0xE560;
	s24 =	simm.s32 $0x4;
	(pc) =	sbr.rel .LBB2_1-.Ltmp0, $4  }
0x15: {  	s6 =	simm.s32 $0x6;
	s8 =	simm.s32 $0xD;
	[dreg:$0x7] =	wrdreg s25  }
0x16: {  	s26 =	sadd.s32 $0xE000, s9;
	s1 =	sadd.s32 $0x40000, s1;
	[dreg:$0x5] =	wrdreg s7  }
0x17: {  	s25 =	simm.s32 $0xA6E0;
	s9 =	simm.s32 $0x7;
	[dreg:$0x8] =	wrdreg s26  }
0x18: {  	[dreg:$0x9] =	wrdreg s1;
	s1 =	simm.s32 $0xD5C0;
	s26 =	simm.s32 $0xB  }
.LBB2_4:
0x19: {  	s4 =	simm.s32 $0x10  }
0x1a: {  	_ =	swait.ge [sflag:s4], $0xFA0  }
0x1b: {  	[sflag:s4] =	ssyncset.done $0x0  }
0x1c: {  	[sflag:s4] =	ssyncadd.s32 $0xFFFFF060  }
0x1d: {  	_ =	swait.ge [sflag:s4], $0xFA0  }
0x1e: {  	[sflag:s4] =	ssyncset.done $0x0  }
0x1f: {  	[sflag:s4] =	ssyncadd.s32 $0xFFFFF060  }
0x20: {  	[bflag:$0x0] =	sbarrier.arrive $0xFFFF  }
0x21: {  	s7 =	rddreg [dreg:$0x5]  }
0x22: {  	s19 =	rddreg [dreg:$0x9]  }
0x23: {  	s14 =	simm.s32 $0x11;
	s13 =	rddreg [dreg:$0xb]  }
0x24: {  	[hbm:s19], [sflag:s7] =	dma.local [spmem:s13], $0xA00  }
0x25: {  	_ =	swait.ge [sflag:s14], $0xA00  }
0x26: {  	s19 =	rddreg [dreg:$0xc]  }
0x27: {  	s21 =	rddreg [dreg:$0xa];
	s19 =	sadd.s32 $0x1, s19  }
0x28: {  	p0 =	sne.s32 s19, s21  }
.Ltmp1:
0x29: {  	_ = 	snop;
	(pc) =	sbr.rel @!p0 .LBB2_5-.Ltmp1, $3  }
0x2a: {  	_ =	sdelay $0x1  }
0x2b: {  	[sflag:s14] =	ssyncset.done $0x0  }
0x2c: {  	[sflag:s14] =	ssyncadd.s32 $0xFFFFF600  }
.LBB2_1:
0x2d: {  	[dreg:$0xc] =	wrdreg s19  }
0x2e: {  	s4 =	rddreg [dreg:$0x4]  }
0x2f: {  	[spmem:s13], [sflag:s7] =	dma.local [hbm:s4], $0xA00  }
0x30: {  	_ =	swait.ge [sflag:s14], $0xA00  }
0x31: {  	[sflag:s14] =	ssyncset.done $0x0  }
0x32: {  	[sflag:s14] =	ssyncadd.s32 $0xFFFFF600  }
0x33: {  	s7 =	simm.s32 $0x0;
	s21 =	rddreg [dreg:$0x1]  }
0x34: {  	[tilespmem:s15], [sflag:$0x11] =	stream.linear.gather [hbm4b:s21+s7], $0xFA0, $0x38;
	[tilespmem:$0x154A0] =	vst v63  }
0x35: {  	_ =	swait.ge [sflag:s14], $0xFA0  }
0x36: {  	[sflag:s14] =	ssyncset.done $0x0  }
0x37: {  	s13 =	rddreg [dreg:$0x6];
	[sflag:s14] =	ssyncadd.s32 $0xFFFFF060  }
0x38: {  	[tilespmem:s7], [sflag:$0x11] =	stream.linear.gather [hbm4b:s13+s7], $0x2800, $0x38;
	[tilespmem:$0x154A0] =	vst v63  }
0x39: {  	_ =	swait.ge [sflag:s14], $0x2800  }
0x3a: {  	[sflag:s14] =	ssyncset.done $0x0  }
0x3b: {  	s21 =	simm.s32 $0x2800;
	s19 =	rddreg [dreg:$0x7];
	[sflag:s14] =	ssyncadd.s32 $0xFFFFD800  }
0x3c: {  	[tilespmem:s21], [sflag:$0x11] =	stream.linear.gather [hbm4b:s19+s7], $0x2800, $0x38;
	[tilespmem:$0x154A0] =	vst v63  }
0x3d: {  	_ =	swait.ge [sflag:s14], $0x2800  }
0x3e: {  	[sflag:s14] =	ssyncset.done $0x0  }
0x3f: {  	s21 =	simm.s32 $0x5000;
	s19 =	rddreg [dreg:$0x8];
	[sflag:s14] =	ssyncadd.s32 $0xFFFFD800  }
0x40: {  	[tilespmem:s21], [sflag:$0x11] =	stream.linear.gather [hbm4b:s19+s7], $0x2800, $0x38;
	[tilespmem:$0x154A0] =	vst v63  }
0x41: {  	_ =	swait.ge [sflag:s14], $0x2800  }
0x42: {  	[sflag:s14] =	ssyncset.done $0x0  }
0x43: {  	[sflag:s14] =	ssyncadd.s32 $0xFFFFD800;
	s14 =	simm.s32 $0x7800  }
0x44: {  	[tilespmem:s14], [sflag:$0x1] =	stream.indirect.gather [hbm4b:s5+s18], $0x20, s7, s18, $0xb8;
	[tilespmem:$0x154A0] =	vst v63  }
0x45: {  	s19 =	simm.s32 $0x80;
	s21 =	simm.s32 $0x87A0  }
0x46: {  	[tilespmem:s21], [sflag:$0x2] =	stream.indirect.gather [hbm4b:s5+s18], $0x20, s19, s18, $0xb8;
	[tilespmem:$0x154A0] =	vst v63  }
0x47: {  	s7 =	simm.s32 $0x100  }
0x48: {  	[tilespmem:s23], [sflag:$0x3] =	stream.indirect.gather [hbm4b:s5+s18], $0x20, s7, s18, $0xb8;
	[tilespmem:$0x154A0] =	vst v63  }
0x49: {  	s13 =	simm.s32 $0x180  }
0x4a: {  	[tilespmem:s25], [sflag:$0x4] =	stream.indirect.gather [hbm4b:s5+s18], $0x20, s13, s18, $0xb8;
	[tilespmem:$0x154A0] =	vst v63  }
0x4b: {  	s14 =	simm.s32 $0x200  }
0x4c: {  	[tilespmem:s28], [sflag:$0x5] =	stream.indirect.gather [hbm4b:s5+s18], $0x20, s14, s18, $0xb8;
	[tilespmem:$0x154A0] =	vst v63  }
0x4d: {  	s19 =	simm.s32 $0x280  }
0x4e: {  	[tilespmem:s30], [sflag:$0x6] =	stream.indirect.gather [hbm4b:s5+s18], $0x20, s19, s18, $0xb8;
	[tilespmem:$0x154A0] =	vst v63  }
0x4f: {  	s21 =	simm.s32 $0x300  }
0x50: {  	[tilespmem:s1], [sflag:$0x7] =	stream.indirect.gather [hbm4b:s5+s18], $0x20, s21, s18, $0xb8;
	[tilespmem:$0x154A0] =	vst v63  }
0x51: {  	s4 =	simm.s32 $0x0;
	[bflag:$0x0] =	sbarrier.arrive $0xFFFF  }
.LBB2_2:
0x52: {  	_ =	swait.ge [sflag:s0], $0xFA0  }
0x53: {  	s7 =	sshra.s32 s4, $0x2;
	s14 =	simm.s32 $0x7800;
	[sflag:s0] =	ssyncset.done $0x0  }
0x54: {  	p0 =	seq.s32 s4, $0x0;
	s13 =	sadd.s32 $0x2800, s7;
	[sflag:s0] =	ssyncadd.s32 $0xFFFFF060  }
0x55: {  	[spmem:s3] =	stream.indirect.scatter.add.f32 [tilespmem:s14], [sflag:$0x9], $0x20, s13, s18, $0xb8;
	[tilespmem:$0x154A0] =	vst v63  }
0x56: {  	s21 =	sadd.s32 $0x5000, s7;
	s13 =	simm.s32 @!p0 $0x10  }
0x57: {  	[spmem:s3] =	stream.indirect.scatter.add.f32 [tilespmem:s15], [sflag:$0x9], $0x20, s21, s18, $0xb8;
	[tilespmem:$0x154A0] =	vst v63  }
0x58: {  	_ =	swait.ge @!p0 [sflag:s13], $0xFA0  }
0x59: {  	[sflag:s13] =	ssyncset.done @!p0 $0x0  }
0x5a: {  	[sflag:s13] =	ssyncadd.s32 @!p0 $0xFFFFF060  }
0x5b: {  	_ =	swait.ge @!p0 [sflag:s13], $0xFA0  }
0x5c: {  	[sflag:s13] =	ssyncset.done @!p0 $0x0  }
0x5d: {  	s14 =	sadd.s32 $0x380, s7;
	[sflag:s13] =	ssyncadd.s32 @!p0 $0xFFFFF060  }
0x5e: {  	[tilespmem:s2], [sflag:$0x8] =	stream.indirect.gather [hbm4b:s5+s18], $0x20, s14, s18, $0xb8;
	[tilespmem:$0x154A0] =	vst v63  }
0x5f: {  	_ =	swait.ge [sflag:s16], $0xFA0  }
0x60: {  	[sflag:s16] =	ssyncset.done $0x0  }
0x61: {  	s19 =	sadd.s32 $0x2880, s7;
	s21 =	simm.s32 $0x87A0;
	[sflag:s16] =	ssyncadd.s32 $0xFFFFF060  }
0x62: {  	[spmem:s3] =	stream.indirect.scatter.add.f32 [tilespmem:s21], [sflag:$0xA], $0x20, s19, s18, $0xb8;
	[tilespmem:$0x154A0] =	vst v63  }
0x63: {  	s19 =	sadd.s32 $0x5080, s7  }
0x64: {  	[spmem:s3] =	stream.indirect.scatter.add.f32 [tilespmem:s15], [sflag:$0xA], $0x20, s19, s18, $0xb8;
	[tilespmem:$0x154A0] =	vst v63  }
0x65: {  	_ =	swait.ge [sflag:s17], $0xFA0  }
0x66: {  	[sflag:s17] =	ssyncset.done $0x0  }
0x67: {  	[sflag:s17] =	ssyncadd.s32 $0xFFFFF060  }
0x68: {  	p0 =	seq.s32 s4, $0x9000;
	_ =	swait.ge [sflag:s17], $0xFA0  }
0x69: {  	s13 =	sshra.s32 @!p0 s4, $0x2;
	s14 =	simm.s32 @!p0 $0x7D;
	[sflag:s17] =	ssyncset.done $0x0  }
0x6a: {  	s21 =	simm.s32 @!p0 $0x7800;
	s19 =	sadd.s32 @!p0 $0x400, s13;
	[sflag:s17] =	ssyncadd.s32 $0xFFFFF060  }
0x6b: {  	[tilespmem:s21], [sflag:$0x1] =	stream.indirect.gather @!p0 [hbm4b:s5+s14], $0x20, s19, s14, $0xb8;
	[tilespmem:$0x154A0] =	vst v63  }
0x6c: {  	_ =	swait.ge [sflag:s20], $0xFA0  }
0x6d: {  	[sflag:s20] =	ssyncset.done $0x0  }
0x6e: {  	s21 =	sadd.s32 $0x2900, s7;
	[sflag:s20] =	ssyncadd.s32 $0xFFFFF060  }
0x6f: {  	[spmem:s3] =	stream.indirect.scatter.add.f32 [tilespmem:s23], [sflag:$0xB], $0x20, s21, s18, $0xb8;
	[tilespmem:$0x154A0] =	vst v63  }
0x70: {  	s21 =	sadd.s32 $0x5100, s7  }
0x71: {  	[spmem:s3] =	stream.indirect.scatter.add.f32 [tilespmem:s15], [sflag:$0xB], $0x20, s21, s18, $0xb8;
	[tilespmem:$0x154A0] =	vst v63  }
0x72: {  	_ =	swait.ge [sflag:s22], $0xFA0  }
0x73: {  	[sflag:s22] =	ssyncset.done $0x0  }
0x74: {  	[sflag:s22] =	ssyncadd.s32 $0xFFFFF060  }
0x75: {  	_ =	swait.ge [sflag:s22], $0xFA0  }
0x76: {  	[sflag:s22] =	ssyncset.done $0x0  }
0x77: {  	s19 =	sadd.s32 @!p0 $0x480, s13;
	s21 =	simm.s32 @!p0 $0x87A0;
	[sflag:s22] =	ssyncadd.s32 $0xFFFFF060  }
0x78: {  	[tilespmem:s21], [sflag:$0x2] =	stream.indirect.gather @!p0 [hbm4b:s5+s14], $0x20, s19, s14, $0xb8;
	[tilespmem:$0x154A0] =	vst v63  }
0x79: {  	_ =	swait.ge [sflag:s24], $0xFA0  }
0x7a: {  	[sflag:s24] =	ssyncset.done $0x0  }
0x7b: {  	s21 =	sadd.s32 $0x2980, s7;
	[sflag:s24] =	ssyncadd.s32 $0xFFFFF060  }
0x7c: {  	[spmem:s3] =	stream.indirect.scatter.add.f32 [tilespmem:s25], [sflag:$0xC], $0x20, s21, s18, $0xb8;
	[tilespmem:$0x154A0] =	vst v63  }
0x7d: {  	s21 =	sadd.s32 $0x5180, s7  }
0x7e: {  	[spmem:s3] =	stream.indirect.scatter.add.f32 [tilespmem:s15], [sflag:$0xC], $0x20, s21, s18, $0xb8;
	[tilespmem:$0x154A0] =	vst v63  }
0x7f: {  	_ =	swait.ge [sflag:s26], $0xFA0  }
0x80: {  	[sflag:s26] =	ssyncset.done $0x0  }
0x81: {  	[sflag:s26] =	ssyncadd.s32 $0xFFFFF060  }
0x82: {  	_ =	swait.ge [sflag:s26], $0xFA0  }
0x83: {  	[sflag:s26] =	ssyncset.done $0x0  }
0x84: {  	s19 =	sadd.s32 @!p0 $0x500, s13;
	s21 =	simm.s32 @!p0 $0x9740;
	[sflag:s26] =	ssyncadd.s32 $0xFFFFF060  }
0x85: {  	[tilespmem:s21], [sflag:$0x3] =	stream.indirect.gather @!p0 [hbm4b:s5+s14], $0x20, s19, s14, $0xb8;
	[tilespmem:$0x154A0] =	vst v63  }
0x86: {  	_ =	swait.ge [sflag:s29], $0xFA0  }
0x87: {  	[sflag:s29] =	ssyncset.done $0x0  }
0x88: {  	s21 =	sadd.s32 $0x2A00, s7;
	[sflag:s29] =	ssyncadd.s32 $0xFFFFF060  }
0x89: {  	[spmem:s3] =	stream.indirect.scatter.add.f32 [tilespmem:s28], [sflag:$0xD], $0x20, s21, s18, $0xb8;
	[tilespmem:$0x154A0] =	vst v63  }
0x8a: {  	s21 =	sadd.s32 $0x5200, s7  }
0x8b: {  	[spmem:s3] =	stream.indirect.scatter.add.f32 [tilespmem:s15], [sflag:$0xD], $0x20, s21, s18, $0xb8;
	[tilespmem:$0x154A0] =	vst v63  }
0x8c: {  	_ =	swait.ge [sflag:s31], $0xFA0  }
0x8d: {  	[sflag:s31] =	ssyncset.done $0x0  }
0x8e: {  	[sflag:s31] =	ssyncadd.s32 $0xFFFFF060  }
0x8f: {  	_ =	swait.ge [sflag:s31], $0xFA0  }
0x90: {  	[sflag:s31] =	ssyncset.done $0x0  }
0x91: {  	s19 =	sadd.s32 @!p0 $0x580, s13;
	s21 =	simm.s32 @!p0 $0xA6E0;
	[sflag:s31] =	ssyncadd.s32 $0xFFFFF060  }
0x92: {  	[tilespmem:s21], [sflag:$0x4] =	stream.indirect.gather @!p0 [hbm4b:s5+s14], $0x20, s19, s14, $0xb8;
	[tilespmem:$0x154A0] =	vst v63  }
0x93: {  	_ =	swait.ge [sflag:s6], $0xFA0  }
0x94: {  	[sflag:s6] =	ssyncset.done $0x0  }
0x95: {  	s21 =	sadd.s32 $0x2A80, s7;
	[sflag:s6] =	ssyncadd.s32 $0xFFFFF060  }
0x96: {  	[spmem:s3] =	stream.indirect.scatter.add.f32 [tilespmem:s30], [sflag:$0xE], $0x20, s21, s18, $0xb8;
	[tilespmem:$0x154A0] =	vst v63  }
0x97: {  	s21 =	sadd.s32 $0x5280, s7  }
0x98: {  	[spmem:s3] =	stream.indirect.scatter.add.f32 [tilespmem:s15], [sflag:$0xE], $0x20, s21, s18, $0xb8;
	[tilespmem:$0x154A0] =	vst v63  }
0x99: {  	_ =	swait.ge [sflag:s8], $0xFA0  }
0x9a: {  	[sflag:s8] =	ssyncset.done $0x0  }
0x9b: {  	[sflag:s8] =	ssyncadd.s32 $0xFFFFF060  }
0x9c: {  	_ =	swait.ge [sflag:s8], $0xFA0  }
0x9d: {  	[sflag:s8] =	ssyncset.done $0x0  }
0x9e: {  	s19 =	sadd.s32 @!p0 $0x600, s13;
	s21 =	simm.s32 @!p0 $0xB680;
	[sflag:s8] =	ssyncadd.s32 $0xFFFFF060  }
0x9f: {  	[tilespmem:s21], [sflag:$0x5] =	stream.indirect.gather @!p0 [hbm4b:s5+s14], $0x20, s19, s14, $0xb8;
	[tilespmem:$0x154A0] =	vst v63  }
0xa0: {  	_ =	swait.ge [sflag:s9], $0xFA0  }
0xa1: {  	[sflag:s9] =	ssyncset.done $0x0  }
0xa2: {  	s21 =	sadd.s32 $0x2B00, s7;
	[sflag:s9] =	ssyncadd.s32 $0xFFFFF060  }
0xa3: {  	[spmem:s3] =	stream.indirect.scatter.add.f32 [tilespmem:s1], [sflag:$0xF], $0x20, s21, s18, $0xb8;
	[tilespmem:$0x154A0] =	vst v63  }
0xa4: {  	s21 =	sadd.s32 $0x5300, s7  }
0xa5: {  	[spmem:s3] =	stream.indirect.scatter.add.f32 [tilespmem:s15], [sflag:$0xF], $0x20, s21, s18, $0xb8;
	[tilespmem:$0x154A0] =	vst v63  }
0xa6: {  	_ =	swait.ge [sflag:s10], $0xFA0  }
0xa7: {  	[sflag:s10] =	ssyncset.done $0x0  }
0xa8: {  	[sflag:s10] =	ssyncadd.s32 $0xFFFFF060  }
0xa9: {  	_ =	swait.ge [sflag:s10], $0xFA0  }
0xaa: {  	[sflag:s10] =	ssyncset.done $0x0  }
0xab: {  	s13 =	sadd.s32 @!p0 $0x680, s13;
	s19 =	simm.s32 @!p0 $0xC620;
	[sflag:s10] =	ssyncadd.s32 $0xFFFFF060  }
0xac: {  	[tilespmem:s19], [sflag:$0x6] =	stream.indirect.gather @!p0 [hbm4b:s5+s14], $0x20, s13, s14, $0xb8;
	[tilespmem:$0x154A0] =	vst v63  }
0xad: {  	_ =	swait.ge [sflag:s11], $0xFA0  }
0xae: {  	[sflag:s11] =	ssyncset.done $0x0  }
0xaf: {  	s19 =	sadd.s32 $0x2B80, s7;
	[sflag:s11] =	ssyncadd.s32 $0xFFFFF060  }
0xb0: {  	[spmem:s3] =	stream.indirect.scatter.add.f32 [tilespmem:s2], [sflag:$0x10], $0x20, s19, s18, $0xb8;
	[tilespmem:$0x154A0] =	vst v63  }
0xb1: {  	s21 =	sadd.s32 $0x5380, s7  }
0xb2: {  	[spmem:s3] =	stream.indirect.scatter.add.f32 [tilespmem:s15], [sflag:$0x10], $0x20, s21, s18, $0xb8;
	[tilespmem:$0x154A0] =	vst v63  }
0xb3: {  	_ =	swait.ge [sflag:s12], $0xFA0  }
.Ltmp2:
0xb4: {  	[sflag:s12] =	ssyncset.done $0x0;
	(pc) =	sbr.rel @p0 .LBB2_4-.Ltmp2, $4  }
0xb5: {  	[sflag:s12] =	ssyncadd.s32 $0xFFFFF060  }
0xb6: {  	_ =	swait.ge [sflag:s12], $0xFA0  }
0xb7: {  	[sflag:s12] =	ssyncset.done $0x0  }
0xb8: {  	[sflag:s12] =	ssyncadd.s32 $0xFFFFF060  }
.Ltmp3:
0xb9: {  	(pc) =	sbr.rel .LBB2_2-.Ltmp3, $3  }
0xba: {  	_ =	sdelay $0x1  }
0xbb: {  	s7 =	sadd.s32 $0x700, s7;
	s4 =	sadd.s32 $0x1000, s4  }
0xbc: {  	[tilespmem:s1], [sflag:$0x7] =	stream.indirect.gather [hbm4b:s5+s18], $0x20, s7, s18, $0xb8;
	[tilespmem:$0x154A0] =	vst v63  }
.LBB2_5:
0xbd: {  	_ =	sfence.sel $0x180000  }
0xbe: {  	[bflag:$0x0] =	sbarrier.arrive $0xFFFF  }
0xbf: {  	_ =	strace $0x90000047  }
0xc0: {  	s0 =	stileid.u32;
	[bflag:$0x2] =	sbarrier.arrive $0xFFFF  }
0xc1: {  	p0 =	sne.s32 s0, $0x0;
	s0 =	rddreg [dreg:$0x3]  }
0xc2: {  	s0 =	sadd.s32 @!p0 $0x100000, s0  }
0xc3: {  	[sflag:s0] =	ssyncadd.tile.s32 @!p0 $0x1;
	_ =	shalt  }
.Lfunc_end2:
_tile_overlayer_lowered:
.L_overlay_start_2:
0xc4: {  	(tag) =	ssettag $0x2  }
0xc5: {  	s0 =	rddreg [dreg:$0x0];
	s2 =	stileid.u32  }
0xc6: {  	s1 =	rddreg [dreg:$0x1];
	p0 =	sne.s32 s2, $0x0  }
0xc7: {  	s3 =	rddreg [dreg:$0x2];
	[bflag:$0x3] =	sbarrier.arrive $0xFFFF;
	s2 =	simm.s32 @!p0 $0x1C11  }
0xc8: {  	[timem:s3], [sflag:s2] =	dma.local @!p0 [hbm:s0], s1  }
0xc9: {  	s0 =	simm.s32 @!p0 $0x11  }
0xca: {  	_ =	swait.ge @!p0 [sflag:s0], s1  }
0xcb: {  	s1 =	ssub.s32 @!p0 $0x0, s1;
	[sflag:s0] =	ssyncset.done @!p0 $0x0  }
0xcc: {  	[sflag:s0] =	ssyncadd.s32 @!p0 s1  }
0xcd: {  	[bflag:$0x3] =	sbarrier.arrive $0xFFFF  }
0xce: {  	_ =	shalt  }

</sc_bundles>
